<compile_context>
chip_gen: v7x
topology: tpu7x:2x2x1
jax: 0.10.2.dev20260603
libtpu: 0.0.44.dev20260713+nightly
codegen_flags: <defaults>
</compile_context>

<pallas_src>
import functools

import jax
import jax.numpy as jnp
from jax import lax
from jax.experimental import pallas as pl
from jax.experimental.pallas import tpu as pltpu
from jax.experimental.pallas import tpu_sc as plsc

_EPS = 1e-7
_LANES = 16


def _sc_scores_kernel(idx_hbm, w_hbm, out_hbm, inv_hbm, idx_v, sc_v, wtab_v,
                      etab_v, inv_v, *,
                      n_cores, samples_per_worker, seq_len, vocab, nlex):
    chunk = samples_per_worker * seq_len
    n_groups = samples_per_worker // _LANES

    wid = lax.axis_index("s") * n_cores + lax.axis_index("c")
    base = wid * chunk

    pltpu.sync_copy(idx_hbm.at[pl.ds(base, chunk)], idx_v)
    pltpu.sync_copy(w_hbm, wtab_v)

    lanes = lax.broadcasted_iota(jnp.int32, (_LANES,), 0)

    for i in range(vocab // _LANES):
        flat = (lanes + i * _LANES) * nlex
        s = plsc.load_gather(wtab_v, [flat])
        for n in range(1, nlex):
            s = s + plsc.load_gather(wtab_v, [flat + n])
        e2 = jnp.exp(-2.0 * jnp.abs(s))
        th = (1.0 - e2) / (1.0 + e2)
        th = jnp.where(s < 0.0, -th, th)
        etab_v[pl.ds(i * _LANES, _LANES)] = jnp.exp(th)

    unroll = 8
    for g in range(n_groups):
        sbase = (lanes + g * _LANES) * seq_len

        def body(j, acc, sbase=sbase, g=g):
            l0 = j * unroll
            for u in range(unroll):
                iv = plsc.load_gather(idx_v, [sbase + (l0 + u)])
                ev = plsc.load_gather(etab_v, [iv])
                sc_v[pl.ds((l0 + u) * samples_per_worker + g * _LANES,
                           _LANES)] = ev
                acc = acc + ev
            return acc

        acc = lax.fori_loop(0, seq_len // unroll, body,
                            jnp.zeros((_LANES,), jnp.float32))
        inv_v[pl.ds(g * _LANES, _LANES)] = 1.0 / (acc + _EPS)

    pltpu.sync_copy(sc_v, out_hbm.at[pl.ds(base, chunk)])
    pltpu.sync_copy(inv_v, inv_hbm.at[pl.ds(wid * samples_per_worker,
                                            samples_per_worker)])


def _tc_pool_kernel(a_ref, i_ref, x_ref, o_ref):
    av = a_ref[0]
    xv = x_ref[...]
    s = jnp.sum(xv * jnp.broadcast_to(av, xv.shape), axis=0)
    o_ref[...] = s * jnp.broadcast_to(i_ref[0], s.shape)


def kernel(lex_indices, x, W):
    B, L = lex_indices.shape
    _, _, D = x.shape
    V, NLEX = W.shape

    info = plsc.get_sparse_core_info()
    nc, ns = info.num_cores, info.num_subcores
    nw = nc * ns
    spw = B // nw
    chunk = spw * L

    mesh = plsc.VectorSubcoreMesh(core_axis_name="c", subcore_axis_name="s")
    sc_scores = pl.kernel(
        functools.partial(
            _sc_scores_kernel,
            n_cores=nc, samples_per_worker=spw,
            seq_len=L, vocab=V, nlex=NLEX),
        out_type=(jax.ShapeDtypeStruct((B * L,), jnp.float32),
                  jax.ShapeDtypeStruct((B,), jnp.float32)),
        mesh=mesh,
        compiler_params=pltpu.CompilerParams(needs_layout_passes=False),
        scratch_types=[
            pltpu.VMEM((chunk,), jnp.int32),
            pltpu.VMEM((chunk,), jnp.float32),
            pltpu.VMEM((V * NLEX,), jnp.float32),
            pltpu.VMEM((V,), jnp.float32),
            pltpu.VMEM((spw,), jnp.float32),
        ],
    )
    a, inv = sc_scores(lex_indices.reshape(B * L), W.reshape(V * NLEX))

    BW = spw
    a4 = a.reshape(nw, L, 1, BW)
    inv3 = inv.reshape(nw, 1, BW)
    xt = x.transpose(1, 2, 0)
    out_t = pl.pallas_call(
        _tc_pool_kernel,
        grid=(nw,),
        in_specs=[
            pl.BlockSpec((1, L, 1, BW), lambda i: (i, 0, 0, 0)),
            pl.BlockSpec((1, 1, BW), lambda i: (i, 0, 0)),
            pl.BlockSpec((L, D, BW), lambda i: (0, 0, i)),
        ],
        out_specs=pl.BlockSpec((D, BW), lambda i: (0, i)),
        out_shape=jax.ShapeDtypeStruct((D, B), jnp.float32),
    )(a4, inv3, xt)
    return out_t.T

# --- scband reference (transcript-rebuilt; emitter-appended) ---
"""Pipeline reference for scband-lba-25099788878209 (READ-ONLY COPY).

The authoritative reference and input builder live on the scoring server;
editing this copy changes nothing except your own understanding.
"""

import jax, jax.numpy as jnp
import numpy as np

B, L, D = 4096, 200, 64
V, NLEX = 512, 4
EPS = 1e-7  # K.epsilon()


def setup_inputs(seed: int = 0) -> dict:
    key = jax.random.key(seed)
    k1, k2, k3 = jax.random.split(key, 3)
    lex_indices = jax.random.randint(k1, (B, L), 0, V, dtype=jnp.int32)
    x = jax.random.normal(k2, (B, L, D), dtype=jnp.float32)
    # learned attention weight W, same shape as the lexicon array
    W = jax.random.normal(k3, (V, NLEX), dtype=jnp.float32) * 0.1
    return {"lex_indices": lex_indices, "x": x, "W": W}


def reference(lex_indices, x, W):
    # gather per-token lexicon score rows: (B, L, NLEX)
    lex_scores = jnp.take(W, lex_indices, axis=0)
    # sum lexicon channels -> (B, L)
    lex_scores = jnp.sum(lex_scores, axis=-1)
    # bounded positive attention logits
    lex_scores = jnp.exp(jnp.tanh(lex_scores))
    # normalize over the time dimension
    lex_scores = lex_scores / (jnp.sum(lex_scores, axis=1, keepdims=True) + EPS)
    # (B, L, 1)
    lex_scores = lex_scores[..., None]
    # weighted sum over steps -> (B, D)
    weighted_input = x * lex_scores
    return jnp.sum(weighted_input, axis=1)

if __name__ == "__main__":
    import jax
    _d = setup_inputs()
    print(jax.jit(kernel)(*tuple(_d.values())))

</pallas_src>

<mosaic_0001>
#map = affine_map<(d0, d1) -> (0)>
module attributes {stable_mosaic.version = 14 : i64} {
  func.func @_sc_scores_kernel(%arg0: i32, %arg1: i32, %arg2: memref<819200xi32, #tpu.memory_space<hbm>>, %arg3: memref<2048xf32, #tpu.memory_space<hbm>>, %arg4: memref<819200xf32, #tpu.memory_space<hbm>>, %arg5: memref<4096xf32, #tpu.memory_space<hbm>>, %arg6: memref<25600xi32, #tpu.memory_space<vmem>>, %arg7: memref<25600xf32, #tpu.memory_space<vmem>>, %arg8: memref<2048xf32, #tpu.memory_space<vmem>>, %arg9: memref<512xf32, #tpu.memory_space<vmem>>, %arg10: memref<128xf32, #tpu.memory_space<vmem>>) attributes {dimension_semantics = [#tpu.dimension_semantics<core_parallel>, #tpu.dimension_semantics<subcore_parallel>], iteration_bounds = array<i64: 2, 16>, scalar_prefetch = 0 : i64, scratch_operands = 5 : i64, tpu.core_type = #tpu.core_type<sc_vector_subcore>, window_params = [{transform_indices = #map}, {transform_indices = #map}, {transform_indices = #map}, {transform_indices = #map}]} {
    %mul3A = arith.constant 2 : i32
    %mul3A_0 = arith.muli %arg1, %mul3A : i32
    %add3A = arith.addi %mul3A_0, %arg0 : i32
    %mul3A_1 = arith.constant 25600 : i32
    %mul3A_2 = arith.muli %add3A, %mul3A_1 : i32
    "tpu.region"() ({
      %run_scoped3A = tpu.sem_alloc : memref<!tpu.dma_semaphore, #tpu.memory_space<semaphore_mem>>
      %dma_start3A = tpu.memref_slice %arg2[%mul3A_2] : memref<819200xi32, #tpu.memory_space<hbm>> -> memref<25600xi32, #tpu.memory_space<hbm>>
      %dma_start3A_1578 = tpu.memref_slice %arg2[%mul3A_2] : memref<819200xi32, #tpu.memory_space<hbm>> -> memref<25600xi32, #tpu.memory_space<hbm>>
      tpu.enqueue_dma source(%dma_start3A_1578 : memref<25600xi32, #tpu.memory_space<hbm>>) target(%arg6 : memref<25600xi32, #tpu.memory_space<vmem>>) target_semaphore(%run_scoped3A : memref<!tpu.dma_semaphore, #tpu.memory_space<semaphore_mem>>)
      %dma_wait3A = tpu.memref_slice %arg2[%mul3A_2] : memref<819200xi32, #tpu.memory_space<hbm>> -> memref<25600xi32, #tpu.memory_space<hbm>>
      %dma_wait3A_1579 = tpu.memref_slice %arg2[%mul3A_2] : memref<819200xi32, #tpu.memory_space<hbm>> -> memref<25600xi32, #tpu.memory_space<hbm>>
      tpu.wait_dma2 semaphore(%run_scoped3A : memref<!tpu.dma_semaphore, #tpu.memory_space<semaphore_mem>>) src(%dma_wait3A_1579 : memref<25600xi32, #tpu.memory_space<hbm>>) dst(%arg6 : memref<25600xi32, #tpu.memory_space<vmem>>)
      tpu.yield
    }) : () -> ()
    "tpu.region"() ({
      %run_scoped3A = tpu.sem_alloc : memref<!tpu.dma_semaphore, #tpu.memory_space<semaphore_mem>>
      tpu.enqueue_dma source(%arg3 : memref<2048xf32, #tpu.memory_space<hbm>>) target(%arg8 : memref<2048xf32, #tpu.memory_space<vmem>>) target_semaphore(%run_scoped3A : memref<!tpu.dma_semaphore, #tpu.memory_space<semaphore_mem>>)
      tpu.wait_dma2 semaphore(%run_scoped3A : memref<!tpu.dma_semaphore, #tpu.memory_space<semaphore_mem>>) src(%arg3 : memref<2048xf32, #tpu.memory_space<hbm>>) dst(%arg8 : memref<2048xf32, #tpu.memory_space<vmem>>)
      tpu.yield
    }) : () -> ()
    %iota3A = tpu.iota {dimensions = array<i32: 0>} : vector<16xi32>
    %add3A_3 = arith.constant 0 : i32
    %add3A_4 = vector.broadcast %add3A_3 : i32 to vector<16xi32>
    %add3A_5 = arith.addi %iota3A, %add3A_4 : vector<16xi32>
    %mul3A_6 = arith.constant 4 : i32
    %mul3A_7 = vector.broadcast %mul3A_6 : i32 to vector<16xi32>
    %mul3A_8 = arith.muli %add3A_5, %mul3A_7 : vector<16xi32>
    %gather3A = tpu.vector_load_idx %arg8[%mul3A_8] : memref<2048xf32, #tpu.memory_space<vmem>>[vector<16xi32>], vector<16xf32>,
    %add3A_9 = arith.constant 1 : i32
    %add3A_10 = vector.broadcast %add3A_9 : i32 to vector<16xi32>
    %add3A_11 = arith.addi %mul3A_8, %add3A_10 : vector<16xi32>
    %gather3A_12 = tpu.vector_load_idx %arg8[%add3A_11] : memref<2048xf32, #tpu.memory_space<vmem>>[vector<16xi32>], vector<16xf32>,
    %add3A_13 = arith.addf %gather3A, %gather3A_12 : vector<16xf32>
    %add3A_14 = arith.constant 2 : i32
    %add3A_15 = vector.broadcast %add3A_14 : i32 to vector<16xi32>
    %add3A_16 = arith.addi %mul3A_8, %add3A_15 : vector<16xi32>
    %gather3A_17 = tpu.vector_load_idx %arg8[%add3A_16] : memref<2048xf32, #tpu.memory_space<vmem>>[vector<16xi32>], vector<16xf32>,
    %add3A_18 = arith.addf %add3A_13, %gather3A_17 : vector<16xf32>
    %add3A_19 = arith.constant 3 : i32
    %add3A_20 = vector.broadcast %add3A_19 : i32 to vector<16xi32>
    %add3A_21 = arith.addi %mul3A_8, %add3A_20 : vector<16xi32>
    %gather3A_22 = tpu.vector_load_idx %arg8[%add3A_21] : memref<2048xf32, #tpu.memory_space<vmem>>[vector<16xi32>], vector<16xf32>,
    %add3A_23 = arith.addf %add3A_18, %gather3A_22 : vector<16xf32>
    %abs3A = math.absf %add3A_23 : vector<16xf32>
    %mul3A_24 = arith.constant -2.000000e+00 : f32
    %mul3A_25 = vector.broadcast %mul3A_24 : f32 to vector<16xf32>
    %mul3A_26 = arith.mulf %mul3A_25, %abs3A : vector<16xf32>
    %exp3A = math.exp %mul3A_26 : vector<16xf32>
    %sub3A = arith.constant 1.000000e+00 : f32
    %sub3A_27 = vector.broadcast %sub3A : f32 to vector<16xf32>
    %sub3A_28 = arith.subf %sub3A_27, %exp3A : vector<16xf32>
    %add3A_29 = arith.constant 1.000000e+00 : f32
    %add3A_30 = vector.broadcast %add3A_29 : f32 to vector<16xf32>
    %add3A_31 = arith.addf %add3A_30, %exp3A : vector<16xf32>
    %div3A = arith.divf %sub3A_28, %add3A_31 : vector<16xf32>
    %lt3A = arith.constant 0.000000e+00 : f32
    %lt3A_32 = vector.broadcast %lt3A : f32 to vector<16xf32>
    %lt3A_33 = arith.cmpf olt, %add3A_23, %lt3A_32 : vector<16xf32>
    %neg3A = arith.constant 0.000000e+00 : f32
    %neg3A_34 = vector.broadcast %neg3A : f32 to vector<16xf32>
    %neg3A_35 = arith.subf %neg3A_34, %div3A : vector<16xf32>
    %select_n3A = arith.select %lt3A_33, %neg3A_35, %div3A : vector<16xi1>, vector<16xf32>
    %exp3A_36 = math.exp %select_n3A : vector<16xf32>
    %swap3A = arith.constant 0 : index
    %swap3A_37 = tpu.vector_load %arg9[%swap3A] {strides = array<i32>} : memref<512xf32, #tpu.memory_space<vmem>>, vector<16xf32>,
    tpu.vector_store %arg9[%swap3A], %exp3A_36 {strides = array<i32>} : memref<512xf32, #tpu.memory_space<vmem>>, vector<16xf32>,
    %add3A_38 = arith.constant 16 : i32
    %add3A_39 = vector.broadcast %add3A_38 : i32 to vector<16xi32>
    %add3A_40 = arith.addi %iota3A, %add3A_39 : vector<16xi32>
    %mul3A_41 = arith.constant 4 : i32
    %mul3A_42 = vector.broadcast %mul3A_41 : i32 to vector<16xi32>
    %mul3A_43 = arith.muli %add3A_40, %mul3A_42 : vector<16xi32>
    %gather3A_44 = tpu.vector_load_idx %arg8[%mul3A_43] : memref<2048xf32, #tpu.memory_space<vmem>>[vector<16xi32>], vector<16xf32>,
    %add3A_45 = arith.constant 1 : i32
    %add3A_46 = vector.broadcast %add3A_45 : i32 to vector<16xi32>
    %add3A_47 = arith.addi %mul3A_43, %add3A_46 : vector<16xi32>
    %gather3A_48 = tpu.vector_load_idx %arg8[%add3A_47] : memref<2048xf32, #tpu.memory_space<vmem>>[vector<16xi32>], vector<16xf32>,
    %add3A_49 = arith.addf %gather3A_44, %gather3A_48 : vector<16xf32>
    %add3A_50 = arith.constant 2 : i32
    %add3A_51 = vector.broadcast %add3A_50 : i32 to vector<16xi32>
    %add3A_52 = arith.addi %mul3A_43, %add3A_51 : vector<16xi32>
    %gather3A_53 = tpu.vector_load_idx %arg8[%add3A_52] : memref<2048xf32, #tpu.memory_space<vmem>>[vector<16xi32>], vector<16xf32>,
    %add3A_54 = arith.addf %add3A_49, %gather3A_53 : vector<16xf32>
    %add3A_55 = arith.constant 3 : i32
    %add3A_56 = vector.broadcast %add3A_55 : i32 to vector<16xi32>
    %add3A_57 = arith.addi %mul3A_43, %add3A_56 : vector<16xi32>
    %gather3A_58 = tpu.vector_load_idx %arg8[%add3A_57] : memref<2048xf32, #tpu.memory_space<vmem>>[vector<16xi32>], vector<16xf32>,
    %add3A_59 = arith.addf %add3A_54, %gather3A_58 : vector<16xf32>
    %abs3A_60 = math.absf %add3A_59 : vector<16xf32>
    %mul3A_61 = arith.constant -2.000000e+00 : f32
    %mul3A_62 = vector.broadcast %mul3A_61 : f32 to vector<16xf32>
    %mul3A_63 = arith.mulf %mul3A_62, %abs3A_60 : vector<16xf32>
    %exp3A_64 = math.exp %mul3A_63 : vector<16xf32>
    %sub3A_65 = arith.constant 1.000000e+00 : f32
    %sub3A_66 = vector.broadcast %sub3A_65 : f32 to vector<16xf32>
    %sub3A_67 = arith.subf %sub3A_66, %exp3A_64 : vector<16xf32>
    %add3A_68 = arith.constant 1.000000e+00 : f32
    %add3A_69 = vector.broadcast %add3A_68 : f32 to vector<16xf32>
    %add3A_70 = arith.addf %add3A_69, %exp3A_64 : vector<16xf32>
    %div3A_71 = arith.divf %sub3A_67, %add3A_70 : vector<16xf32>
    %lt3A_72 = arith.constant 0.000000e+00 : f32
    %lt3A_73 = vector.broadcast %lt3A_72 : f32 to vector<16xf32>
    %lt3A_74 = arith.cmpf olt, %add3A_59, %lt3A_73 : vector<16xf32>
    %neg3A_75 = arith.constant 0.000000e+00 : f32
    %neg3A_76 = vector.broadcast %neg3A_75 : f32 to vector<16xf32>
    %neg3A_77 = arith.subf %neg3A_76, %div3A_71 : vector<16xf32>
    %select_n3A_78 = arith.select %lt3A_74, %neg3A_77, %div3A_71 : vector<16xi1>, vector<16xf32>
    %exp3A_79 = math.exp %select_n3A_78 : vector<16xf32>
    %swap3A_80 = arith.constant 16 : index
    %swap3A_81 = tpu.vector_load %arg9[%swap3A_80] {strides = array<i32>} : memref<512xf32, #tpu.memory_space<vmem>>, vector<16xf32>,
    tpu.vector_store %arg9[%swap3A_80], %exp3A_79 {strides = array<i32>} : memref<512xf32, #tpu.memory_space<vmem>>, vector<16xf32>,
    %add3A_82 = arith.constant 32 : i32
    %add3A_83 = vector.broadcast %add3A_82 : i32 to vector<16xi32>
    %add3A_84 = arith.addi %iota3A, %add3A_83 : vector<16xi32>
    %mul3A_85 = arith.constant 4 : i32
    %mul3A_86 = vector.broadcast %mul3A_85 : i32 to vector<16xi32>
    %mul3A_87 = arith.muli %add3A_84, %mul3A_86 : vector<16xi32>
    %gather3A_88 = tpu.vector_load_idx %arg8[%mul3A_87] : memref<2048xf32, #tpu.memory_space<vmem>>[vector<16xi32>], vector<16xf32>,
    %add3A_89 = arith.constant 1 : i32
    %add3A_90 = vector.broadcast %add3A_89 : i32 to vector<16xi32>
    %add3A_91 = arith.addi %mul3A_87, %add3A_90 : vector<16xi32>
    %gather3A_92 = tpu.vector_load_idx %arg8[%add3A_91] : memref<2048xf32, #tpu.memory_space<vmem>>[vector<16xi32>], vector<16xf32>,
    %add3A_93 = arith.addf %gather3A_88, %gather3A_92 : vector<16xf32>
    %add3A_94 = arith.constant 2 : i32
    %add3A_95 = vector.broadcast %add3A_94 : i32 to vector<16xi32>
    %add3A_96 = arith.addi %mul3A_87, %add3A_95 : vector<16xi32>
    %gather3A_97 = tpu.vector_load_idx %arg8[%add3A_96] : memref<2048xf32, #tpu.memory_space<vmem>>[vector<16xi32>], vector<16xf32>,
    %add3A_98 = arith.addf %add3A_93, %gather3A_97 : vector<16xf32>
    %add3A_99 = arith.constant 3 : i32
    %add3A_100 = vector.broadcast %add3A_99 : i32 to vector<16xi32>
    %add3A_101 = arith.addi %mul3A_87, %add3A_100 : vector<16xi32>
    %gather3A_102 = tpu.vector_load_idx %arg8[%add3A_101] : memref<2048xf32, #tpu.memory_space<vmem>>[vector<16xi32>], vector<16xf32>,
    %add3A_103 = arith.addf %add3A_98, %gather3A_102 : vector<16xf32>
    %abs3A_104 = math.absf %add3A_103 : vector<16xf32>
    %mul3A_105 = arith.constant -2.000000e+00 : f32
    %mul3A_106 = vector.broadcast %mul3A_105 : f32 to vector<16xf32>
    %mul3A_107 = arith.mulf %mul3A_106, %abs3A_104 : vector<16xf32>
    %exp3A_108 = math.exp %mul3A_107 : vector<16xf32>
    %sub3A_109 = arith.constant 1.000000e+00 : f32
    %sub3A_110 = vector.broadcast %sub3A_109 : f32 to vector<16xf32>
    %sub3A_111 = arith.subf %sub3A_110, %exp3A_108 : vector<16xf32>
    %add3A_112 = arith.constant 1.000000e+00 : f32
    %add3A_113 = vector.broadcast %add3A_112 : f32 to vector<16xf32>
    %add3A_114 = arith.addf %add3A_113, %exp3A_108 : vector<16xf32>
    %div3A_115 = arith.divf %sub3A_111, %add3A_114 : vector<16xf32>
    %lt3A_116 = arith.constant 0.000000e+00 : f32
    %lt3A_117 = vector.broadcast %lt3A_116 : f32 to vector<16xf32>
    %lt3A_118 = arith.cmpf olt, %add3A_103, %lt3A_117 : vector<16xf32>
    %neg3A_119 = arith.constant 0.000000e+00 : f32
    %neg3A_120 = vector.broadcast %neg3A_119 : f32 to vector<16xf32>
    %neg3A_121 = arith.subf %neg3A_120, %div3A_115 : vector<16xf32>
    %select_n3A_122 = arith.select %lt3A_118, %neg3A_121, %div3A_115 : vector<16xi1>, vector<16xf32>
    %exp3A_123 = math.exp %select_n3A_122 : vector<16xf32>
    %swap3A_124 = arith.constant 32 : index
    %swap3A_125 = tpu.vector_load %arg9[%swap3A_124] {strides = array<i32>} : memref<512xf32, #tpu.memory_space<vmem>>, vector<16xf32>,
    tpu.vector_store %arg9[%swap3A_124], %exp3A_123 {strides = array<i32>} : memref<512xf32, #tpu.memory_space<vmem>>, vector<16xf32>,
    %add3A_126 = arith.constant 48 : i32
    %add3A_127 = vector.broadcast %add3A_126 : i32 to vector<16xi32>
    %add3A_128 = arith.addi %iota3A, %add3A_127 : vector<16xi32>
    %mul3A_129 = arith.constant 4 : i32
    %mul3A_130 = vector.broadcast %mul3A_129 : i32 to vector<16xi32>
    %mul3A_131 = arith.muli %add3A_128, %mul3A_130 : vector<16xi32>
    %gather3A_132 = tpu.vector_load_idx %arg8[%mul3A_131] : memref<2048xf32, #tpu.memory_space<vmem>>[vector<16xi32>], vector<16xf32>,
    %add3A_133 = arith.constant 1 : i32
    %add3A_134 = vector.broadcast %add3A_133 : i32 to vector<16xi32>
    %add3A_135 = arith.addi %mul3A_131, %add3A_134 : vector<16xi32>
    %gather3A_136 = tpu.vector_load_idx %arg8[%add3A_135] : memref<2048xf32, #tpu.memory_space<vmem>>[vector<16xi32>], vector<16xf32>,
    %add3A_137 = arith.addf %gather3A_132, %gather3A_136 : vector<16xf32>
    %add3A_138 = arith.constant 2 : i32
    %add3A_139 = vector.broadcast %add3A_138 : i32 to vector<16xi32>
    %add3A_140 = arith.addi %mul3A_131, %add3A_139 : vector<16xi32>
    %gather3A_141 = tpu.vector_load_idx %arg8[%add3A_140] : memref<2048xf32, #tpu.memory_space<vmem>>[vector<16xi32>], vector<16xf32>,
    %add3A_142 = arith.addf %add3A_137, %gather3A_141 : vector<16xf32>
    %add3A_143 = arith.constant 3 : i32
    %add3A_144 = vector.broadcast %add3A_143 : i32 to vector<16xi32>
    %add3A_145 = arith.addi %mul3A_131, %add3A_144 : vector<16xi32>
    %gather3A_146 = tpu.vector_load_idx %arg8[%add3A_145] : memref<2048xf32, #tpu.memory_space<vmem>>[vector<16xi32>], vector<16xf32>,
    %add3A_147 = arith.addf %add3A_142, %gather3A_146 : vector<16xf32>
    %abs3A_148 = math.absf %add3A_147 : vector<16xf32>
    %mul3A_149 = arith.constant -2.000000e+00 : f32
    %mul3A_150 = vector.broadcast %mul3A_149 : f32 to vector<16xf32>
    %mul3A_151 = arith.mulf %mul3A_150, %abs3A_148 : vector<16xf32>
    %exp3A_152 = math.exp %mul3A_151 : vector<16xf32>
    %sub3A_153 = arith.constant 1.000000e+00 : f32
    %sub3A_154 = vector.broadcast %sub3A_153 : f32 to vector<16xf32>
    %sub3A_155 = arith.subf %sub3A_154, %exp3A_152 : vector<16xf32>
    %add3A_156 = arith.constant 1.000000e+00 : f32
    %add3A_157 = vector.broadcast %add3A_156 : f32 to vector<16xf32>
    %add3A_158 = arith.addf %add3A_157, %exp3A_152 : vector<16xf32>
    %div3A_159 = arith.divf %sub3A_155, %add3A_158 : vector<16xf32>
    %lt3A_160 = arith.constant 0.000000e+00 : f32
    %lt3A_161 = vector.broadcast %lt3A_160 : f32 to vector<16xf32>
    %lt3A_162 = arith.cmpf olt, %add3A_147, %lt3A_161 : vector<16xf32>
    %neg3A_163 = arith.constant 0.000000e+00 : f32
    %neg3A_164 = vector.broadcast %neg3A_163 : f32 to vector<16xf32>
    %neg3A_165 = arith.subf %neg3A_164, %div3A_159 : vector<16xf32>
    %select_n3A_166 = arith.select %lt3A_162, %neg3A_165, %div3A_159 : vector<16xi1>, vector<16xf32>
    %exp3A_167 = math.exp %select_n3A_166 : vector<16xf32>
    %swap3A_168 = arith.constant 48 : index
    %swap3A_169 = tpu.vector_load %arg9[%swap3A_168] {strides = array<i32>} : memref<512xf32, #tpu.memory_space<vmem>>, vector<16xf32>,
    tpu.vector_store %arg9[%swap3A_168], %exp3A_167 {strides = array<i32>} : memref<512xf32, #tpu.memory_space<vmem>>, vector<16xf32>,
    %add3A_170 = arith.constant 64 : i32
    %add3A_171 = vector.broadcast %add3A_170 : i32 to vector<16xi32>
    %add3A_172 = arith.addi %iota3A, %add3A_171 : vector<16xi32>
    %mul3A_173 = arith.constant 4 : i32
    %mul3A_174 = vector.broadcast %mul3A_173 : i32 to vector<16xi32>
    %mul3A_175 = arith.muli %add3A_172, %mul3A_174 : vector<16xi32>
    %gather3A_176 = tpu.vector_load_idx %arg8[%mul3A_175] : memref<2048xf32, #tpu.memory_space<vmem>>[vector<16xi32>], vector<16xf32>,
    %add3A_177 = arith.constant 1 : i32
    %add3A_178 = vector.broadcast %add3A_177 : i32 to vector<16xi32>
    %add3A_179 = arith.addi %mul3A_175, %add3A_178 : vector<16xi32>
    %gather3A_180 = tpu.vector_load_idx %arg8[%add3A_179] : memref<2048xf32, #tpu.memory_space<vmem>>[vector<16xi32>], vector<16xf32>,
    %add3A_181 = arith.addf %gather3A_176, %gather3A_180 : vector<16xf32>
    %add3A_182 = arith.constant 2 : i32
    %add3A_183 = vector.broadcast %add3A_182 : i32 to vector<16xi32>
    %add3A_184 = arith.addi %mul3A_175, %add3A_183 : vector<16xi32>
    %gather3A_185 = tpu.vector_load_idx %arg8[%add3A_184] : memref<2048xf32, #tpu.memory_space<vmem>>[vector<16xi32>], vector<16xf32>,
    %add3A_186 = arith.addf %add3A_181, %gather3A_185 : vector<16xf32>
    %add3A_187 = arith.constant 3 : i32
    %add3A_188 = vector.broadcast %add3A_187 : i32 to vector<16xi32>
    %add3A_189 = arith.addi %mul3A_175, %add3A_188 : vector<16xi32>
    %gather3A_190 = tpu.vector_load_idx %arg8[%add3A_189] : memref<2048xf32, #tpu.memory_space<vmem>>[vector<16xi32>], vector<16xf32>,
    %add3A_191 = arith.addf %add3A_186, %gather3A_190 : vector<16xf32>
    %abs3A_192 = math.absf %add3A_191 : vector<16xf32>
    %mul3A_193 = arith.constant -2.000000e+00 : f32
    %mul3A_194 = vector.broadcast %mul3A_193 : f32 to vector<16xf32>
    %mul3A_195 = arith.mulf %mul3A_194, %abs3A_192 : vector<16xf32>
    %exp3A_196 = math.exp %mul3A_195 : vector<16xf32>
    %sub3A_197 = arith.constant 1.000000e+00 : f32
    %sub3A_198 = vector.broadcast %sub3A_197 : f32 to vector<16xf32>
    %sub3A_199 = arith.subf %sub3A_198, %exp3A_196 : vector<16xf32>
    %add3A_200 = arith.constant 1.000000e+00 : f32
    %add3A_201 = vector.broadcast %add3A_200 : f32 to vector<16xf32>
    %add3A_202 = arith.addf %add3A_201, %exp3A_196 : vector<16xf32>
    %div3A_203 = arith.divf %sub3A_199, %add3A_202 : vector<16xf32>
    %lt3A_204 = arith.constant 0.000000e+00 : f32
    %lt3A_205 = vector.broadcast %lt3A_204 : f32 to vector<16xf32>
    %lt3A_206 = arith.cmpf olt, %add3A_191, %lt3A_205 : vector<16xf32>
    %neg3A_207 = arith.constant 0.000000e+00 : f32
    %neg3A_208 = vector.broadcast %neg3A_207 : f32 to vector<16xf32>
    %neg3A_209 = arith.subf %neg3A_208, %div3A_203 : vector<16xf32>
    %select_n3A_210 = arith.select %lt3A_206, %neg3A_209, %div3A_203 : vector<16xi1>, vector<16xf32>
    %exp3A_211 = math.exp %select_n3A_210 : vector<16xf32>
    %swap3A_212 = arith.constant 64 : index
    %swap3A_213 = tpu.vector_load %arg9[%swap3A_212] {strides = array<i32>} : memref<512xf32, #tpu.memory_space<vmem>>, vector<16xf32>,
    tpu.vector_store %arg9[%swap3A_212], %exp3A_211 {strides = array<i32>} : memref<512xf32, #tpu.memory_space<vmem>>, vector<16xf32>,
    %add3A_214 = arith.constant 80 : i32
    %add3A_215 = vector.broadcast %add3A_214 : i32 to vector<16xi32>
    %add3A_216 = arith.addi %iota3A, %add3A_215 : vector<16xi32>
    %mul3A_217 = arith.constant 4 : i32
    %mul3A_218 = vector.broadcast %mul3A_217 : i32 to vector<16xi32>
    %mul3A_219 = arith.muli %add3A_216, %mul3A_218 : vector<16xi32>
    %gather3A_220 = tpu.vector_load_idx %arg8[%mul3A_219] : memref<2048xf32, #tpu.memory_space<vmem>>[vector<16xi32>], vector<16xf32>,
    %add3A_221 = arith.constant 1 : i32
    %add3A_222 = vector.broadcast %add3A_221 : i32 to vector<16xi32>
    %add3A_223 = arith.addi %mul3A_219, %add3A_222 : vector<16xi32>
    %gather3A_224 = tpu.vector_load_idx %arg8[%add3A_223] : memref<2048xf32, #tpu.memory_space<vmem>>[vector<16xi32>], vector<16xf32>,
    %add3A_225 = arith.addf %gather3A_220, %gather3A_224 : vector<16xf32>
    %add3A_226 = arith.constant 2 : i32
    %add3A_227 = vector.broadcast %add3A_226 : i32 to vector<16xi32>
    %add3A_228 = arith.addi %mul3A_219, %add3A_227 : vector<16xi32>
    %gather3A_229 = tpu.vector_load_idx %arg8[%add3A_228] : memref<2048xf32, #tpu.memory_space<vmem>>[vector<16xi32>], vector<16xf32>,
    %add3A_230 = arith.addf %add3A_225, %gather3A_229 : vector<16xf32>
    %add3A_231 = arith.constant 3 : i32
    %add3A_232 = vector.broadcast %add3A_231 : i32 to vector<16xi32>
    %add3A_233 = arith.addi %mul3A_219, %add3A_232 : vector<16xi32>
    %gather3A_234 = tpu.vector_load_idx %arg8[%add3A_233] : memref<2048xf32, #tpu.memory_space<vmem>>[vector<16xi32>], vector<16xf32>,
    %add3A_235 = arith.addf %add3A_230, %gather3A_234 : vector<16xf32>
    %abs3A_236 = math.absf %add3A_235 : vector<16xf32>
    %mul3A_237 = arith.constant -2.000000e+00 : f32
    %mul3A_238 = vector.broadcast %mul3A_237 : f32 to vector<16xf32>
    %mul3A_239 = arith.mulf %mul3A_238, %abs3A_236 : vector<16xf32>
    %exp3A_240 = math.exp %mul3A_239 : vector<16xf32>
    %sub3A_241 = arith.constant 1.000000e+00 : f32
    %sub3A_242 = vector.broadcast %sub3A_241 : f32 to vector<16xf32>
    %sub3A_243 = arith.subf %sub3A_242, %exp3A_240 : vector<16xf32>
    %add3A_244 = arith.constant 1.000000e+00 : f32
    %add3A_245 = vector.broadcast %add3A_244 : f32 to vector<16xf32>
    %add3A_246 = arith.addf %add3A_245, %exp3A_240 : vector<16xf32>
    %div3A_247 = arith.divf %sub3A_243, %add3A_246 : vector<16xf32>
    %lt3A_248 = arith.constant 0.000000e+00 : f32
    %lt3A_249 = vector.broadcast %lt3A_248 : f32 to vector<16xf32>
    %lt3A_250 = arith.cmpf olt, %add3A_235, %lt3A_249 : vector<16xf32>
    %neg3A_251 = arith.constant 0.000000e+00 : f32
    %neg3A_252 = vector.broadcast %neg3A_251 : f32 to vector<16xf32>
    %neg3A_253 = arith.subf %neg3A_252, %div3A_247 : vector<16xf32>
    %select_n3A_254 = arith.select %lt3A_250, %neg3A_253, %div3A_247 : vector<16xi1>, vector<16xf32>
    %exp3A_255 = math.exp %select_n3A_254 : vector<16xf32>
    %swap3A_256 = arith.constant 80 : index
    %swap3A_257 = tpu.vector_load %arg9[%swap3A_256] {strides = array<i32>} : memref<512xf32, #tpu.memory_space<vmem>>, vector<16xf32>,
    tpu.vector_store %arg9[%swap3A_256], %exp3A_255 {strides = array<i32>} : memref<512xf32, #tpu.memory_space<vmem>>, vector<16xf32>,
    %add3A_258 = arith.constant 96 : i32
    %add3A_259 = vector.broadcast %add3A_258 : i32 to vector<16xi32>
    %add3A_260 = arith.addi %iota3A, %add3A_259 : vector<16xi32>
    %mul3A_261 = arith.constant 4 : i32
    %mul3A_262 = vector.broadcast %mul3A_261 : i32 to vector<16xi32>
    %mul3A_263 = arith.muli %add3A_260, %mul3A_262 : vector<16xi32>
    %gather3A_264 = tpu.vector_load_idx %arg8[%mul3A_263] : memref<2048xf32, #tpu.memory_space<vmem>>[vector<16xi32>], vector<16xf32>,
    %add3A_265 = arith.constant 1 : i32
    %add3A_266 = vector.broadcast %add3A_265 : i32 to vector<16xi32>
    %add3A_267 = arith.addi %mul3A_263, %add3A_266 : vector<16xi32>
    %gather3A_268 = tpu.vector_load_idx %arg8[%add3A_267] : memref<2048xf32, #tpu.memory_space<vmem>>[vector<16xi32>], vector<16xf32>,
    %add3A_269 = arith.addf %gather3A_264, %gather3A_268 : vector<16xf32>
    %add3A_270 = arith.constant 2 : i32
    %add3A_271 = vector.broadcast %add3A_270 : i32 to vector<16xi32>
    %add3A_272 = arith.addi %mul3A_263, %add3A_271 : vector<16xi32>
    %gather3A_273 = tpu.vector_load_idx %arg8[%add3A_272] : memref<2048xf32, #tpu.memory_space<vmem>>[vector<16xi32>], vector<16xf32>,
    %add3A_274 = arith.addf %add3A_269, %gather3A_273 : vector<16xf32>
    %add3A_275 = arith.constant 3 : i32
    %add3A_276 = vector.broadcast %add3A_275 : i32 to vector<16xi32>
    %add3A_277 = arith.addi %mul3A_263, %add3A_276 : vector<16xi32>
    %gather3A_278 = tpu.vector_load_idx %arg8[%add3A_277] : memref<2048xf32, #tpu.memory_space<vmem>>[vector<16xi32>], vector<16xf32>,
    %add3A_279 = arith.addf %add3A_274, %gather3A_278 : vector<16xf32>
    %abs3A_280 = math.absf %add3A_279 : vector<16xf32>
    %mul3A_281 = arith.constant -2.000000e+00 : f32
    %mul3A_282 = vector.broadcast %mul3A_281 : f32 to vector<16xf32>
    %mul3A_283 = arith.mulf %mul3A_282, %abs3A_280 : vector<16xf32>
    %exp3A_284 = math.exp %mul3A_283 : vector<16xf32>
    %sub3A_285 = arith.constant 1.000000e+00 : f32
    %sub3A_286 = vector.broadcast %sub3A_285 : f32 to vector<16xf32>
    %sub3A_287 = arith.subf %sub3A_286, %exp3A_284 : vector<16xf32>
    %add3A_288 = arith.constant 1.000000e+00 : f32
    %add3A_289 = vector.broadcast %add3A_288 : f32 to vector<16xf32>
    %add3A_290 = arith.addf %add3A_289, %exp3A_284 : vector<16xf32>
    %div3A_291 = arith.divf %sub3A_287, %add3A_290 : vector<16xf32>
    %lt3A_292 = arith.constant 0.000000e+00 : f32
    %lt3A_293 = vector.broadcast %lt3A_292 : f32 to vector<16xf32>
    %lt3A_294 = arith.cmpf olt, %add3A_279, %lt3A_293 : vector<16xf32>
    %neg3A_295 = arith.constant 0.000000e+00 : f32
    %neg3A_296 = vector.broadcast %neg3A_295 : f32 to vector<16xf32>
    %neg3A_297 = arith.subf %neg3A_296, %div3A_291 : vector<16xf32>
    %select_n3A_298 = arith.select %lt3A_294, %neg3A_297, %div3A_291 : vector<16xi1>, vector<16xf32>
    %exp3A_299 = math.exp %select_n3A_298 : vector<16xf32>
    %swap3A_300 = arith.constant 96 : index
    %swap3A_301 = tpu.vector_load %arg9[%swap3A_300] {strides = array<i32>} : memref<512xf32, #tpu.memory_space<vmem>>, vector<16xf32>,
    tpu.vector_store %arg9[%swap3A_300], %exp3A_299 {strides = array<i32>} : memref<512xf32, #tpu.memory_space<vmem>>, vector<16xf32>,
    %add3A_302 = arith.constant 112 : i32
    %add3A_303 = vector.broadcast %add3A_302 : i32 to vector<16xi32>
    %add3A_304 = arith.addi %iota3A, %add3A_303 : vector<16xi32>
    %mul3A_305 = arith.constant 4 : i32
    %mul3A_306 = vector.broadcast %mul3A_305 : i32 to vector<16xi32>
    %mul3A_307 = arith.muli %add3A_304, %mul3A_306 : vector<16xi32>
    %gather3A_308 = tpu.vector_load_idx %arg8[%mul3A_307] : memref<2048xf32, #tpu.memory_space<vmem>>[vector<16xi32>], vector<16xf32>,
    %add3A_309 = arith.constant 1 : i32
    %add3A_310 = vector.broadcast %add3A_309 : i32 to vector<16xi32>
    %add3A_311 = arith.addi %mul3A_307, %add3A_310 : vector<16xi32>
    %gather3A_312 = tpu.vector_load_idx %arg8[%add3A_311] : memref<2048xf32, #tpu.memory_space<vmem>>[vector<16xi32>], vector<16xf32>,
    %add3A_313 = arith.addf %gather3A_308, %gather3A_312 : vector<16xf32>
    %add3A_314 = arith.constant 2 : i32
    %add3A_315 = vector.broadcast %add3A_314 : i32 to vector<16xi32>
    %add3A_316 = arith.addi %mul3A_307, %add3A_315 : vector<16xi32>
    %gather3A_317 = tpu.vector_load_idx %arg8[%add3A_316] : memref<2048xf32, #tpu.memory_space<vmem>>[vector<16xi32>], vector<16xf32>,
    %add3A_318 = arith.addf %add3A_313, %gather3A_317 : vector<16xf32>
    %add3A_319 = arith.constant 3 : i32
    %add3A_320 = vector.broadcast %add3A_319 : i32 to vector<16xi32>
    %add3A_321 = arith.addi %mul3A_307, %add3A_320 : vector<16xi32>
    %gather3A_322 = tpu.vector_load_idx %arg8[%add3A_321] : memref<2048xf32, #tpu.memory_space<vmem>>[vector<16xi32>], vector<16xf32>,
    %add3A_323 = arith.addf %add3A_318, %gather3A_322 : vector<16xf32>
    %abs3A_324 = math.absf %add3A_323 : vector<16xf32>
    %mul3A_325 = arith.constant -2.000000e+00 : f32
    %mul3A_326 = vector.broadcast %mul3A_325 : f32 to vector<16xf32>
    %mul3A_327 = arith.mulf %mul3A_326, %abs3A_324 : vector<16xf32>
    %exp3A_328 = math.exp %mul3A_327 : vector<16xf32>
    %sub3A_329 = arith.constant 1.000000e+00 : f32
    %sub3A_330 = vector.broadcast %sub3A_329 : f32 to vector<16xf32>
    %sub3A_331 = arith.subf %sub3A_330, %exp3A_328 : vector<16xf32>
    %add3A_332 = arith.constant 1.000000e+00 : f32
    %add3A_333 = vector.broadcast %add3A_332 : f32 to vector<16xf32>
    %add3A_334 = arith.addf %add3A_333, %exp3A_328 : vector<16xf32>
    %div3A_335 = arith.divf %sub3A_331, %add3A_334 : vector<16xf32>
    %lt3A_336 = arith.constant 0.000000e+00 : f32
    %lt3A_337 = vector.broadcast %lt3A_336 : f32 to vector<16xf32>
    %lt3A_338 = arith.cmpf olt, %add3A_323, %lt3A_337 : vector<16xf32>
    %neg3A_339 = arith.constant 0.000000e+00 : f32
    %neg3A_340 = vector.broadcast %neg3A_339 : f32 to vector<16xf32>
    %neg3A_341 = arith.subf %neg3A_340, %div3A_335 : vector<16xf32>
    %select_n3A_342 = arith.select %lt3A_338, %neg3A_341, %div3A_335 : vector<16xi1>, vector<16xf32>
    %exp3A_343 = math.exp %select_n3A_342 : vector<16xf32>
    %swap3A_344 = arith.constant 112 : index
    %swap3A_345 = tpu.vector_load %arg9[%swap3A_344] {strides = array<i32>} : memref<512xf32, #tpu.memory_space<vmem>>, vector<16xf32>,
    tpu.vector_store %arg9[%swap3A_344], %exp3A_343 {strides = array<i32>} : memref<512xf32, #tpu.memory_space<vmem>>, vector<16xf32>,
    %add3A_346 = arith.constant 128 : i32
    %add3A_347 = vector.broadcast %add3A_346 : i32 to vector<16xi32>
    %add3A_348 = arith.addi %iota3A, %add3A_347 : vector<16xi32>
    %mul3A_349 = arith.constant 4 : i32
    %mul3A_350 = vector.broadcast %mul3A_349 : i32 to vector<16xi32>
    %mul3A_351 = arith.muli %add3A_348, %mul3A_350 : vector<16xi32>
    %gather3A_352 = tpu.vector_load_idx %arg8[%mul3A_351] : memref<2048xf32, #tpu.memory_space<vmem>>[vector<16xi32>], vector<16xf32>,
    %add3A_353 = arith.constant 1 : i32
    %add3A_354 = vector.broadcast %add3A_353 : i32 to vector<16xi32>
    %add3A_355 = arith.addi %mul3A_351, %add3A_354 : vector<16xi32>
    %gather3A_356 = tpu.vector_load_idx %arg8[%add3A_355] : memref<2048xf32, #tpu.memory_space<vmem>>[vector<16xi32>], vector<16xf32>,
    %add3A_357 = arith.addf %gather3A_352, %gather3A_356 : vector<16xf32>
    %add3A_358 = arith.constant 2 : i32
    %add3A_359 = vector.broadcast %add3A_358 : i32 to vector<16xi32>
    %add3A_360 = arith.addi %mul3A_351, %add3A_359 : vector<16xi32>
    %gather3A_361 = tpu.vector_load_idx %arg8[%add3A_360] : memref<2048xf32, #tpu.memory_space<vmem>>[vector<16xi32>], vector<16xf32>,
    %add3A_362 = arith.addf %add3A_357, %gather3A_361 : vector<16xf32>
    %add3A_363 = arith.constant 3 : i32
    %add3A_364 = vector.broadcast %add3A_363 : i32 to vector<16xi32>
    %add3A_365 = arith.addi %mul3A_351, %add3A_364 : vector<16xi32>
    %gather3A_366 = tpu.vector_load_idx %arg8[%add3A_365] : memref<2048xf32, #tpu.memory_space<vmem>>[vector<16xi32>], vector<16xf32>,
    %add3A_367 = arith.addf %add3A_362, %gather3A_366 : vector<16xf32>
    %abs3A_368 = math.absf %add3A_367 : vector<16xf32>
    %mul3A_369 = arith.constant -2.000000e+00 : f32
    %mul3A_370 = vector.broadcast %mul3A_369 : f32 to vector<16xf32>
    %mul3A_371 = arith.mulf %mul3A_370, %abs3A_368 : vector<16xf32>
    %exp3A_372 = math.exp %mul3A_371 : vector<16xf32>
    %sub3A_373 = arith.constant 1.000000e+00 : f32
    %sub3A_374 = vector.broadcast %sub3A_373 : f32 to vector<16xf32>
    %sub3A_375 = arith.subf %sub3A_374, %exp3A_372 : vector<16xf32>
    %add3A_376 = arith.constant 1.000000e+00 : f32
    %add3A_377 = vector.broadcast %add3A_376 : f32 to vector<16xf32>
    %add3A_378 = arith.addf %add3A_377, %exp3A_372 : vector<16xf32>
    %div3A_379 = arith.divf %sub3A_375, %add3A_378 : vector<16xf32>
    %lt3A_380 = arith.constant 0.000000e+00 : f32
    %lt3A_381 = vector.broadcast %lt3A_380 : f32 to vector<16xf32>
    %lt3A_382 = arith.cmpf olt, %add3A_367, %lt3A_381 : vector<16xf32>
    %neg3A_383 = arith.constant 0.000000e+00 : f32
    %neg3A_384 = vector.broadcast %neg3A_383 : f32 to vector<16xf32>
    %neg3A_385 = arith.subf %neg3A_384, %div3A_379 : vector<16xf32>
    %select_n3A_386 = arith.select %lt3A_382, %neg3A_385, %div3A_379 : vector<16xi1>, vector<16xf32>
    %exp3A_387 = math.exp %select_n3A_386 : vector<16xf32>
    %swap3A_388 = arith.constant 128 : index
    %swap3A_389 = tpu.vector_load %arg9[%swap3A_388] {strides = array<i32>} : memref<512xf32, #tpu.memory_space<vmem>>, vector<16xf32>,
    tpu.vector_store %arg9[%swap3A_388], %exp3A_387 {strides = array<i32>} : memref<512xf32, #tpu.memory_space<vmem>>, vector<16xf32>,
    %add3A_390 = arith.constant 144 : i32
    %add3A_391 = vector.broadcast %add3A_390 : i32 to vector<16xi32>
    %add3A_392 = arith.addi %iota3A, %add3A_391 : vector<16xi32>
    %mul3A_393 = arith.constant 4 : i32
    %mul3A_394 = vector.broadcast %mul3A_393 : i32 to vector<16xi32>
    %mul3A_395 = arith.muli %add3A_392, %mul3A_394 : vector<16xi32>
    %gather3A_396 = tpu.vector_load_idx %arg8[%mul3A_395] : memref<2048xf32, #tpu.memory_space<vmem>>[vector<16xi32>], vector<16xf32>,
    %add3A_397 = arith.constant 1 : i32
    %add3A_398 = vector.broadcast %add3A_397 : i32 to vector<16xi32>
    %add3A_399 = arith.addi %mul3A_395, %add3A_398 : vector<16xi32>
    %gather3A_400 = tpu.vector_load_idx %arg8[%add3A_399] : memref<2048xf32, #tpu.memory_space<vmem>>[vector<16xi32>], vector<16xf32>,
    %add3A_401 = arith.addf %gather3A_396, %gather3A_400 : vector<16xf32>
    %add3A_402 = arith.constant 2 : i32
    %add3A_403 = vector.broadcast %add3A_402 : i32 to vector<16xi32>
    %add3A_404 = arith.addi %mul3A_395, %add3A_403 : vector<16xi32>
    %gather3A_405 = tpu.vector_load_idx %arg8[%add3A_404] : memref<2048xf32, #tpu.memory_space<vmem>>[vector<16xi32>], vector<16xf32>,
    %add3A_406 = arith.addf %add3A_401, %gather3A_405 : vector<16xf32>
    %add3A_407 = arith.constant 3 : i32
    %add3A_408 = vector.broadcast %add3A_407 : i32 to vector<16xi32>
    %add3A_409 = arith.addi %mul3A_395, %add3A_408 : vector<16xi32>
    %gather3A_410 = tpu.vector_load_idx %arg8[%add3A_409] : memref<2048xf32, #tpu.memory_space<vmem>>[vector<16xi32>], vector<16xf32>,
    %add3A_411 = arith.addf %add3A_406, %gather3A_410 : vector<16xf32>
    %abs3A_412 = math.absf %add3A_411 : vector<16xf32>
    %mul3A_413 = arith.constant -2.000000e+00 : f32
    %mul3A_414 = vector.broadcast %mul3A_413 : f32 to vector<16xf32>
    %mul3A_415 = arith.mulf %mul3A_414, %abs3A_412 : vector<16xf32>
    %exp3A_416 = math.exp %mul3A_415 : vector<16xf32>
    %sub3A_417 = arith.constant 1.000000e+00 : f32
    %sub3A_418 = vector.broadcast %sub3A_417 : f32 to vector<16xf32>
    %sub3A_419 = arith.subf %sub3A_418, %exp3A_416 : vector<16xf32>
    %add3A_420 = arith.constant 1.000000e+00 : f32
    %add3A_421 = vector.broadcast %add3A_420 : f32 to vector<16xf32>
    %add3A_422 = arith.addf %add3A_421, %exp3A_416 : vector<16xf32>
    %div3A_423 = arith.divf %sub3A_419, %add3A_422 : vector<16xf32>
    %lt3A_424 = arith.constant 0.000000e+00 : f32
    %lt3A_425 = vector.broadcast %lt3A_424 : f32 to vector<16xf32>
    %lt3A_426 = arith.cmpf olt, %add3A_411, %lt3A_425 : vector<16xf32>
    %neg3A_427 = arith.constant 0.000000e+00 : f32
    %neg3A_428 = vector.broadcast %neg3A_427 : f32 to vector<16xf32>
    %neg3A_429 = arith.subf %neg3A_428, %div3A_423 : vector<16xf32>
    %select_n3A_430 = arith.select %lt3A_426, %neg3A_429, %div3A_423 : vector<16xi1>, vector<16xf32>
    %exp3A_431 = math.exp %select_n3A_430 : vector<16xf32>
    %swap3A_432 = arith.constant 144 : index
    %swap3A_433 = tpu.vector_load %arg9[%swap3A_432] {strides = array<i32>} : memref<512xf32, #tpu.memory_space<vmem>>, vector<16xf32>,
    tpu.vector_store %arg9[%swap3A_432], %exp3A_431 {strides = array<i32>} : memref<512xf32, #tpu.memory_space<vmem>>, vector<16xf32>,
    %add3A_434 = arith.constant 160 : i32
    %add3A_435 = vector.broadcast %add3A_434 : i32 to vector<16xi32>
    %add3A_436 = arith.addi %iota3A, %add3A_435 : vector<16xi32>
    %mul3A_437 = arith.constant 4 : i32
    %mul3A_438 = vector.broadcast %mul3A_437 : i32 to vector<16xi32>
    %mul3A_439 = arith.muli %add3A_436, %mul3A_438 : vector<16xi32>
    %gather3A_440 = tpu.vector_load_idx %arg8[%mul3A_439] : memref<2048xf32, #tpu.memory_space<vmem>>[vector<16xi32>], vector<16xf32>,
    %add3A_441 = arith.constant 1 : i32
    %add3A_442 = vector.broadcast %add3A_441 : i32 to vector<16xi32>
    %add3A_443 = arith.addi %mul3A_439, %add3A_442 : vector<16xi32>
    %gather3A_444 = tpu.vector_load_idx %arg8[%add3A_443] : memref<2048xf32, #tpu.memory_space<vmem>>[vector<16xi32>], vector<16xf32>,
    %add3A_445 = arith.addf %gather3A_440, %gather3A_444 : vector<16xf32>
    %add3A_446 = arith.constant 2 : i32
    %add3A_447 = vector.broadcast %add3A_446 : i32 to vector<16xi32>
    %add3A_448 = arith.addi %mul3A_439, %add3A_447 : vector<16xi32>
    %gather3A_449 = tpu.vector_load_idx %arg8[%add3A_448] : memref<2048xf32, #tpu.memory_space<vmem>>[vector<16xi32>], vector<16xf32>,
    %add3A_450 = arith.addf %add3A_445, %gather3A_449 : vector<16xf32>
    %add3A_451 = arith.constant 3 : i32
    %add3A_452 = vector.broadcast %add3A_451 : i32 to vector<16xi32>
    %add3A_453 = arith.addi %mul3A_439, %add3A_452 : vector<16xi32>
    %gather3A_454 = tpu.vector_load_idx %arg8[%add3A_453] : memref<2048xf32, #tpu.memory_space<vmem>>[vector<16xi32>], vector<16xf32>,
    %add3A_455 = arith.addf %add3A_450, %gather3A_454 : vector<16xf32>
    %abs3A_456 = math.absf %add3A_455 : vector<16xf32>
    %mul3A_457 = arith.constant -2.000000e+00 : f32
    %mul3A_458 = vector.broadcast %mul3A_457 : f32 to vector<16xf32>
    %mul3A_459 = arith.mulf %mul3A_458, %abs3A_456 : vector<16xf32>
    %exp3A_460 = math.exp %mul3A_459 : vector<16xf32>
    %sub3A_461 = arith.constant 1.000000e+00 : f32
    %sub3A_462 = vector.broadcast %sub3A_461 : f32 to vector<16xf32>
    %sub3A_463 = arith.subf %sub3A_462, %exp3A_460 : vector<16xf32>
    %add3A_464 = arith.constant 1.000000e+00 : f32
    %add3A_465 = vector.broadcast %add3A_464 : f32 to vector<16xf32>
    %add3A_466 = arith.addf %add3A_465, %exp3A_460 : vector<16xf32>
    %div3A_467 = arith.divf %sub3A_463, %add3A_466 : vector<16xf32>
    %lt3A_468 = arith.constant 0.000000e+00 : f32
    %lt3A_469 = vector.broadcast %lt3A_468 : f32 to vector<16xf32>
    %lt3A_470 = arith.cmpf olt, %add3A_455, %lt3A_469 : vector<16xf32>
    %neg3A_471 = arith.constant 0.000000e+00 : f32
    %neg3A_472 = vector.broadcast %neg3A_471 : f32 to vector<16xf32>
    %neg3A_473 = arith.subf %neg3A_472, %div3A_467 : vector<16xf32>
    %select_n3A_474 = arith.select %lt3A_470, %neg3A_473, %div3A_467 : vector<16xi1>, vector<16xf32>
    %exp3A_475 = math.exp %select_n3A_474 : vector<16xf32>
    %swap3A_476 = arith.constant 160 : index
    %swap3A_477 = tpu.vector_load %arg9[%swap3A_476] {strides = array<i32>} : memref<512xf32, #tpu.memory_space<vmem>>, vector<16xf32>,
    tpu.vector_store %arg9[%swap3A_476], %exp3A_475 {strides = array<i32>} : memref<512xf32, #tpu.memory_space<vmem>>, vector<16xf32>,
    %add3A_478 = arith.constant 176 : i32
    %add3A_479 = vector.broadcast %add3A_478 : i32 to vector<16xi32>
    %add3A_480 = arith.addi %iota3A, %add3A_479 : vector<16xi32>
    %mul3A_481 = arith.constant 4 : i32
    %mul3A_482 = vector.broadcast %mul3A_481 : i32 to vector<16xi32>
    %mul3A_483 = arith.muli %add3A_480, %mul3A_482 : vector<16xi32>
    %gather3A_484 = tpu.vector_load_idx %arg8[%mul3A_483] : memref<2048xf32, #tpu.memory_space<vmem>>[vector<16xi32>], vector<16xf32>,
    %add3A_485 = arith.constant 1 : i32
    %add3A_486 = vector.broadcast %add3A_485 : i32 to vector<16xi32>
    %add3A_487 = arith.addi %mul3A_483, %add3A_486 : vector<16xi32>
    %gather3A_488 = tpu.vector_load_idx %arg8[%add3A_487] : memref<2048xf32, #tpu.memory_space<vmem>>[vector<16xi32>], vector<16xf32>,
    %add3A_489 = arith.addf %gather3A_484, %gather3A_488 : vector<16xf32>
    %add3A_490 = arith.constant 2 : i32
    %add3A_491 = vector.broadcast %add3A_490 : i32 to vector<16xi32>
    %add3A_492 = arith.addi %mul3A_483, %add3A_491 : vector<16xi32>
    %gather3A_493 = tpu.vector_load_idx %arg8[%add3A_492] : memref<2048xf32, #tpu.memory_space<vmem>>[vector<16xi32>], vector<16xf32>,
    %add3A_494 = arith.addf %add3A_489, %gather3A_493 : vector<16xf32>
    %add3A_495 = arith.constant 3 : i32
    %add3A_496 = vector.broadcast %add3A_495 : i32 to vector<16xi32>
    %add3A_497 = arith.addi %mul3A_483, %add3A_496 : vector<16xi32>
    %gather3A_498 = tpu.vector_load_idx %arg8[%add3A_497] : memref<2048xf32, #tpu.memory_space<vmem>>[vector<16xi32>], vector<16xf32>,
    %add3A_499 = arith.addf %add3A_494, %gather3A_498 : vector<16xf32>
    %abs3A_500 = math.absf %add3A_499 : vector<16xf32>
    %mul3A_501 = arith.constant -2.000000e+00 : f32
    %mul3A_502 = vector.broadcast %mul3A_501 : f32 to vector<16xf32>
    %mul3A_503 = arith.mulf %mul3A_502, %abs3A_500 : vector<16xf32>
    %exp3A_504 = math.exp %mul3A_503 : vector<16xf32>
    %sub3A_505 = arith.constant 1.000000e+00 : f32
    %sub3A_506 = vector.broadcast %sub3A_505 : f32 to vector<16xf32>
    %sub3A_507 = arith.subf %sub3A_506, %exp3A_504 : vector<16xf32>
    %add3A_508 = arith.constant 1.000000e+00 : f32
    %add3A_509 = vector.broadcast %add3A_508 : f32 to vector<16xf32>
    %add3A_510 = arith.addf %add3A_509, %exp3A_504 : vector<16xf32>
    %div3A_511 = arith.divf %sub3A_507, %add3A_510 : vector<16xf32>
    %lt3A_512 = arith.constant 0.000000e+00 : f32
    %lt3A_513 = vector.broadcast %lt3A_512 : f32 to vector<16xf32>
    %lt3A_514 = arith.cmpf olt, %add3A_499, %lt3A_513 : vector<16xf32>
    %neg3A_515 = arith.constant 0.000000e+00 : f32
    %neg3A_516 = vector.broadcast %neg3A_515 : f32 to vector<16xf32>
    %neg3A_517 = arith.subf %neg3A_516, %div3A_511 : vector<16xf32>
    %select_n3A_518 = arith.select %lt3A_514, %neg3A_517, %div3A_511 : vector<16xi1>, vector<16xf32>
    %exp3A_519 = math.exp %select_n3A_518 : vector<16xf32>
    %swap3A_520 = arith.constant 176 : index
    %swap3A_521 = tpu.vector_load %arg9[%swap3A_520] {strides = array<i32>} : memref<512xf32, #tpu.memory_space<vmem>>, vector<16xf32>,
    tpu.vector_store %arg9[%swap3A_520], %exp3A_519 {strides = array<i32>} : memref<512xf32, #tpu.memory_space<vmem>>, vector<16xf32>,
    %add3A_522 = arith.constant 192 : i32
    %add3A_523 = vector.broadcast %add3A_522 : i32 to vector<16xi32>
    %add3A_524 = arith.addi %iota3A, %add3A_523 : vector<16xi32>
    %mul3A_525 = arith.constant 4 : i32
    %mul3A_526 = vector.broadcast %mul3A_525 : i32 to vector<16xi32>
    %mul3A_527 = arith.muli %add3A_524, %mul3A_526 : vector<16xi32>
    %gather3A_528 = tpu.vector_load_idx %arg8[%mul3A_527] : memref<2048xf32, #tpu.memory_space<vmem>>[vector<16xi32>], vector<16xf32>,
    %add3A_529 = arith.constant 1 : i32
    %add3A_530 = vector.broadcast %add3A_529 : i32 to vector<16xi32>
    %add3A_531 = arith.addi %mul3A_527, %add3A_530 : vector<16xi32>
    %gather3A_532 = tpu.vector_load_idx %arg8[%add3A_531] : memref<2048xf32, #tpu.memory_space<vmem>>[vector<16xi32>], vector<16xf32>,
    %add3A_533 = arith.addf %gather3A_528, %gather3A_532 : vector<16xf32>
    %add3A_534 = arith.constant 2 : i32
    %add3A_535 = vector.broadcast %add3A_534 : i32 to vector<16xi32>
    %add3A_536 = arith.addi %mul3A_527, %add3A_535 : vector<16xi32>
    %gather3A_537 = tpu.vector_load_idx %arg8[%add3A_536] : memref<2048xf32, #tpu.memory_space<vmem>>[vector<16xi32>], vector<16xf32>,
    %add3A_538 = arith.addf %add3A_533, %gather3A_537 : vector<16xf32>
    %add3A_539 = arith.constant 3 : i32
    %add3A_540 = vector.broadcast %add3A_539 : i32 to vector<16xi32>
    %add3A_541 = arith.addi %mul3A_527, %add3A_540 : vector<16xi32>
    %gather3A_542 = tpu.vector_load_idx %arg8[%add3A_541] : memref<2048xf32, #tpu.memory_space<vmem>>[vector<16xi32>], vector<16xf32>,
    %add3A_543 = arith.addf %add3A_538, %gather3A_542 : vector<16xf32>
    %abs3A_544 = math.absf %add3A_543 : vector<16xf32>
    %mul3A_545 = arith.constant -2.000000e+00 : f32
    %mul3A_546 = vector.broadcast %mul3A_545 : f32 to vector<16xf32>
    %mul3A_547 = arith.mulf %mul3A_546, %abs3A_544 : vector<16xf32>
    %exp3A_548 = math.exp %mul3A_547 : vector<16xf32>
    %sub3A_549 = arith.constant 1.000000e+00 : f32
    %sub3A_550 = vector.broadcast %sub3A_549 : f32 to vector<16xf32>
    %sub3A_551 = arith.subf %sub3A_550, %exp3A_548 : vector<16xf32>
    %add3A_552 = arith.constant 1.000000e+00 : f32
    %add3A_553 = vector.broadcast %add3A_552 : f32 to vector<16xf32>
    %add3A_554 = arith.addf %add3A_553, %exp3A_548 : vector<16xf32>
    %div3A_555 = arith.divf %sub3A_551, %add3A_554 : vector<16xf32>
    %lt3A_556 = arith.constant 0.000000e+00 : f32
    %lt3A_557 = vector.broadcast %lt3A_556 : f32 to vector<16xf32>
    %lt3A_558 = arith.cmpf olt, %add3A_543, %lt3A_557 : vector<16xf32>
    %neg3A_559 = arith.constant 0.000000e+00 : f32
    %neg3A_560 = vector.broadcast %neg3A_559 : f32 to vector<16xf32>
    %neg3A_561 = arith.subf %neg3A_560, %div3A_555 : vector<16xf32>
    %select_n3A_562 = arith.select %lt3A_558, %neg3A_561, %div3A_555 : vector<16xi1>, vector<16xf32>
    %exp3A_563 = math.exp %select_n3A_562 : vector<16xf32>
    %swap3A_564 = arith.constant 192 : index
    %swap3A_565 = tpu.vector_load %arg9[%swap3A_564] {strides = array<i32>} : memref<512xf32, #tpu.memory_space<vmem>>, vector<16xf32>,
    tpu.vector_store %arg9[%swap3A_564], %exp3A_563 {strides = array<i32>} : memref<512xf32, #tpu.memory_space<vmem>>, vector<16xf32>,
    %add3A_566 = arith.constant 208 : i32
    %add3A_567 = vector.broadcast %add3A_566 : i32 to vector<16xi32>
    %add3A_568 = arith.addi %iota3A, %add3A_567 : vector<16xi32>
    %mul3A_569 = arith.constant 4 : i32
    %mul3A_570 = vector.broadcast %mul3A_569 : i32 to vector<16xi32>
    %mul3A_571 = arith.muli %add3A_568, %mul3A_570 : vector<16xi32>
    %gather3A_572 = tpu.vector_load_idx %arg8[%mul3A_571] : memref<2048xf32, #tpu.memory_space<vmem>>[vector<16xi32>], vector<16xf32>,
    %add3A_573 = arith.constant 1 : i32
    %add3A_574 = vector.broadcast %add3A_573 : i32 to vector<16xi32>
    %add3A_575 = arith.addi %mul3A_571, %add3A_574 : vector<16xi32>
    %gather3A_576 = tpu.vector_load_idx %arg8[%add3A_575] : memref<2048xf32, #tpu.memory_space<vmem>>[vector<16xi32>], vector<16xf32>,
    %add3A_577 = arith.addf %gather3A_572, %gather3A_576 : vector<16xf32>
    %add3A_578 = arith.constant 2 : i32
    %add3A_579 = vector.broadcast %add3A_578 : i32 to vector<16xi32>
    %add3A_580 = arith.addi %mul3A_571, %add3A_579 : vector<16xi32>
    %gather3A_581 = tpu.vector_load_idx %arg8[%add3A_580] : memref<2048xf32, #tpu.memory_space<vmem>>[vector<16xi32>], vector<16xf32>,
    %add3A_582 = arith.addf %add3A_577, %gather3A_581 : vector<16xf32>
    %add3A_583 = arith.constant 3 : i32
    %add3A_584 = vector.broadcast %add3A_583 : i32 to vector<16xi32>
    %add3A_585 = arith.addi %mul3A_571, %add3A_584 : vector<16xi32>
    %gather3A_586 = tpu.vector_load_idx %arg8[%add3A_585] : memref<2048xf32, #tpu.memory_space<vmem>>[vector<16xi32>], vector<16xf32>,
    %add3A_587 = arith.addf %add3A_582, %gather3A_586 : vector<16xf32>
    %abs3A_588 = math.absf %add3A_587 : vector<16xf32>
    %mul3A_589 = arith.constant -2.000000e+00 : f32
    %mul3A_590 = vector.broadcast %mul3A_589 : f32 to vector<16xf32>
    %mul3A_591 = arith.mulf %mul3A_590, %abs3A_588 : vector<16xf32>
    %exp3A_592 = math.exp %mul3A_591 : vector<16xf32>
    %sub3A_593 = arith.constant 1.000000e+00 : f32
    %sub3A_594 = vector.broadcast %sub3A_593 : f32 to vector<16xf32>
    %sub3A_595 = arith.subf %sub3A_594, %exp3A_592 : vector<16xf32>
    %add3A_596 = arith.constant 1.000000e+00 : f32
    %add3A_597 = vector.broadcast %add3A_596 : f32 to vector<16xf32>
    %add3A_598 = arith.addf %add3A_597, %exp3A_592 : vector<16xf32>
    %div3A_599 = arith.divf %sub3A_595, %add3A_598 : vector<16xf32>
    %lt3A_600 = arith.constant 0.000000e+00 : f32
    %lt3A_601 = vector.broadcast %lt3A_600 : f32 to vector<16xf32>
    %lt3A_602 = arith.cmpf olt, %add3A_587, %lt3A_601 : vector<16xf32>
    %neg3A_603 = arith.constant 0.000000e+00 : f32
    %neg3A_604 = vector.broadcast %neg3A_603 : f32 to vector<16xf32>
    %neg3A_605 = arith.subf %neg3A_604, %div3A_599 : vector<16xf32>
    %select_n3A_606 = arith.select %lt3A_602, %neg3A_605, %div3A_599 : vector<16xi1>, vector<16xf32>
    %exp3A_607 = math.exp %select_n3A_606 : vector<16xf32>
    %swap3A_608 = arith.constant 208 : index
    %swap3A_609 = tpu.vector_load %arg9[%swap3A_608] {strides = array<i32>} : memref<512xf32, #tpu.memory_space<vmem>>, vector<16xf32>,
    tpu.vector_store %arg9[%swap3A_608], %exp3A_607 {strides = array<i32>} : memref<512xf32, #tpu.memory_space<vmem>>, vector<16xf32>,
    %add3A_610 = arith.constant 224 : i32
    %add3A_611 = vector.broadcast %add3A_610 : i32 to vector<16xi32>
    %add3A_612 = arith.addi %iota3A, %add3A_611 : vector<16xi32>
    %mul3A_613 = arith.constant 4 : i32
    %mul3A_614 = vector.broadcast %mul3A_613 : i32 to vector<16xi32>
    %mul3A_615 = arith.muli %add3A_612, %mul3A_614 : vector<16xi32>
    %gather3A_616 = tpu.vector_load_idx %arg8[%mul3A_615] : memref<2048xf32, #tpu.memory_space<vmem>>[vector<16xi32>], vector<16xf32>,
    %add3A_617 = arith.constant 1 : i32
    %add3A_618 = vector.broadcast %add3A_617 : i32 to vector<16xi32>
    %add3A_619 = arith.addi %mul3A_615, %add3A_618 : vector<16xi32>
    %gather3A_620 = tpu.vector_load_idx %arg8[%add3A_619] : memref<2048xf32, #tpu.memory_space<vmem>>[vector<16xi32>], vector<16xf32>,
    %add3A_621 = arith.addf %gather3A_616, %gather3A_620 : vector<16xf32>
    %add3A_622 = arith.constant 2 : i32
    %add3A_623 = vector.broadcast %add3A_622 : i32 to vector<16xi32>
    %add3A_624 = arith.addi %mul3A_615, %add3A_623 : vector<16xi32>
    %gather3A_625 = tpu.vector_load_idx %arg8[%add3A_624] : memref<2048xf32, #tpu.memory_space<vmem>>[vector<16xi32>], vector<16xf32>,
    %add3A_626 = arith.addf %add3A_621, %gather3A_625 : vector<16xf32>
    %add3A_627 = arith.constant 3 : i32
    %add3A_628 = vector.broadcast %add3A_627 : i32 to vector<16xi32>
    %add3A_629 = arith.addi %mul3A_615, %add3A_628 : vector<16xi32>
    %gather3A_630 = tpu.vector_load_idx %arg8[%add3A_629] : memref<2048xf32, #tpu.memory_space<vmem>>[vector<16xi32>], vector<16xf32>,
    %add3A_631 = arith.addf %add3A_626, %gather3A_630 : vector<16xf32>
    %abs3A_632 = math.absf %add3A_631 : vector<16xf32>
    %mul3A_633 = arith.constant -2.000000e+00 : f32
    %mul3A_634 = vector.broadcast %mul3A_633 : f32 to vector<16xf32>
    %mul3A_635 = arith.mulf %mul3A_634, %abs3A_632 : vector<16xf32>
    %exp3A_636 = math.exp %mul3A_635 : vector<16xf32>
    %sub3A_637 = arith.constant 1.000000e+00 : f32
    %sub3A_638 = vector.broadcast %sub3A_637 : f32 to vector<16xf32>
    %sub3A_639 = arith.subf %sub3A_638, %exp3A_636 : vector<16xf32>
    %add3A_640 = arith.constant 1.000000e+00 : f32
    %add3A_641 = vector.broadcast %add3A_640 : f32 to vector<16xf32>
    %add3A_642 = arith.addf %add3A_641, %exp3A_636 : vector<16xf32>
    %div3A_643 = arith.divf %sub3A_639, %add3A_642 : vector<16xf32>
    %lt3A_644 = arith.constant 0.000000e+00 : f32
    %lt3A_645 = vector.broadcast %lt3A_644 : f32 to vector<16xf32>
    %lt3A_646 = arith.cmpf olt, %add3A_631, %lt3A_645 : vector<16xf32>
    %neg3A_647 = arith.constant 0.000000e+00 : f32
    %neg3A_648 = vector.broadcast %neg3A_647 : f32 to vector<16xf32>
    %neg3A_649 = arith.subf %neg3A_648, %div3A_643 : vector<16xf32>
    %select_n3A_650 = arith.select %lt3A_646, %neg3A_649, %div3A_643 : vector<16xi1>, vector<16xf32>
    %exp3A_651 = math.exp %select_n3A_650 : vector<16xf32>
    %swap3A_652 = arith.constant 224 : index
    %swap3A_653 = tpu.vector_load %arg9[%swap3A_652] {strides = array<i32>} : memref<512xf32, #tpu.memory_space<vmem>>, vector<16xf32>,
    tpu.vector_store %arg9[%swap3A_652], %exp3A_651 {strides = array<i32>} : memref<512xf32, #tpu.memory_space<vmem>>, vector<16xf32>,
    %add3A_654 = arith.constant 240 : i32
    %add3A_655 = vector.broadcast %add3A_654 : i32 to vector<16xi32>
    %add3A_656 = arith.addi %iota3A, %add3A_655 : vector<16xi32>
    %mul3A_657 = arith.constant 4 : i32
    %mul3A_658 = vector.broadcast %mul3A_657 : i32 to vector<16xi32>
    %mul3A_659 = arith.muli %add3A_656, %mul3A_658 : vector<16xi32>
    %gather3A_660 = tpu.vector_load_idx %arg8[%mul3A_659] : memref<2048xf32, #tpu.memory_space<vmem>>[vector<16xi32>], vector<16xf32>,
    %add3A_661 = arith.constant 1 : i32
    %add3A_662 = vector.broadcast %add3A_661 : i32 to vector<16xi32>
    %add3A_663 = arith.addi %mul3A_659, %add3A_662 : vector<16xi32>
    %gather3A_664 = tpu.vector_load_idx %arg8[%add3A_663] : memref<2048xf32, #tpu.memory_space<vmem>>[vector<16xi32>], vector<16xf32>,
    %add3A_665 = arith.addf %gather3A_660, %gather3A_664 : vector<16xf32>
    %add3A_666 = arith.constant 2 : i32
    %add3A_667 = vector.broadcast %add3A_666 : i32 to vector<16xi32>
    %add3A_668 = arith.addi %mul3A_659, %add3A_667 : vector<16xi32>
    %gather3A_669 = tpu.vector_load_idx %arg8[%add3A_668] : memref<2048xf32, #tpu.memory_space<vmem>>[vector<16xi32>], vector<16xf32>,
    %add3A_670 = arith.addf %add3A_665, %gather3A_669 : vector<16xf32>
    %add3A_671 = arith.constant 3 : i32
    %add3A_672 = vector.broadcast %add3A_671 : i32 to vector<16xi32>
    %add3A_673 = arith.addi %mul3A_659, %add3A_672 : vector<16xi32>
    %gather3A_674 = tpu.vector_load_idx %arg8[%add3A_673] : memref<2048xf32, #tpu.memory_space<vmem>>[vector<16xi32>], vector<16xf32>,
    %add3A_675 = arith.addf %add3A_670, %gather3A_674 : vector<16xf32>
    %abs3A_676 = math.absf %add3A_675 : vector<16xf32>
    %mul3A_677 = arith.constant -2.000000e+00 : f32
    %mul3A_678 = vector.broadcast %mul3A_677 : f32 to vector<16xf32>
    %mul3A_679 = arith.mulf %mul3A_678, %abs3A_676 : vector<16xf32>
    %exp3A_680 = math.exp %mul3A_679 : vector<16xf32>
    %sub3A_681 = arith.constant 1.000000e+00 : f32
    %sub3A_682 = vector.broadcast %sub3A_681 : f32 to vector<16xf32>
    %sub3A_683 = arith.subf %sub3A_682, %exp3A_680 : vector<16xf32>
    %add3A_684 = arith.constant 1.000000e+00 : f32
    %add3A_685 = vector.broadcast %add3A_684 : f32 to vector<16xf32>
    %add3A_686 = arith.addf %add3A_685, %exp3A_680 : vector<16xf32>
    %div3A_687 = arith.divf %sub3A_683, %add3A_686 : vector<16xf32>
    %lt3A_688 = arith.constant 0.000000e+00 : f32
    %lt3A_689 = vector.broadcast %lt3A_688 : f32 to vector<16xf32>
    %lt3A_690 = arith.cmpf olt, %add3A_675, %lt3A_689 : vector<16xf32>
    %neg3A_691 = arith.constant 0.000000e+00 : f32
    %neg3A_692 = vector.broadcast %neg3A_691 : f32 to vector<16xf32>
    %neg3A_693 = arith.subf %neg3A_692, %div3A_687 : vector<16xf32>
    %select_n3A_694 = arith.select %lt3A_690, %neg3A_693, %div3A_687 : vector<16xi1>, vector<16xf32>
    %exp3A_695 = math.exp %select_n3A_694 : vector<16xf32>
    %swap3A_696 = arith.constant 240 : index
    %swap3A_697 = tpu.vector_load %arg9[%swap3A_696] {strides = array<i32>} : memref<512xf32, #tpu.memory_space<vmem>>, vector<16xf32>,
    tpu.vector_store %arg9[%swap3A_696], %exp3A_695 {strides = array<i32>} : memref<512xf32, #tpu.memory_space<vmem>>, vector<16xf32>,
    %add3A_698 = arith.constant 256 : i32
    %add3A_699 = vector.broadcast %add3A_698 : i32 to vector<16xi32>
    %add3A_700 = arith.addi %iota3A, %add3A_699 : vector<16xi32>
    %mul3A_701 = arith.constant 4 : i32
    %mul3A_702 = vector.broadcast %mul3A_701 : i32 to vector<16xi32>
    %mul3A_703 = arith.muli %add3A_700, %mul3A_702 : vector<16xi32>
    %gather3A_704 = tpu.vector_load_idx %arg8[%mul3A_703] : memref<2048xf32, #tpu.memory_space<vmem>>[vector<16xi32>], vector<16xf32>,
    %add3A_705 = arith.constant 1 : i32
    %add3A_706 = vector.broadcast %add3A_705 : i32 to vector<16xi32>
    %add3A_707 = arith.addi %mul3A_703, %add3A_706 : vector<16xi32>
    %gather3A_708 = tpu.vector_load_idx %arg8[%add3A_707] : memref<2048xf32, #tpu.memory_space<vmem>>[vector<16xi32>], vector<16xf32>,
    %add3A_709 = arith.addf %gather3A_704, %gather3A_708 : vector<16xf32>
    %add3A_710 = arith.constant 2 : i32
    %add3A_711 = vector.broadcast %add3A_710 : i32 to vector<16xi32>
    %add3A_712 = arith.addi %mul3A_703, %add3A_711 : vector<16xi32>
    %gather3A_713 = tpu.vector_load_idx %arg8[%add3A_712] : memref<2048xf32, #tpu.memory_space<vmem>>[vector<16xi32>], vector<16xf32>,
    %add3A_714 = arith.addf %add3A_709, %gather3A_713 : vector<16xf32>
    %add3A_715 = arith.constant 3 : i32
    %add3A_716 = vector.broadcast %add3A_715 : i32 to vector<16xi32>
    %add3A_717 = arith.addi %mul3A_703, %add3A_716 : vector<16xi32>
    %gather3A_718 = tpu.vector_load_idx %arg8[%add3A_717] : memref<2048xf32, #tpu.memory_space<vmem>>[vector<16xi32>], vector<16xf32>,
    %add3A_719 = arith.addf %add3A_714, %gather3A_718 : vector<16xf32>
    %abs3A_720 = math.absf %add3A_719 : vector<16xf32>
    %mul3A_721 = arith.constant -2.000000e+00 : f32
    %mul3A_722 = vector.broadcast %mul3A_721 : f32 to vector<16xf32>
    %mul3A_723 = arith.mulf %mul3A_722, %abs3A_720 : vector<16xf32>
    %exp3A_724 = math.exp %mul3A_723 : vector<16xf32>
    %sub3A_725 = arith.constant 1.000000e+00 : f32
    %sub3A_726 = vector.broadcast %sub3A_725 : f32 to vector<16xf32>
    %sub3A_727 = arith.subf %sub3A_726, %exp3A_724 : vector<16xf32>
    %add3A_728 = arith.constant 1.000000e+00 : f32
    %add3A_729 = vector.broadcast %add3A_728 : f32 to vector<16xf32>
    %add3A_730 = arith.addf %add3A_729, %exp3A_724 : vector<16xf32>
    %div3A_731 = arith.divf %sub3A_727, %add3A_730 : vector<16xf32>
    %lt3A_732 = arith.constant 0.000000e+00 : f32
    %lt3A_733 = vector.broadcast %lt3A_732 : f32 to vector<16xf32>
    %lt3A_734 = arith.cmpf olt, %add3A_719, %lt3A_733 : vector<16xf32>
    %neg3A_735 = arith.constant 0.000000e+00 : f32
    %neg3A_736 = vector.broadcast %neg3A_735 : f32 to vector<16xf32>
    %neg3A_737 = arith.subf %neg3A_736, %div3A_731 : vector<16xf32>
    %select_n3A_738 = arith.select %lt3A_734, %neg3A_737, %div3A_731 : vector<16xi1>, vector<16xf32>
    %exp3A_739 = math.exp %select_n3A_738 : vector<16xf32>
    %swap3A_740 = arith.constant 256 : index
    %swap3A_741 = tpu.vector_load %arg9[%swap3A_740] {strides = array<i32>} : memref<512xf32, #tpu.memory_space<vmem>>, vector<16xf32>,
    tpu.vector_store %arg9[%swap3A_740], %exp3A_739 {strides = array<i32>} : memref<512xf32, #tpu.memory_space<vmem>>, vector<16xf32>,
    %add3A_742 = arith.constant 272 : i32
    %add3A_743 = vector.broadcast %add3A_742 : i32 to vector<16xi32>
    %add3A_744 = arith.addi %iota3A, %add3A_743 : vector<16xi32>
    %mul3A_745 = arith.constant 4 : i32
    %mul3A_746 = vector.broadcast %mul3A_745 : i32 to vector<16xi32>
    %mul3A_747 = arith.muli %add3A_744, %mul3A_746 : vector<16xi32>
    %gather3A_748 = tpu.vector_load_idx %arg8[%mul3A_747] : memref<2048xf32, #tpu.memory_space<vmem>>[vector<16xi32>], vector<16xf32>,
    %add3A_749 = arith.constant 1 : i32
    %add3A_750 = vector.broadcast %add3A_749 : i32 to vector<16xi32>
    %add3A_751 = arith.addi %mul3A_747, %add3A_750 : vector<16xi32>
    %gather3A_752 = tpu.vector_load_idx %arg8[%add3A_751] : memref<2048xf32, #tpu.memory_space<vmem>>[vector<16xi32>], vector<16xf32>,
    %add3A_753 = arith.addf %gather3A_748, %gather3A_752 : vector<16xf32>
    %add3A_754 = arith.constant 2 : i32
    %add3A_755 = vector.broadcast %add3A_754 : i32 to vector<16xi32>
    %add3A_756 = arith.addi %mul3A_747, %add3A_755 : vector<16xi32>
    %gather3A_757 = tpu.vector_load_idx %arg8[%add3A_756] : memref<2048xf32, #tpu.memory_space<vmem>>[vector<16xi32>], vector<16xf32>,
    %add3A_758 = arith.addf %add3A_753, %gather3A_757 : vector<16xf32>
    %add3A_759 = arith.constant 3 : i32
    %add3A_760 = vector.broadcast %add3A_759 : i32 to vector<16xi32>
    %add3A_761 = arith.addi %mul3A_747, %add3A_760 : vector<16xi32>
    %gather3A_762 = tpu.vector_load_idx %arg8[%add3A_761] : memref<2048xf32, #tpu.memory_space<vmem>>[vector<16xi32>], vector<16xf32>,
    %add3A_763 = arith.addf %add3A_758, %gather3A_762 : vector<16xf32>
    %abs3A_764 = math.absf %add3A_763 : vector<16xf32>
    %mul3A_765 = arith.constant -2.000000e+00 : f32
    %mul3A_766 = vector.broadcast %mul3A_765 : f32 to vector<16xf32>
    %mul3A_767 = arith.mulf %mul3A_766, %abs3A_764 : vector<16xf32>
    %exp3A_768 = math.exp %mul3A_767 : vector<16xf32>
    %sub3A_769 = arith.constant 1.000000e+00 : f32
    %sub3A_770 = vector.broadcast %sub3A_769 : f32 to vector<16xf32>
    %sub3A_771 = arith.subf %sub3A_770, %exp3A_768 : vector<16xf32>
    %add3A_772 = arith.constant 1.000000e+00 : f32
    %add3A_773 = vector.broadcast %add3A_772 : f32 to vector<16xf32>
    %add3A_774 = arith.addf %add3A_773, %exp3A_768 : vector<16xf32>
    %div3A_775 = arith.divf %sub3A_771, %add3A_774 : vector<16xf32>
    %lt3A_776 = arith.constant 0.000000e+00 : f32
    %lt3A_777 = vector.broadcast %lt3A_776 : f32 to vector<16xf32>
    %lt3A_778 = arith.cmpf olt, %add3A_763, %lt3A_777 : vector<16xf32>
    %neg3A_779 = arith.constant 0.000000e+00 : f32
    %neg3A_780 = vector.broadcast %neg3A_779 : f32 to vector<16xf32>
    %neg3A_781 = arith.subf %neg3A_780, %div3A_775 : vector<16xf32>
    %select_n3A_782 = arith.select %lt3A_778, %neg3A_781, %div3A_775 : vector<16xi1>, vector<16xf32>
    %exp3A_783 = math.exp %select_n3A_782 : vector<16xf32>
    %swap3A_784 = arith.constant 272 : index
    %swap3A_785 = tpu.vector_load %arg9[%swap3A_784] {strides = array<i32>} : memref<512xf32, #tpu.memory_space<vmem>>, vector<16xf32>,
    tpu.vector_store %arg9[%swap3A_784], %exp3A_783 {strides = array<i32>} : memref<512xf32, #tpu.memory_space<vmem>>, vector<16xf32>,
    %add3A_786 = arith.constant 288 : i32
    %add3A_787 = vector.broadcast %add3A_786 : i32 to vector<16xi32>
    %add3A_788 = arith.addi %iota3A, %add3A_787 : vector<16xi32>
    %mul3A_789 = arith.constant 4 : i32
    %mul3A_790 = vector.broadcast %mul3A_789 : i32 to vector<16xi32>
    %mul3A_791 = arith.muli %add3A_788, %mul3A_790 : vector<16xi32>
    %gather3A_792 = tpu.vector_load_idx %arg8[%mul3A_791] : memref<2048xf32, #tpu.memory_space<vmem>>[vector<16xi32>], vector<16xf32>,
    %add3A_793 = arith.constant 1 : i32
    %add3A_794 = vector.broadcast %add3A_793 : i32 to vector<16xi32>
    %add3A_795 = arith.addi %mul3A_791, %add3A_794 : vector<16xi32>
    %gather3A_796 = tpu.vector_load_idx %arg8[%add3A_795] : memref<2048xf32, #tpu.memory_space<vmem>>[vector<16xi32>], vector<16xf32>,
    %add3A_797 = arith.addf %gather3A_792, %gather3A_796 : vector<16xf32>
    %add3A_798 = arith.constant 2 : i32
    %add3A_799 = vector.broadcast %add3A_798 : i32 to vector<16xi32>
    %add3A_800 = arith.addi %mul3A_791, %add3A_799 : vector<16xi32>
    %gather3A_801 = tpu.vector_load_idx %arg8[%add3A_800] : memref<2048xf32, #tpu.memory_space<vmem>>[vector<16xi32>], vector<16xf32>,
    %add3A_802 = arith.addf %add3A_797, %gather3A_801 : vector<16xf32>
    %add3A_803 = arith.constant 3 : i32
    %add3A_804 = vector.broadcast %add3A_803 : i32 to vector<16xi32>
    %add3A_805 = arith.addi %mul3A_791, %add3A_804 : vector<16xi32>
    %gather3A_806 = tpu.vector_load_idx %arg8[%add3A_805] : memref<2048xf32, #tpu.memory_space<vmem>>[vector<16xi32>], vector<16xf32>,
    %add3A_807 = arith.addf %add3A_802, %gather3A_806 : vector<16xf32>
    %abs3A_808 = math.absf %add3A_807 : vector<16xf32>
    %mul3A_809 = arith.constant -2.000000e+00 : f32
    %mul3A_810 = vector.broadcast %mul3A_809 : f32 to vector<16xf32>
    %mul3A_811 = arith.mulf %mul3A_810, %abs3A_808 : vector<16xf32>
    %exp3A_812 = math.exp %mul3A_811 : vector<16xf32>
    %sub3A_813 = arith.constant 1.000000e+00 : f32
    %sub3A_814 = vector.broadcast %sub3A_813 : f32 to vector<16xf32>
    %sub3A_815 = arith.subf %sub3A_814, %exp3A_812 : vector<16xf32>
    %add3A_816 = arith.constant 1.000000e+00 : f32
    %add3A_817 = vector.broadcast %add3A_816 : f32 to vector<16xf32>
    %add3A_818 = arith.addf %add3A_817, %exp3A_812 : vector<16xf32>
    %div3A_819 = arith.divf %sub3A_815, %add3A_818 : vector<16xf32>
    %lt3A_820 = arith.constant 0.000000e+00 : f32
    %lt3A_821 = vector.broadcast %lt3A_820 : f32 to vector<16xf32>
    %lt3A_822 = arith.cmpf olt, %add3A_807, %lt3A_821 : vector<16xf32>
    %neg3A_823 = arith.constant 0.000000e+00 : f32
    %neg3A_824 = vector.broadcast %neg3A_823 : f32 to vector<16xf32>
    %neg3A_825 = arith.subf %neg3A_824, %div3A_819 : vector<16xf32>
    %select_n3A_826 = arith.select %lt3A_822, %neg3A_825, %div3A_819 : vector<16xi1>, vector<16xf32>
    %exp3A_827 = math.exp %select_n3A_826 : vector<16xf32>
    %swap3A_828 = arith.constant 288 : index
    %swap3A_829 = tpu.vector_load %arg9[%swap3A_828] {strides = array<i32>} : memref<512xf32, #tpu.memory_space<vmem>>, vector<16xf32>,
    tpu.vector_store %arg9[%swap3A_828], %exp3A_827 {strides = array<i32>} : memref<512xf32, #tpu.memory_space<vmem>>, vector<16xf32>,
    %add3A_830 = arith.constant 304 : i32
    %add3A_831 = vector.broadcast %add3A_830 : i32 to vector<16xi32>
    %add3A_832 = arith.addi %iota3A, %add3A_831 : vector<16xi32>
    %mul3A_833 = arith.constant 4 : i32
    %mul3A_834 = vector.broadcast %mul3A_833 : i32 to vector<16xi32>
    %mul3A_835 = arith.muli %add3A_832, %mul3A_834 : vector<16xi32>
    %gather3A_836 = tpu.vector_load_idx %arg8[%mul3A_835] : memref<2048xf32, #tpu.memory_space<vmem>>[vector<16xi32>], vector<16xf32>,
    %add3A_837 = arith.constant 1 : i32
    %add3A_838 = vector.broadcast %add3A_837 : i32 to vector<16xi32>
    %add3A_839 = arith.addi %mul3A_835, %add3A_838 : vector<16xi32>
    %gather3A_840 = tpu.vector_load_idx %arg8[%add3A_839] : memref<2048xf32, #tpu.memory_space<vmem>>[vector<16xi32>], vector<16xf32>,
    %add3A_841 = arith.addf %gather3A_836, %gather3A_840 : vector<16xf32>
    %add3A_842 = arith.constant 2 : i32
    %add3A_843 = vector.broadcast %add3A_842 : i32 to vector<16xi32>
    %add3A_844 = arith.addi %mul3A_835, %add3A_843 : vector<16xi32>
    %gather3A_845 = tpu.vector_load_idx %arg8[%add3A_844] : memref<2048xf32, #tpu.memory_space<vmem>>[vector<16xi32>], vector<16xf32>,
    %add3A_846 = arith.addf %add3A_841, %gather3A_845 : vector<16xf32>
    %add3A_847 = arith.constant 3 : i32
    %add3A_848 = vector.broadcast %add3A_847 : i32 to vector<16xi32>
    %add3A_849 = arith.addi %mul3A_835, %add3A_848 : vector<16xi32>
    %gather3A_850 = tpu.vector_load_idx %arg8[%add3A_849] : memref<2048xf32, #tpu.memory_space<vmem>>[vector<16xi32>], vector<16xf32>,
    %add3A_851 = arith.addf %add3A_846, %gather3A_850 : vector<16xf32>
    %abs3A_852 = math.absf %add3A_851 : vector<16xf32>
    %mul3A_853 = arith.constant -2.000000e+00 : f32
    %mul3A_854 = vector.broadcast %mul3A_853 : f32 to vector<16xf32>
    %mul3A_855 = arith.mulf %mul3A_854, %abs3A_852 : vector<16xf32>
    %exp3A_856 = math.exp %mul3A_855 : vector<16xf32>
    %sub3A_857 = arith.constant 1.000000e+00 : f32
    %sub3A_858 = vector.broadcast %sub3A_857 : f32 to vector<16xf32>
    %sub3A_859 = arith.subf %sub3A_858, %exp3A_856 : vector<16xf32>
    %add3A_860 = arith.constant 1.000000e+00 : f32
    %add3A_861 = vector.broadcast %add3A_860 : f32 to vector<16xf32>
    %add3A_862 = arith.addf %add3A_861, %exp3A_856 : vector<16xf32>
    %div3A_863 = arith.divf %sub3A_859, %add3A_862 : vector<16xf32>
    %lt3A_864 = arith.constant 0.000000e+00 : f32
    %lt3A_865 = vector.broadcast %lt3A_864 : f32 to vector<16xf32>
    %lt3A_866 = arith.cmpf olt, %add3A_851, %lt3A_865 : vector<16xf32>
    %neg3A_867 = arith.constant 0.000000e+00 : f32
    %neg3A_868 = vector.broadcast %neg3A_867 : f32 to vector<16xf32>
    %neg3A_869 = arith.subf %neg3A_868, %div3A_863 : vector<16xf32>
    %select_n3A_870 = arith.select %lt3A_866, %neg3A_869, %div3A_863 : vector<16xi1>, vector<16xf32>
    %exp3A_871 = math.exp %select_n3A_870 : vector<16xf32>
    %swap3A_872 = arith.constant 304 : index
    %swap3A_873 = tpu.vector_load %arg9[%swap3A_872] {strides = array<i32>} : memref<512xf32, #tpu.memory_space<vmem>>, vector<16xf32>,
    tpu.vector_store %arg9[%swap3A_872], %exp3A_871 {strides = array<i32>} : memref<512xf32, #tpu.memory_space<vmem>>, vector<16xf32>,
    %add3A_874 = arith.constant 320 : i32
    %add3A_875 = vector.broadcast %add3A_874 : i32 to vector<16xi32>
    %add3A_876 = arith.addi %iota3A, %add3A_875 : vector<16xi32>
    %mul3A_877 = arith.constant 4 : i32
    %mul3A_878 = vector.broadcast %mul3A_877 : i32 to vector<16xi32>
    %mul3A_879 = arith.muli %add3A_876, %mul3A_878 : vector<16xi32>
    %gather3A_880 = tpu.vector_load_idx %arg8[%mul3A_879] : memref<2048xf32, #tpu.memory_space<vmem>>[vector<16xi32>], vector<16xf32>,
    %add3A_881 = arith.constant 1 : i32
    %add3A_882 = vector.broadcast %add3A_881 : i32 to vector<16xi32>
    %add3A_883 = arith.addi %mul3A_879, %add3A_882 : vector<16xi32>
    %gather3A_884 = tpu.vector_load_idx %arg8[%add3A_883] : memref<2048xf32, #tpu.memory_space<vmem>>[vector<16xi32>], vector<16xf32>,
    %add3A_885 = arith.addf %gather3A_880, %gather3A_884 : vector<16xf32>
    %add3A_886 = arith.constant 2 : i32
    %add3A_887 = vector.broadcast %add3A_886 : i32 to vector<16xi32>
    %add3A_888 = arith.addi %mul3A_879, %add3A_887 : vector<16xi32>
    %gather3A_889 = tpu.vector_load_idx %arg8[%add3A_888] : memref<2048xf32, #tpu.memory_space<vmem>>[vector<16xi32>], vector<16xf32>,
    %add3A_890 = arith.addf %add3A_885, %gather3A_889 : vector<16xf32>
    %add3A_891 = arith.constant 3 : i32
    %add3A_892 = vector.broadcast %add3A_891 : i32 to vector<16xi32>
    %add3A_893 = arith.addi %mul3A_879, %add3A_892 : vector<16xi32>
    %gather3A_894 = tpu.vector_load_idx %arg8[%add3A_893] : memref<2048xf32, #tpu.memory_space<vmem>>[vector<16xi32>], vector<16xf32>,
    %add3A_895 = arith.addf %add3A_890, %gather3A_894 : vector<16xf32>
    %abs3A_896 = math.absf %add3A_895 : vector<16xf32>
    %mul3A_897 = arith.constant -2.000000e+00 : f32
    %mul3A_898 = vector.broadcast %mul3A_897 : f32 to vector<16xf32>
    %mul3A_899 = arith.mulf %mul3A_898, %abs3A_896 : vector<16xf32>
    %exp3A_900 = math.exp %mul3A_899 : vector<16xf32>
    %sub3A_901 = arith.constant 1.000000e+00 : f32
    %sub3A_902 = vector.broadcast %sub3A_901 : f32 to vector<16xf32>
    %sub3A_903 = arith.subf %sub3A_902, %exp3A_900 : vector<16xf32>
    %add3A_904 = arith.constant 1.000000e+00 : f32
    %add3A_905 = vector.broadcast %add3A_904 : f32 to vector<16xf32>
    %add3A_906 = arith.addf %add3A_905, %exp3A_900 : vector<16xf32>
    %div3A_907 = arith.divf %sub3A_903, %add3A_906 : vector<16xf32>
    %lt3A_908 = arith.constant 0.000000e+00 : f32
    %lt3A_909 = vector.broadcast %lt3A_908 : f32 to vector<16xf32>
    %lt3A_910 = arith.cmpf olt, %add3A_895, %lt3A_909 : vector<16xf32>
    %neg3A_911 = arith.constant 0.000000e+00 : f32
    %neg3A_912 = vector.broadcast %neg3A_911 : f32 to vector<16xf32>
    %neg3A_913 = arith.subf %neg3A_912, %div3A_907 : vector<16xf32>
    %select_n3A_914 = arith.select %lt3A_910, %neg3A_913, %div3A_907 : vector<16xi1>, vector<16xf32>
    %exp3A_915 = math.exp %select_n3A_914 : vector<16xf32>
    %swap3A_916 = arith.constant 320 : index
    %swap3A_917 = tpu.vector_load %arg9[%swap3A_916] {strides = array<i32>} : memref<512xf32, #tpu.memory_space<vmem>>, vector<16xf32>,
    tpu.vector_store %arg9[%swap3A_916], %exp3A_915 {strides = array<i32>} : memref<512xf32, #tpu.memory_space<vmem>>, vector<16xf32>,
    %add3A_918 = arith.constant 336 : i32
    %add3A_919 = vector.broadcast %add3A_918 : i32 to vector<16xi32>
    %add3A_920 = arith.addi %iota3A, %add3A_919 : vector<16xi32>
    %mul3A_921 = arith.constant 4 : i32
    %mul3A_922 = vector.broadcast %mul3A_921 : i32 to vector<16xi32>
    %mul3A_923 = arith.muli %add3A_920, %mul3A_922 : vector<16xi32>
    %gather3A_924 = tpu.vector_load_idx %arg8[%mul3A_923] : memref<2048xf32, #tpu.memory_space<vmem>>[vector<16xi32>], vector<16xf32>,
    %add3A_925 = arith.constant 1 : i32
    %add3A_926 = vector.broadcast %add3A_925 : i32 to vector<16xi32>
    %add3A_927 = arith.addi %mul3A_923, %add3A_926 : vector<16xi32>
    %gather3A_928 = tpu.vector_load_idx %arg8[%add3A_927] : memref<2048xf32, #tpu.memory_space<vmem>>[vector<16xi32>], vector<16xf32>,
    %add3A_929 = arith.addf %gather3A_924, %gather3A_928 : vector<16xf32>
    %add3A_930 = arith.constant 2 : i32
    %add3A_931 = vector.broadcast %add3A_930 : i32 to vector<16xi32>
    %add3A_932 = arith.addi %mul3A_923, %add3A_931 : vector<16xi32>
    %gather3A_933 = tpu.vector_load_idx %arg8[%add3A_932] : memref<2048xf32, #tpu.memory_space<vmem>>[vector<16xi32>], vector<16xf32>,
    %add3A_934 = arith.addf %add3A_929, %gather3A_933 : vector<16xf32>
    %add3A_935 = arith.constant 3 : i32
    %add3A_936 = vector.broadcast %add3A_935 : i32 to vector<16xi32>
    %add3A_937 = arith.addi %mul3A_923, %add3A_936 : vector<16xi32>
    %gather3A_938 = tpu.vector_load_idx %arg8[%add3A_937] : memref<2048xf32, #tpu.memory_space<vmem>>[vector<16xi32>], vector<16xf32>,
    %add3A_939 = arith.addf %add3A_934, %gather3A_938 : vector<16xf32>
    %abs3A_940 = math.absf %add3A_939 : vector<16xf32>
    %mul3A_941 = arith.constant -2.000000e+00 : f32
    %mul3A_942 = vector.broadcast %mul3A_941 : f32 to vector<16xf32>
    %mul3A_943 = arith.mulf %mul3A_942, %abs3A_940 : vector<16xf32>
    %exp3A_944 = math.exp %mul3A_943 : vector<16xf32>
    %sub3A_945 = arith.constant 1.000000e+00 : f32
    %sub3A_946 = vector.broadcast %sub3A_945 : f32 to vector<16xf32>
    %sub3A_947 = arith.subf %sub3A_946, %exp3A_944 : vector<16xf32>
    %add3A_948 = arith.constant 1.000000e+00 : f32
    %add3A_949 = vector.broadcast %add3A_948 : f32 to vector<16xf32>
    %add3A_950 = arith.addf %add3A_949, %exp3A_944 : vector<16xf32>
    %div3A_951 = arith.divf %sub3A_947, %add3A_950 : vector<16xf32>
    %lt3A_952 = arith.constant 0.000000e+00 : f32
    %lt3A_953 = vector.broadcast %lt3A_952 : f32 to vector<16xf32>
    %lt3A_954 = arith.cmpf olt, %add3A_939, %lt3A_953 : vector<16xf32>
    %neg3A_955 = arith.constant 0.000000e+00 : f32
    %neg3A_956 = vector.broadcast %neg3A_955 : f32 to vector<16xf32>
    %neg3A_957 = arith.subf %neg3A_956, %div3A_951 : vector<16xf32>
    %select_n3A_958 = arith.select %lt3A_954, %neg3A_957, %div3A_951 : vector<16xi1>, vector<16xf32>
    %exp3A_959 = math.exp %select_n3A_958 : vector<16xf32>
    %swap3A_960 = arith.constant 336 : index
    %swap3A_961 = tpu.vector_load %arg9[%swap3A_960] {strides = array<i32>} : memref<512xf32, #tpu.memory_space<vmem>>, vector<16xf32>,
    tpu.vector_store %arg9[%swap3A_960], %exp3A_959 {strides = array<i32>} : memref<512xf32, #tpu.memory_space<vmem>>, vector<16xf32>,
    %add3A_962 = arith.constant 352 : i32
    %add3A_963 = vector.broadcast %add3A_962 : i32 to vector<16xi32>
    %add3A_964 = arith.addi %iota3A, %add3A_963 : vector<16xi32>
    %mul3A_965 = arith.constant 4 : i32
    %mul3A_966 = vector.broadcast %mul3A_965 : i32 to vector<16xi32>
    %mul3A_967 = arith.muli %add3A_964, %mul3A_966 : vector<16xi32>
    %gather3A_968 = tpu.vector_load_idx %arg8[%mul3A_967] : memref<2048xf32, #tpu.memory_space<vmem>>[vector<16xi32>], vector<16xf32>,
    %add3A_969 = arith.constant 1 : i32
    %add3A_970 = vector.broadcast %add3A_969 : i32 to vector<16xi32>
    %add3A_971 = arith.addi %mul3A_967, %add3A_970 : vector<16xi32>
    %gather3A_972 = tpu.vector_load_idx %arg8[%add3A_971] : memref<2048xf32, #tpu.memory_space<vmem>>[vector<16xi32>], vector<16xf32>,
    %add3A_973 = arith.addf %gather3A_968, %gather3A_972 : vector<16xf32>
    %add3A_974 = arith.constant 2 : i32
    %add3A_975 = vector.broadcast %add3A_974 : i32 to vector<16xi32>
    %add3A_976 = arith.addi %mul3A_967, %add3A_975 : vector<16xi32>
    %gather3A_977 = tpu.vector_load_idx %arg8[%add3A_976] : memref<2048xf32, #tpu.memory_space<vmem>>[vector<16xi32>], vector<16xf32>,
    %add3A_978 = arith.addf %add3A_973, %gather3A_977 : vector<16xf32>
    %add3A_979 = arith.constant 3 : i32
    %add3A_980 = vector.broadcast %add3A_979 : i32 to vector<16xi32>
    %add3A_981 = arith.addi %mul3A_967, %add3A_980 : vector<16xi32>
    %gather3A_982 = tpu.vector_load_idx %arg8[%add3A_981] : memref<2048xf32, #tpu.memory_space<vmem>>[vector<16xi32>], vector<16xf32>,
    %add3A_983 = arith.addf %add3A_978, %gather3A_982 : vector<16xf32>
    %abs3A_984 = math.absf %add3A_983 : vector<16xf32>
    %mul3A_985 = arith.constant -2.000000e+00 : f32
    %mul3A_986 = vector.broadcast %mul3A_985 : f32 to vector<16xf32>
    %mul3A_987 = arith.mulf %mul3A_986, %abs3A_984 : vector<16xf32>
    %exp3A_988 = math.exp %mul3A_987 : vector<16xf32>
    %sub3A_989 = arith.constant 1.000000e+00 : f32
    %sub3A_990 = vector.broadcast %sub3A_989 : f32 to vector<16xf32>
    %sub3A_991 = arith.subf %sub3A_990, %exp3A_988 : vector<16xf32>
    %add3A_992 = arith.constant 1.000000e+00 : f32
    %add3A_993 = vector.broadcast %add3A_992 : f32 to vector<16xf32>
    %add3A_994 = arith.addf %add3A_993, %exp3A_988 : vector<16xf32>
    %div3A_995 = arith.divf %sub3A_991, %add3A_994 : vector<16xf32>
    %lt3A_996 = arith.constant 0.000000e+00 : f32
    %lt3A_997 = vector.broadcast %lt3A_996 : f32 to vector<16xf32>
    %lt3A_998 = arith.cmpf olt, %add3A_983, %lt3A_997 : vector<16xf32>
    %neg3A_999 = arith.constant 0.000000e+00 : f32
    %neg3A_1000 = vector.broadcast %neg3A_999 : f32 to vector<16xf32>
    %neg3A_1001 = arith.subf %neg3A_1000, %div3A_995 : vector<16xf32>
    %select_n3A_1002 = arith.select %lt3A_998, %neg3A_1001, %div3A_995 : vector<16xi1>, vector<16xf32>
    %exp3A_1003 = math.exp %select_n3A_1002 : vector<16xf32>
    %swap3A_1004 = arith.constant 352 : index
    %swap3A_1005 = tpu.vector_load %arg9[%swap3A_1004] {strides = array<i32>} : memref<512xf32, #tpu.memory_space<vmem>>, vector<16xf32>,
    tpu.vector_store %arg9[%swap3A_1004], %exp3A_1003 {strides = array<i32>} : memref<512xf32, #tpu.memory_space<vmem>>, vector<16xf32>,
    %add3A_1006 = arith.constant 368 : i32
    %add3A_1007 = vector.broadcast %add3A_1006 : i32 to vector<16xi32>
    %add3A_1008 = arith.addi %iota3A, %add3A_1007 : vector<16xi32>
    %mul3A_1009 = arith.constant 4 : i32
    %mul3A_1010 = vector.broadcast %mul3A_1009 : i32 to vector<16xi32>
    %mul3A_1011 = arith.muli %add3A_1008, %mul3A_1010 : vector<16xi32>
    %gather3A_1012 = tpu.vector_load_idx %arg8[%mul3A_1011] : memref<2048xf32, #tpu.memory_space<vmem>>[vector<16xi32>], vector<16xf32>,
    %add3A_1013 = arith.constant 1 : i32
    %add3A_1014 = vector.broadcast %add3A_1013 : i32 to vector<16xi32>
    %add3A_1015 = arith.addi %mul3A_1011, %add3A_1014 : vector<16xi32>
    %gather3A_1016 = tpu.vector_load_idx %arg8[%add3A_1015] : memref<2048xf32, #tpu.memory_space<vmem>>[vector<16xi32>], vector<16xf32>,
    %add3A_1017 = arith.addf %gather3A_1012, %gather3A_1016 : vector<16xf32>
    %add3A_1018 = arith.constant 2 : i32
    %add3A_1019 = vector.broadcast %add3A_1018 : i32 to vector<16xi32>
    %add3A_1020 = arith.addi %mul3A_1011, %add3A_1019 : vector<16xi32>
    %gather3A_1021 = tpu.vector_load_idx %arg8[%add3A_1020] : memref<2048xf32, #tpu.memory_space<vmem>>[vector<16xi32>], vector<16xf32>,
    %add3A_1022 = arith.addf %add3A_1017, %gather3A_1021 : vector<16xf32>
    %add3A_1023 = arith.constant 3 : i32
    %add3A_1024 = vector.broadcast %add3A_1023 : i32 to vector<16xi32>
    %add3A_1025 = arith.addi %mul3A_1011, %add3A_1024 : vector<16xi32>
    %gather3A_1026 = tpu.vector_load_idx %arg8[%add3A_1025] : memref<2048xf32, #tpu.memory_space<vmem>>[vector<16xi32>], vector<16xf32>,
    %add3A_1027 = arith.addf %add3A_1022, %gather3A_1026 : vector<16xf32>
    %abs3A_1028 = math.absf %add3A_1027 : vector<16xf32>
    %mul3A_1029 = arith.constant -2.000000e+00 : f32
    %mul3A_1030 = vector.broadcast %mul3A_1029 : f32 to vector<16xf32>
    %mul3A_1031 = arith.mulf %mul3A_1030, %abs3A_1028 : vector<16xf32>
    %exp3A_1032 = math.exp %mul3A_1031 : vector<16xf32>
    %sub3A_1033 = arith.constant 1.000000e+00 : f32
    %sub3A_1034 = vector.broadcast %sub3A_1033 : f32 to vector<16xf32>
    %sub3A_1035 = arith.subf %sub3A_1034, %exp3A_1032 : vector<16xf32>
    %add3A_1036 = arith.constant 1.000000e+00 : f32
    %add3A_1037 = vector.broadcast %add3A_1036 : f32 to vector<16xf32>
    %add3A_1038 = arith.addf %add3A_1037, %exp3A_1032 : vector<16xf32>
    %div3A_1039 = arith.divf %sub3A_1035, %add3A_1038 : vector<16xf32>
    %lt3A_1040 = arith.constant 0.000000e+00 : f32
    %lt3A_1041 = vector.broadcast %lt3A_1040 : f32 to vector<16xf32>
    %lt3A_1042 = arith.cmpf olt, %add3A_1027, %lt3A_1041 : vector<16xf32>
    %neg3A_1043 = arith.constant 0.000000e+00 : f32
    %neg3A_1044 = vector.broadcast %neg3A_1043 : f32 to vector<16xf32>
    %neg3A_1045 = arith.subf %neg3A_1044, %div3A_1039 : vector<16xf32>
    %select_n3A_1046 = arith.select %lt3A_1042, %neg3A_1045, %div3A_1039 : vector<16xi1>, vector<16xf32>
    %exp3A_1047 = math.exp %select_n3A_1046 : vector<16xf32>
    %swap3A_1048 = arith.constant 368 : index
    %swap3A_1049 = tpu.vector_load %arg9[%swap3A_1048] {strides = array<i32>} : memref<512xf32, #tpu.memory_space<vmem>>, vector<16xf32>,
    tpu.vector_store %arg9[%swap3A_1048], %exp3A_1047 {strides = array<i32>} : memref<512xf32, #tpu.memory_space<vmem>>, vector<16xf32>,
    %add3A_1050 = arith.constant 384 : i32
    %add3A_1051 = vector.broadcast %add3A_1050 : i32 to vector<16xi32>
    %add3A_1052 = arith.addi %iota3A, %add3A_1051 : vector<16xi32>
    %mul3A_1053 = arith.constant 4 : i32
    %mul3A_1054 = vector.broadcast %mul3A_1053 : i32 to vector<16xi32>
    %mul3A_1055 = arith.muli %add3A_1052, %mul3A_1054 : vector<16xi32>
    %gather3A_1056 = tpu.vector_load_idx %arg8[%mul3A_1055] : memref<2048xf32, #tpu.memory_space<vmem>>[vector<16xi32>], vector<16xf32>,
    %add3A_1057 = arith.constant 1 : i32
    %add3A_1058 = vector.broadcast %add3A_1057 : i32 to vector<16xi32>
    %add3A_1059 = arith.addi %mul3A_1055, %add3A_1058 : vector<16xi32>
    %gather3A_1060 = tpu.vector_load_idx %arg8[%add3A_1059] : memref<2048xf32, #tpu.memory_space<vmem>>[vector<16xi32>], vector<16xf32>,
    %add3A_1061 = arith.addf %gather3A_1056, %gather3A_1060 : vector<16xf32>
    %add3A_1062 = arith.constant 2 : i32
    %add3A_1063 = vector.broadcast %add3A_1062 : i32 to vector<16xi32>
    %add3A_1064 = arith.addi %mul3A_1055, %add3A_1063 : vector<16xi32>
    %gather3A_1065 = tpu.vector_load_idx %arg8[%add3A_1064] : memref<2048xf32, #tpu.memory_space<vmem>>[vector<16xi32>], vector<16xf32>,
    %add3A_1066 = arith.addf %add3A_1061, %gather3A_1065 : vector<16xf32>
    %add3A_1067 = arith.constant 3 : i32
    %add3A_1068 = vector.broadcast %add3A_1067 : i32 to vector<16xi32>
    %add3A_1069 = arith.addi %mul3A_1055, %add3A_1068 : vector<16xi32>
    %gather3A_1070 = tpu.vector_load_idx %arg8[%add3A_1069] : memref<2048xf32, #tpu.memory_space<vmem>>[vector<16xi32>], vector<16xf32>,
    %add3A_1071 = arith.addf %add3A_1066, %gather3A_1070 : vector<16xf32>
    %abs3A_1072 = math.absf %add3A_1071 : vector<16xf32>
    %mul3A_1073 = arith.constant -2.000000e+00 : f32
    %mul3A_1074 = vector.broadcast %mul3A_1073 : f32 to vector<16xf32>
    %mul3A_1075 = arith.mulf %mul3A_1074, %abs3A_1072 : vector<16xf32>
    %exp3A_1076 = math.exp %mul3A_1075 : vector<16xf32>
    %sub3A_1077 = arith.constant 1.000000e+00 : f32
    %sub3A_1078 = vector.broadcast %sub3A_1077 : f32 to vector<16xf32>
    %sub3A_1079 = arith.subf %sub3A_1078, %exp3A_1076 : vector<16xf32>
    %add3A_1080 = arith.constant 1.000000e+00 : f32
    %add3A_1081 = vector.broadcast %add3A_1080 : f32 to vector<16xf32>
    %add3A_1082 = arith.addf %add3A_1081, %exp3A_1076 : vector<16xf32>
    %div3A_1083 = arith.divf %sub3A_1079, %add3A_1082 : vector<16xf32>
    %lt3A_1084 = arith.constant 0.000000e+00 : f32
    %lt3A_1085 = vector.broadcast %lt3A_1084 : f32 to vector<16xf32>
    %lt3A_1086 = arith.cmpf olt, %add3A_1071, %lt3A_1085 : vector<16xf32>
    %neg3A_1087 = arith.constant 0.000000e+00 : f32
    %neg3A_1088 = vector.broadcast %neg3A_1087 : f32 to vector<16xf32>
    %neg3A_1089 = arith.subf %neg3A_1088, %div3A_1083 : vector<16xf32>
    %select_n3A_1090 = arith.select %lt3A_1086, %neg3A_1089, %div3A_1083 : vector<16xi1>, vector<16xf32>
    %exp3A_1091 = math.exp %select_n3A_1090 : vector<16xf32>
    %swap3A_1092 = arith.constant 384 : index
    %swap3A_1093 = tpu.vector_load %arg9[%swap3A_1092] {strides = array<i32>} : memref<512xf32, #tpu.memory_space<vmem>>, vector<16xf32>,
    tpu.vector_store %arg9[%swap3A_1092], %exp3A_1091 {strides = array<i32>} : memref<512xf32, #tpu.memory_space<vmem>>, vector<16xf32>,
    %add3A_1094 = arith.constant 400 : i32
    %add3A_1095 = vector.broadcast %add3A_1094 : i32 to vector<16xi32>
    %add3A_1096 = arith.addi %iota3A, %add3A_1095 : vector<16xi32>
    %mul3A_1097 = arith.constant 4 : i32
    %mul3A_1098 = vector.broadcast %mul3A_1097 : i32 to vector<16xi32>
    %mul3A_1099 = arith.muli %add3A_1096, %mul3A_1098 : vector<16xi32>
    %gather3A_1100 = tpu.vector_load_idx %arg8[%mul3A_1099] : memref<2048xf32, #tpu.memory_space<vmem>>[vector<16xi32>], vector<16xf32>,
    %add3A_1101 = arith.constant 1 : i32
    %add3A_1102 = vector.broadcast %add3A_1101 : i32 to vector<16xi32>
    %add3A_1103 = arith.addi %mul3A_1099, %add3A_1102 : vector<16xi32>
    %gather3A_1104 = tpu.vector_load_idx %arg8[%add3A_1103] : memref<2048xf32, #tpu.memory_space<vmem>>[vector<16xi32>], vector<16xf32>,
    %add3A_1105 = arith.addf %gather3A_1100, %gather3A_1104 : vector<16xf32>
    %add3A_1106 = arith.constant 2 : i32
    %add3A_1107 = vector.broadcast %add3A_1106 : i32 to vector<16xi32>
    %add3A_1108 = arith.addi %mul3A_1099, %add3A_1107 : vector<16xi32>
    %gather3A_1109 = tpu.vector_load_idx %arg8[%add3A_1108] : memref<2048xf32, #tpu.memory_space<vmem>>[vector<16xi32>], vector<16xf32>,
    %add3A_1110 = arith.addf %add3A_1105, %gather3A_1109 : vector<16xf32>
    %add3A_1111 = arith.constant 3 : i32
    %add3A_1112 = vector.broadcast %add3A_1111 : i32 to vector<16xi32>
    %add3A_1113 = arith.addi %mul3A_1099, %add3A_1112 : vector<16xi32>
    %gather3A_1114 = tpu.vector_load_idx %arg8[%add3A_1113] : memref<2048xf32, #tpu.memory_space<vmem>>[vector<16xi32>], vector<16xf32>,
    %add3A_1115 = arith.addf %add3A_1110, %gather3A_1114 : vector<16xf32>
    %abs3A_1116 = math.absf %add3A_1115 : vector<16xf32>
    %mul3A_1117 = arith.constant -2.000000e+00 : f32
    %mul3A_1118 = vector.broadcast %mul3A_1117 : f32 to vector<16xf32>
    %mul3A_1119 = arith.mulf %mul3A_1118, %abs3A_1116 : vector<16xf32>
    %exp3A_1120 = math.exp %mul3A_1119 : vector<16xf32>
    %sub3A_1121 = arith.constant 1.000000e+00 : f32
    %sub3A_1122 = vector.broadcast %sub3A_1121 : f32 to vector<16xf32>
    %sub3A_1123 = arith.subf %sub3A_1122, %exp3A_1120 : vector<16xf32>
    %add3A_1124 = arith.constant 1.000000e+00 : f32
    %add3A_1125 = vector.broadcast %add3A_1124 : f32 to vector<16xf32>
    %add3A_1126 = arith.addf %add3A_1125, %exp3A_1120 : vector<16xf32>
    %div3A_1127 = arith.divf %sub3A_1123, %add3A_1126 : vector<16xf32>
    %lt3A_1128 = arith.constant 0.000000e+00 : f32
    %lt3A_1129 = vector.broadcast %lt3A_1128 : f32 to vector<16xf32>
    %lt3A_1130 = arith.cmpf olt, %add3A_1115, %lt3A_1129 : vector<16xf32>
    %neg3A_1131 = arith.constant 0.000000e+00 : f32
    %neg3A_1132 = vector.broadcast %neg3A_1131 : f32 to vector<16xf32>
    %neg3A_1133 = arith.subf %neg3A_1132, %div3A_1127 : vector<16xf32>
    %select_n3A_1134 = arith.select %lt3A_1130, %neg3A_1133, %div3A_1127 : vector<16xi1>, vector<16xf32>
    %exp3A_1135 = math.exp %select_n3A_1134 : vector<16xf32>
    %swap3A_1136 = arith.constant 400 : index
    %swap3A_1137 = tpu.vector_load %arg9[%swap3A_1136] {strides = array<i32>} : memref<512xf32, #tpu.memory_space<vmem>>, vector<16xf32>,
    tpu.vector_store %arg9[%swap3A_1136], %exp3A_1135 {strides = array<i32>} : memref<512xf32, #tpu.memory_space<vmem>>, vector<16xf32>,
    %add3A_1138 = arith.constant 416 : i32
    %add3A_1139 = vector.broadcast %add3A_1138 : i32 to vector<16xi32>
    %add3A_1140 = arith.addi %iota3A, %add3A_1139 : vector<16xi32>
    %mul3A_1141 = arith.constant 4 : i32
    %mul3A_1142 = vector.broadcast %mul3A_1141 : i32 to vector<16xi32>
    %mul3A_1143 = arith.muli %add3A_1140, %mul3A_1142 : vector<16xi32>
    %gather3A_1144 = tpu.vector_load_idx %arg8[%mul3A_1143] : memref<2048xf32, #tpu.memory_space<vmem>>[vector<16xi32>], vector<16xf32>,
    %add3A_1145 = arith.constant 1 : i32
    %add3A_1146 = vector.broadcast %add3A_1145 : i32 to vector<16xi32>
    %add3A_1147 = arith.addi %mul3A_1143, %add3A_1146 : vector<16xi32>
    %gather3A_1148 = tpu.vector_load_idx %arg8[%add3A_1147] : memref<2048xf32, #tpu.memory_space<vmem>>[vector<16xi32>], vector<16xf32>,
    %add3A_1149 = arith.addf %gather3A_1144, %gather3A_1148 : vector<16xf32>
    %add3A_1150 = arith.constant 2 : i32
    %add3A_1151 = vector.broadcast %add3A_1150 : i32 to vector<16xi32>
    %add3A_1152 = arith.addi %mul3A_1143, %add3A_1151 : vector<16xi32>
    %gather3A_1153 = tpu.vector_load_idx %arg8[%add3A_1152] : memref<2048xf32, #tpu.memory_space<vmem>>[vector<16xi32>], vector<16xf32>,
    %add3A_1154 = arith.addf %add3A_1149, %gather3A_1153 : vector<16xf32>
    %add3A_1155 = arith.constant 3 : i32
    %add3A_1156 = vector.broadcast %add3A_1155 : i32 to vector<16xi32>
    %add3A_1157 = arith.addi %mul3A_1143, %add3A_1156 : vector<16xi32>
    %gather3A_1158 = tpu.vector_load_idx %arg8[%add3A_1157] : memref<2048xf32, #tpu.memory_space<vmem>>[vector<16xi32>], vector<16xf32>,
    %add3A_1159 = arith.addf %add3A_1154, %gather3A_1158 : vector<16xf32>
    %abs3A_1160 = math.absf %add3A_1159 : vector<16xf32>
    %mul3A_1161 = arith.constant -2.000000e+00 : f32
    %mul3A_1162 = vector.broadcast %mul3A_1161 : f32 to vector<16xf32>
    %mul3A_1163 = arith.mulf %mul3A_1162, %abs3A_1160 : vector<16xf32>
    %exp3A_1164 = math.exp %mul3A_1163 : vector<16xf32>
    %sub3A_1165 = arith.constant 1.000000e+00 : f32
    %sub3A_1166 = vector.broadcast %sub3A_1165 : f32 to vector<16xf32>
    %sub3A_1167 = arith.subf %sub3A_1166, %exp3A_1164 : vector<16xf32>
    %add3A_1168 = arith.constant 1.000000e+00 : f32
    %add3A_1169 = vector.broadcast %add3A_1168 : f32 to vector<16xf32>
    %add3A_1170 = arith.addf %add3A_1169, %exp3A_1164 : vector<16xf32>
    %div3A_1171 = arith.divf %sub3A_1167, %add3A_1170 : vector<16xf32>
    %lt3A_1172 = arith.constant 0.000000e+00 : f32
    %lt3A_1173 = vector.broadcast %lt3A_1172 : f32 to vector<16xf32>
    %lt3A_1174 = arith.cmpf olt, %add3A_1159, %lt3A_1173 : vector<16xf32>
    %neg3A_1175 = arith.constant 0.000000e+00 : f32
    %neg3A_1176 = vector.broadcast %neg3A_1175 : f32 to vector<16xf32>
    %neg3A_1177 = arith.subf %neg3A_1176, %div3A_1171 : vector<16xf32>
    %select_n3A_1178 = arith.select %lt3A_1174, %neg3A_1177, %div3A_1171 : vector<16xi1>, vector<16xf32>
    %exp3A_1179 = math.exp %select_n3A_1178 : vector<16xf32>
    %swap3A_1180 = arith.constant 416 : index
    %swap3A_1181 = tpu.vector_load %arg9[%swap3A_1180] {strides = array<i32>} : memref<512xf32, #tpu.memory_space<vmem>>, vector<16xf32>,
    tpu.vector_store %arg9[%swap3A_1180], %exp3A_1179 {strides = array<i32>} : memref<512xf32, #tpu.memory_space<vmem>>, vector<16xf32>,
    %add3A_1182 = arith.constant 432 : i32
    %add3A_1183 = vector.broadcast %add3A_1182 : i32 to vector<16xi32>
    %add3A_1184 = arith.addi %iota3A, %add3A_1183 : vector<16xi32>
    %mul3A_1185 = arith.constant 4 : i32
    %mul3A_1186 = vector.broadcast %mul3A_1185 : i32 to vector<16xi32>
    %mul3A_1187 = arith.muli %add3A_1184, %mul3A_1186 : vector<16xi32>
    %gather3A_1188 = tpu.vector_load_idx %arg8[%mul3A_1187] : memref<2048xf32, #tpu.memory_space<vmem>>[vector<16xi32>], vector<16xf32>,
    %add3A_1189 = arith.constant 1 : i32
    %add3A_1190 = vector.broadcast %add3A_1189 : i32 to vector<16xi32>
    %add3A_1191 = arith.addi %mul3A_1187, %add3A_1190 : vector<16xi32>
    %gather3A_1192 = tpu.vector_load_idx %arg8[%add3A_1191] : memref<2048xf32, #tpu.memory_space<vmem>>[vector<16xi32>], vector<16xf32>,
    %add3A_1193 = arith.addf %gather3A_1188, %gather3A_1192 : vector<16xf32>
    %add3A_1194 = arith.constant 2 : i32
    %add3A_1195 = vector.broadcast %add3A_1194 : i32 to vector<16xi32>
    %add3A_1196 = arith.addi %mul3A_1187, %add3A_1195 : vector<16xi32>
    %gather3A_1197 = tpu.vector_load_idx %arg8[%add3A_1196] : memref<2048xf32, #tpu.memory_space<vmem>>[vector<16xi32>], vector<16xf32>,
    %add3A_1198 = arith.addf %add3A_1193, %gather3A_1197 : vector<16xf32>
    %add3A_1199 = arith.constant 3 : i32
    %add3A_1200 = vector.broadcast %add3A_1199 : i32 to vector<16xi32>
    %add3A_1201 = arith.addi %mul3A_1187, %add3A_1200 : vector<16xi32>
    %gather3A_1202 = tpu.vector_load_idx %arg8[%add3A_1201] : memref<2048xf32, #tpu.memory_space<vmem>>[vector<16xi32>], vector<16xf32>,
    %add3A_1203 = arith.addf %add3A_1198, %gather3A_1202 : vector<16xf32>
    %abs3A_1204 = math.absf %add3A_1203 : vector<16xf32>
    %mul3A_1205 = arith.constant -2.000000e+00 : f32
    %mul3A_1206 = vector.broadcast %mul3A_1205 : f32 to vector<16xf32>
    %mul3A_1207 = arith.mulf %mul3A_1206, %abs3A_1204 : vector<16xf32>
    %exp3A_1208 = math.exp %mul3A_1207 : vector<16xf32>
    %sub3A_1209 = arith.constant 1.000000e+00 : f32
    %sub3A_1210 = vector.broadcast %sub3A_1209 : f32 to vector<16xf32>
    %sub3A_1211 = arith.subf %sub3A_1210, %exp3A_1208 : vector<16xf32>
    %add3A_1212 = arith.constant 1.000000e+00 : f32
    %add3A_1213 = vector.broadcast %add3A_1212 : f32 to vector<16xf32>
    %add3A_1214 = arith.addf %add3A_1213, %exp3A_1208 : vector<16xf32>
    %div3A_1215 = arith.divf %sub3A_1211, %add3A_1214 : vector<16xf32>
    %lt3A_1216 = arith.constant 0.000000e+00 : f32
    %lt3A_1217 = vector.broadcast %lt3A_1216 : f32 to vector<16xf32>
    %lt3A_1218 = arith.cmpf olt, %add3A_1203, %lt3A_1217 : vector<16xf32>
    %neg3A_1219 = arith.constant 0.000000e+00 : f32
    %neg3A_1220 = vector.broadcast %neg3A_1219 : f32 to vector<16xf32>
    %neg3A_1221 = arith.subf %neg3A_1220, %div3A_1215 : vector<16xf32>
    %select_n3A_1222 = arith.select %lt3A_1218, %neg3A_1221, %div3A_1215 : vector<16xi1>, vector<16xf32>
    %exp3A_1223 = math.exp %select_n3A_1222 : vector<16xf32>
    %swap3A_1224 = arith.constant 432 : index
    %swap3A_1225 = tpu.vector_load %arg9[%swap3A_1224] {strides = array<i32>} : memref<512xf32, #tpu.memory_space<vmem>>, vector<16xf32>,
    tpu.vector_store %arg9[%swap3A_1224], %exp3A_1223 {strides = array<i32>} : memref<512xf32, #tpu.memory_space<vmem>>, vector<16xf32>,
    %add3A_1226 = arith.constant 448 : i32
    %add3A_1227 = vector.broadcast %add3A_1226 : i32 to vector<16xi32>
    %add3A_1228 = arith.addi %iota3A, %add3A_1227 : vector<16xi32>
    %mul3A_1229 = arith.constant 4 : i32
    %mul3A_1230 = vector.broadcast %mul3A_1229 : i32 to vector<16xi32>
    %mul3A_1231 = arith.muli %add3A_1228, %mul3A_1230 : vector<16xi32>
    %gather3A_1232 = tpu.vector_load_idx %arg8[%mul3A_1231] : memref<2048xf32, #tpu.memory_space<vmem>>[vector<16xi32>], vector<16xf32>,
    %add3A_1233 = arith.constant 1 : i32
    %add3A_1234 = vector.broadcast %add3A_1233 : i32 to vector<16xi32>
    %add3A_1235 = arith.addi %mul3A_1231, %add3A_1234 : vector<16xi32>
    %gather3A_1236 = tpu.vector_load_idx %arg8[%add3A_1235] : memref<2048xf32, #tpu.memory_space<vmem>>[vector<16xi32>], vector<16xf32>,
    %add3A_1237 = arith.addf %gather3A_1232, %gather3A_1236 : vector<16xf32>
    %add3A_1238 = arith.constant 2 : i32
    %add3A_1239 = vector.broadcast %add3A_1238 : i32 to vector<16xi32>
    %add3A_1240 = arith.addi %mul3A_1231, %add3A_1239 : vector<16xi32>
    %gather3A_1241 = tpu.vector_load_idx %arg8[%add3A_1240] : memref<2048xf32, #tpu.memory_space<vmem>>[vector<16xi32>], vector<16xf32>,
    %add3A_1242 = arith.addf %add3A_1237, %gather3A_1241 : vector<16xf32>
    %add3A_1243 = arith.constant 3 : i32
    %add3A_1244 = vector.broadcast %add3A_1243 : i32 to vector<16xi32>
    %add3A_1245 = arith.addi %mul3A_1231, %add3A_1244 : vector<16xi32>
    %gather3A_1246 = tpu.vector_load_idx %arg8[%add3A_1245] : memref<2048xf32, #tpu.memory_space<vmem>>[vector<16xi32>], vector<16xf32>,
    %add3A_1247 = arith.addf %add3A_1242, %gather3A_1246 : vector<16xf32>
    %abs3A_1248 = math.absf %add3A_1247 : vector<16xf32>
    %mul3A_1249 = arith.constant -2.000000e+00 : f32
    %mul3A_1250 = vector.broadcast %mul3A_1249 : f32 to vector<16xf32>
    %mul3A_1251 = arith.mulf %mul3A_1250, %abs3A_1248 : vector<16xf32>
    %exp3A_1252 = math.exp %mul3A_1251 : vector<16xf32>
    %sub3A_1253 = arith.constant 1.000000e+00 : f32
    %sub3A_1254 = vector.broadcast %sub3A_1253 : f32 to vector<16xf32>
    %sub3A_1255 = arith.subf %sub3A_1254, %exp3A_1252 : vector<16xf32>
    %add3A_1256 = arith.constant 1.000000e+00 : f32
    %add3A_1257 = vector.broadcast %add3A_1256 : f32 to vector<16xf32>
    %add3A_1258 = arith.addf %add3A_1257, %exp3A_1252 : vector<16xf32>
    %div3A_1259 = arith.divf %sub3A_1255, %add3A_1258 : vector<16xf32>
    %lt3A_1260 = arith.constant 0.000000e+00 : f32
    %lt3A_1261 = vector.broadcast %lt3A_1260 : f32 to vector<16xf32>
    %lt3A_1262 = arith.cmpf olt, %add3A_1247, %lt3A_1261 : vector<16xf32>
    %neg3A_1263 = arith.constant 0.000000e+00 : f32
    %neg3A_1264 = vector.broadcast %neg3A_1263 : f32 to vector<16xf32>
    %neg3A_1265 = arith.subf %neg3A_1264, %div3A_1259 : vector<16xf32>
    %select_n3A_1266 = arith.select %lt3A_1262, %neg3A_1265, %div3A_1259 : vector<16xi1>, vector<16xf32>
    %exp3A_1267 = math.exp %select_n3A_1266 : vector<16xf32>
    %swap3A_1268 = arith.constant 448 : index
    %swap3A_1269 = tpu.vector_load %arg9[%swap3A_1268] {strides = array<i32>} : memref<512xf32, #tpu.memory_space<vmem>>, vector<16xf32>,
    tpu.vector_store %arg9[%swap3A_1268], %exp3A_1267 {strides = array<i32>} : memref<512xf32, #tpu.memory_space<vmem>>, vector<16xf32>,
    %add3A_1270 = arith.constant 464 : i32
    %add3A_1271 = vector.broadcast %add3A_1270 : i32 to vector<16xi32>
    %add3A_1272 = arith.addi %iota3A, %add3A_1271 : vector<16xi32>
    %mul3A_1273 = arith.constant 4 : i32
    %mul3A_1274 = vector.broadcast %mul3A_1273 : i32 to vector<16xi32>
    %mul3A_1275 = arith.muli %add3A_1272, %mul3A_1274 : vector<16xi32>
    %gather3A_1276 = tpu.vector_load_idx %arg8[%mul3A_1275] : memref<2048xf32, #tpu.memory_space<vmem>>[vector<16xi32>], vector<16xf32>,
    %add3A_1277 = arith.constant 1 : i32
    %add3A_1278 = vector.broadcast %add3A_1277 : i32 to vector<16xi32>
    %add3A_1279 = arith.addi %mul3A_1275, %add3A_1278 : vector<16xi32>
    %gather3A_1280 = tpu.vector_load_idx %arg8[%add3A_1279] : memref<2048xf32, #tpu.memory_space<vmem>>[vector<16xi32>], vector<16xf32>,
    %add3A_1281 = arith.addf %gather3A_1276, %gather3A_1280 : vector<16xf32>
    %add3A_1282 = arith.constant 2 : i32
    %add3A_1283 = vector.broadcast %add3A_1282 : i32 to vector<16xi32>
    %add3A_1284 = arith.addi %mul3A_1275, %add3A_1283 : vector<16xi32>
    %gather3A_1285 = tpu.vector_load_idx %arg8[%add3A_1284] : memref<2048xf32, #tpu.memory_space<vmem>>[vector<16xi32>], vector<16xf32>,
    %add3A_1286 = arith.addf %add3A_1281, %gather3A_1285 : vector<16xf32>
    %add3A_1287 = arith.constant 3 : i32
    %add3A_1288 = vector.broadcast %add3A_1287 : i32 to vector<16xi32>
    %add3A_1289 = arith.addi %mul3A_1275, %add3A_1288 : vector<16xi32>
    %gather3A_1290 = tpu.vector_load_idx %arg8[%add3A_1289] : memref<2048xf32, #tpu.memory_space<vmem>>[vector<16xi32>], vector<16xf32>,
    %add3A_1291 = arith.addf %add3A_1286, %gather3A_1290 : vector<16xf32>
    %abs3A_1292 = math.absf %add3A_1291 : vector<16xf32>
    %mul3A_1293 = arith.constant -2.000000e+00 : f32
    %mul3A_1294 = vector.broadcast %mul3A_1293 : f32 to vector<16xf32>
    %mul3A_1295 = arith.mulf %mul3A_1294, %abs3A_1292 : vector<16xf32>
    %exp3A_1296 = math.exp %mul3A_1295 : vector<16xf32>
    %sub3A_1297 = arith.constant 1.000000e+00 : f32
    %sub3A_1298 = vector.broadcast %sub3A_1297 : f32 to vector<16xf32>
    %sub3A_1299 = arith.subf %sub3A_1298, %exp3A_1296 : vector<16xf32>
    %add3A_1300 = arith.constant 1.000000e+00 : f32
    %add3A_1301 = vector.broadcast %add3A_1300 : f32 to vector<16xf32>
    %add3A_1302 = arith.addf %add3A_1301, %exp3A_1296 : vector<16xf32>
    %div3A_1303 = arith.divf %sub3A_1299, %add3A_1302 : vector<16xf32>
    %lt3A_1304 = arith.constant 0.000000e+00 : f32
    %lt3A_1305 = vector.broadcast %lt3A_1304 : f32 to vector<16xf32>
    %lt3A_1306 = arith.cmpf olt, %add3A_1291, %lt3A_1305 : vector<16xf32>
    %neg3A_1307 = arith.constant 0.000000e+00 : f32
    %neg3A_1308 = vector.broadcast %neg3A_1307 : f32 to vector<16xf32>
    %neg3A_1309 = arith.subf %neg3A_1308, %div3A_1303 : vector<16xf32>
    %select_n3A_1310 = arith.select %lt3A_1306, %neg3A_1309, %div3A_1303 : vector<16xi1>, vector<16xf32>
    %exp3A_1311 = math.exp %select_n3A_1310 : vector<16xf32>
    %swap3A_1312 = arith.constant 464 : index
    %swap3A_1313 = tpu.vector_load %arg9[%swap3A_1312] {strides = array<i32>} : memref<512xf32, #tpu.memory_space<vmem>>, vector<16xf32>,
    tpu.vector_store %arg9[%swap3A_1312], %exp3A_1311 {strides = array<i32>} : memref<512xf32, #tpu.memory_space<vmem>>, vector<16xf32>,
    %add3A_1314 = arith.constant 480 : i32
    %add3A_1315 = vector.broadcast %add3A_1314 : i32 to vector<16xi32>
    %add3A_1316 = arith.addi %iota3A, %add3A_1315 : vector<16xi32>
    %mul3A_1317 = arith.constant 4 : i32
    %mul3A_1318 = vector.broadcast %mul3A_1317 : i32 to vector<16xi32>
    %mul3A_1319 = arith.muli %add3A_1316, %mul3A_1318 : vector<16xi32>
    %gather3A_1320 = tpu.vector_load_idx %arg8[%mul3A_1319] : memref<2048xf32, #tpu.memory_space<vmem>>[vector<16xi32>], vector<16xf32>,
    %add3A_1321 = arith.constant 1 : i32
    %add3A_1322 = vector.broadcast %add3A_1321 : i32 to vector<16xi32>
    %add3A_1323 = arith.addi %mul3A_1319, %add3A_1322 : vector<16xi32>
    %gather3A_1324 = tpu.vector_load_idx %arg8[%add3A_1323] : memref<2048xf32, #tpu.memory_space<vmem>>[vector<16xi32>], vector<16xf32>,
    %add3A_1325 = arith.addf %gather3A_1320, %gather3A_1324 : vector<16xf32>
    %add3A_1326 = arith.constant 2 : i32
    %add3A_1327 = vector.broadcast %add3A_1326 : i32 to vector<16xi32>
    %add3A_1328 = arith.addi %mul3A_1319, %add3A_1327 : vector<16xi32>
    %gather3A_1329 = tpu.vector_load_idx %arg8[%add3A_1328] : memref<2048xf32, #tpu.memory_space<vmem>>[vector<16xi32>], vector<16xf32>,
    %add3A_1330 = arith.addf %add3A_1325, %gather3A_1329 : vector<16xf32>
    %add3A_1331 = arith.constant 3 : i32
    %add3A_1332 = vector.broadcast %add3A_1331 : i32 to vector<16xi32>
    %add3A_1333 = arith.addi %mul3A_1319, %add3A_1332 : vector<16xi32>
    %gather3A_1334 = tpu.vector_load_idx %arg8[%add3A_1333] : memref<2048xf32, #tpu.memory_space<vmem>>[vector<16xi32>], vector<16xf32>,
    %add3A_1335 = arith.addf %add3A_1330, %gather3A_1334 : vector<16xf32>
    %abs3A_1336 = math.absf %add3A_1335 : vector<16xf32>
    %mul3A_1337 = arith.constant -2.000000e+00 : f32
    %mul3A_1338 = vector.broadcast %mul3A_1337 : f32 to vector<16xf32>
    %mul3A_1339 = arith.mulf %mul3A_1338, %abs3A_1336 : vector<16xf32>
    %exp3A_1340 = math.exp %mul3A_1339 : vector<16xf32>
    %sub3A_1341 = arith.constant 1.000000e+00 : f32
    %sub3A_1342 = vector.broadcast %sub3A_1341 : f32 to vector<16xf32>
    %sub3A_1343 = arith.subf %sub3A_1342, %exp3A_1340 : vector<16xf32>
    %add3A_1344 = arith.constant 1.000000e+00 : f32
    %add3A_1345 = vector.broadcast %add3A_1344 : f32 to vector<16xf32>
    %add3A_1346 = arith.addf %add3A_1345, %exp3A_1340 : vector<16xf32>
    %div3A_1347 = arith.divf %sub3A_1343, %add3A_1346 : vector<16xf32>
    %lt3A_1348 = arith.constant 0.000000e+00 : f32
    %lt3A_1349 = vector.broadcast %lt3A_1348 : f32 to vector<16xf32>
    %lt3A_1350 = arith.cmpf olt, %add3A_1335, %lt3A_1349 : vector<16xf32>
    %neg3A_1351 = arith.constant 0.000000e+00 : f32
    %neg3A_1352 = vector.broadcast %neg3A_1351 : f32 to vector<16xf32>
    %neg3A_1353 = arith.subf %neg3A_1352, %div3A_1347 : vector<16xf32>
    %select_n3A_1354 = arith.select %lt3A_1350, %neg3A_1353, %div3A_1347 : vector<16xi1>, vector<16xf32>
    %exp3A_1355 = math.exp %select_n3A_1354 : vector<16xf32>
    %swap3A_1356 = arith.constant 480 : index
    %swap3A_1357 = tpu.vector_load %arg9[%swap3A_1356] {strides = array<i32>} : memref<512xf32, #tpu.memory_space<vmem>>, vector<16xf32>,
    tpu.vector_store %arg9[%swap3A_1356], %exp3A_1355 {strides = array<i32>} : memref<512xf32, #tpu.memory_space<vmem>>, vector<16xf32>,
    %add3A_1358 = arith.constant 496 : i32
    %add3A_1359 = vector.broadcast %add3A_1358 : i32 to vector<16xi32>
    %add3A_1360 = arith.addi %iota3A, %add3A_1359 : vector<16xi32>
    %mul3A_1361 = arith.constant 4 : i32
    %mul3A_1362 = vector.broadcast %mul3A_1361 : i32 to vector<16xi32>
    %mul3A_1363 = arith.muli %add3A_1360, %mul3A_1362 : vector<16xi32>
    %gather3A_1364 = tpu.vector_load_idx %arg8[%mul3A_1363] : memref<2048xf32, #tpu.memory_space<vmem>>[vector<16xi32>], vector<16xf32>,
    %add3A_1365 = arith.constant 1 : i32
    %add3A_1366 = vector.broadcast %add3A_1365 : i32 to vector<16xi32>
    %add3A_1367 = arith.addi %mul3A_1363, %add3A_1366 : vector<16xi32>
    %gather3A_1368 = tpu.vector_load_idx %arg8[%add3A_1367] : memref<2048xf32, #tpu.memory_space<vmem>>[vector<16xi32>], vector<16xf32>,
    %add3A_1369 = arith.addf %gather3A_1364, %gather3A_1368 : vector<16xf32>
    %add3A_1370 = arith.constant 2 : i32
    %add3A_1371 = vector.broadcast %add3A_1370 : i32 to vector<16xi32>
    %add3A_1372 = arith.addi %mul3A_1363, %add3A_1371 : vector<16xi32>
    %gather3A_1373 = tpu.vector_load_idx %arg8[%add3A_1372] : memref<2048xf32, #tpu.memory_space<vmem>>[vector<16xi32>], vector<16xf32>,
    %add3A_1374 = arith.addf %add3A_1369, %gather3A_1373 : vector<16xf32>
    %add3A_1375 = arith.constant 3 : i32
    %add3A_1376 = vector.broadcast %add3A_1375 : i32 to vector<16xi32>
    %add3A_1377 = arith.addi %mul3A_1363, %add3A_1376 : vector<16xi32>
    %gather3A_1378 = tpu.vector_load_idx %arg8[%add3A_1377] : memref<2048xf32, #tpu.memory_space<vmem>>[vector<16xi32>], vector<16xf32>,
    %add3A_1379 = arith.addf %add3A_1374, %gather3A_1378 : vector<16xf32>
    %abs3A_1380 = math.absf %add3A_1379 : vector<16xf32>
    %mul3A_1381 = arith.constant -2.000000e+00 : f32
    %mul3A_1382 = vector.broadcast %mul3A_1381 : f32 to vector<16xf32>
    %mul3A_1383 = arith.mulf %mul3A_1382, %abs3A_1380 : vector<16xf32>
    %exp3A_1384 = math.exp %mul3A_1383 : vector<16xf32>
    %sub3A_1385 = arith.constant 1.000000e+00 : f32
    %sub3A_1386 = vector.broadcast %sub3A_1385 : f32 to vector<16xf32>
    %sub3A_1387 = arith.subf %sub3A_1386, %exp3A_1384 : vector<16xf32>
    %add3A_1388 = arith.constant 1.000000e+00 : f32
    %add3A_1389 = vector.broadcast %add3A_1388 : f32 to vector<16xf32>
    %add3A_1390 = arith.addf %add3A_1389, %exp3A_1384 : vector<16xf32>
    %div3A_1391 = arith.divf %sub3A_1387, %add3A_1390 : vector<16xf32>
    %lt3A_1392 = arith.constant 0.000000e+00 : f32
    %lt3A_1393 = vector.broadcast %lt3A_1392 : f32 to vector<16xf32>
    %lt3A_1394 = arith.cmpf olt, %add3A_1379, %lt3A_1393 : vector<16xf32>
    %neg3A_1395 = arith.constant 0.000000e+00 : f32
    %neg3A_1396 = vector.broadcast %neg3A_1395 : f32 to vector<16xf32>
    %neg3A_1397 = arith.subf %neg3A_1396, %div3A_1391 : vector<16xf32>
    %select_n3A_1398 = arith.select %lt3A_1394, %neg3A_1397, %div3A_1391 : vector<16xi1>, vector<16xf32>
    %exp3A_1399 = math.exp %select_n3A_1398 : vector<16xf32>
    %swap3A_1400 = arith.constant 496 : index
    %swap3A_1401 = tpu.vector_load %arg9[%swap3A_1400] {strides = array<i32>} : memref<512xf32, #tpu.memory_space<vmem>>, vector<16xf32>,
    tpu.vector_store %arg9[%swap3A_1400], %exp3A_1399 {strides = array<i32>} : memref<512xf32, #tpu.memory_space<vmem>>, vector<16xf32>,
    %add3A_1402 = arith.constant 0 : i32
    %add3A_1403 = vector.broadcast %add3A_1402 : i32 to vector<16xi32>
    %add3A_1404 = arith.addi %iota3A, %add3A_1403 : vector<16xi32>
    %mul3A_1405 = arith.constant 200 : i32
    %mul3A_1406 = vector.broadcast %mul3A_1405 : i32 to vector<16xi32>
    %mul3A_1407 = arith.muli %add3A_1404, %mul3A_1406 : vector<16xi32>
    %broadcast_in_dim3A = arith.constant 0.000000e+00 : f32
    %broadcast_in_dim3A_1408 = vector.broadcast %broadcast_in_dim3A : f32 to vector<16xf32>
    %scan3A = arith.constant 0 : i32
    %scan3A_1409 = arith.constant 25 : i32
    %scan3A_1410 = arith.addi %scan3A, %scan3A_1409 : i32
    %scan3A_1411 = arith.constant 1 : i32
    %scan3A_1412 = scf.for %scan3A_1578 = %scan3A to %scan3A_1410 step %scan3A_1411 iter_args(%scan3A_1579 = %broadcast_in_dim3A_1408) -> (vector<16xf32>)  : i32 {
      %mul3A_1580 = arith.constant 8 : i32
      %mul3A_1581 = arith.muli %scan3A_1578, %mul3A_1580 : i32
      %add3A_1582 = arith.constant 0 : i32
      %add3A_1583 = arith.addi %mul3A_1581, %add3A_1582 : i32
      %add3A_1584 = vector.broadcast %add3A_1583 : i32 to vector<16xi32>
      %add3A_1585 = arith.addi %mul3A_1407, %add3A_1584 : vector<16xi32>
      %gather3A_1586 = tpu.vector_load_idx %arg6[%add3A_1585] : memref<25600xi32, #tpu.memory_space<vmem>>[vector<16xi32>], vector<16xi32>,
      %gather3A_1587 = tpu.vector_load_idx %arg9[%gather3A_1586] : memref<512xf32, #tpu.memory_space<vmem>>[vector<16xi32>], vector<16xf32>,
      %add3A_1588 = arith.constant 0 : i32
      %add3A_1589 = arith.addi %mul3A_1581, %add3A_1588 : i32
      %mul3A_1590 = arith.constant 128 : i32
      %mul3A_1591 = arith.muli %add3A_1589, %mul3A_1590 : i32
      %add3A_1592 = arith.constant 0 : i32
      %add3A_1593 = arith.addi %mul3A_1591, %add3A_1592 : i32
      %swap3A_1594 = arith.index_cast %add3A_1593 : i32 to index
      %swap3A_1595 = tpu.vector_load %arg7[%swap3A_1594] {strides = array<i32>} : memref<25600xf32, #tpu.memory_space<vmem>>, vector<16xf32>,
      tpu.vector_store %arg7[%swap3A_1594], %gather3A_1587 {strides = array<i32>} : memref<25600xf32, #tpu.memory_space<vmem>>, vector<16xf32>,
      %add3A_1596 = arith.addf %scan3A_1579, %gather3A_1587 : vector<16xf32>
      %add3A_1597 = arith.constant 1 : i32
      %add3A_1598 = arith.addi %mul3A_1581, %add3A_1597 : i32
      %add3A_1599 = vector.broadcast %add3A_1598 : i32 to vector<16xi32>
      %add3A_1600 = arith.addi %mul3A_1407, %add3A_1599 : vector<16xi32>
      %gather3A_1601 = tpu.vector_load_idx %arg6[%add3A_1600] : memref<25600xi32, #tpu.memory_space<vmem>>[vector<16xi32>], vector<16xi32>,
      %gather3A_1602 = tpu.vector_load_idx %arg9[%gather3A_1601] : memref<512xf32, #tpu.memory_space<vmem>>[vector<16xi32>], vector<16xf32>,
      %add3A_1603 = arith.constant 1 : i32
      %add3A_1604 = arith.addi %mul3A_1581, %add3A_1603 : i32
      %mul3A_1605 = arith.constant 128 : i32
      %mul3A_1606 = arith.muli %add3A_1604, %mul3A_1605 : i32
      %add3A_1607 = arith.constant 0 : i32
      %add3A_1608 = arith.addi %mul3A_1606, %add3A_1607 : i32
      %swap3A_1609 = arith.index_cast %add3A_1608 : i32 to index
      %swap3A_1610 = tpu.vector_load %arg7[%swap3A_1609] {strides = array<i32>} : memref<25600xf32, #tpu.memory_space<vmem>>, vector<16xf32>,
      tpu.vector_store %arg7[%swap3A_1609], %gather3A_1602 {strides = array<i32>} : memref<25600xf32, #tpu.memory_space<vmem>>, vector<16xf32>,
      %add3A_1611 = arith.addf %add3A_1596, %gather3A_1602 : vector<16xf32>
      %add3A_1612 = arith.constant 2 : i32
      %add3A_1613 = arith.addi %mul3A_1581, %add3A_1612 : i32
      %add3A_1614 = vector.broadcast %add3A_1613 : i32 to vector<16xi32>
      %add3A_1615 = arith.addi %mul3A_1407, %add3A_1614 : vector<16xi32>
      %gather3A_1616 = tpu.vector_load_idx %arg6[%add3A_1615] : memref<25600xi32, #tpu.memory_space<vmem>>[vector<16xi32>], vector<16xi32>,
      %gather3A_1617 = tpu.vector_load_idx %arg9[%gather3A_1616] : memref<512xf32, #tpu.memory_space<vmem>>[vector<16xi32>], vector<16xf32>,
      %add3A_1618 = arith.constant 2 : i32
      %add3A_1619 = arith.addi %mul3A_1581, %add3A_1618 : i32
      %mul3A_1620 = arith.constant 128 : i32
      %mul3A_1621 = arith.muli %add3A_1619, %mul3A_1620 : i32
      %add3A_1622 = arith.constant 0 : i32
      %add3A_1623 = arith.addi %mul3A_1621, %add3A_1622 : i32
      %swap3A_1624 = arith.index_cast %add3A_1623 : i32 to index
      %swap3A_1625 = tpu.vector_load %arg7[%swap3A_1624] {strides = array<i32>} : memref<25600xf32, #tpu.memory_space<vmem>>, vector<16xf32>,
      tpu.vector_store %arg7[%swap3A_1624], %gather3A_1617 {strides = array<i32>} : memref<25600xf32, #tpu.memory_space<vmem>>, vector<16xf32>,
      %add3A_1626 = arith.addf %add3A_1611, %gather3A_1617 : vector<16xf32>
      %add3A_1627 = arith.constant 3 : i32
      %add3A_1628 = arith.addi %mul3A_1581, %add3A_1627 : i32
      %add3A_1629 = vector.broadcast %add3A_1628 : i32 to vector<16xi32>
      %add3A_1630 = arith.addi %mul3A_1407, %add3A_1629 : vector<16xi32>
      %gather3A_1631 = tpu.vector_load_idx %arg6[%add3A_1630] : memref<25600xi32, #tpu.memory_space<vmem>>[vector<16xi32>], vector<16xi32>,
      %gather3A_1632 = tpu.vector_load_idx %arg9[%gather3A_1631] : memref<512xf32, #tpu.memory_space<vmem>>[vector<16xi32>], vector<16xf32>,
      %add3A_1633 = arith.constant 3 : i32
      %add3A_1634 = arith.addi %mul3A_1581, %add3A_1633 : i32
      %mul3A_1635 = arith.constant 128 : i32
      %mul3A_1636 = arith.muli %add3A_1634, %mul3A_1635 : i32
      %add3A_1637 = arith.constant 0 : i32
      %add3A_1638 = arith.addi %mul3A_1636, %add3A_1637 : i32
      %swap3A_1639 = arith.index_cast %add3A_1638 : i32 to index
      %swap3A_1640 = tpu.vector_load %arg7[%swap3A_1639] {strides = array<i32>} : memref<25600xf32, #tpu.memory_space<vmem>>, vector<16xf32>,
      tpu.vector_store %arg7[%swap3A_1639], %gather3A_1632 {strides = array<i32>} : memref<25600xf32, #tpu.memory_space<vmem>>, vector<16xf32>,
      %add3A_1641 = arith.addf %add3A_1626, %gather3A_1632 : vector<16xf32>
      %add3A_1642 = arith.constant 4 : i32
      %add3A_1643 = arith.addi %mul3A_1581, %add3A_1642 : i32
      %add3A_1644 = vector.broadcast %add3A_1643 : i32 to vector<16xi32>
      %add3A_1645 = arith.addi %mul3A_1407, %add3A_1644 : vector<16xi32>
      %gather3A_1646 = tpu.vector_load_idx %arg6[%add3A_1645] : memref<25600xi32, #tpu.memory_space<vmem>>[vector<16xi32>], vector<16xi32>,
      %gather3A_1647 = tpu.vector_load_idx %arg9[%gather3A_1646] : memref<512xf32, #tpu.memory_space<vmem>>[vector<16xi32>], vector<16xf32>,
      %add3A_1648 = arith.constant 4 : i32
      %add3A_1649 = arith.addi %mul3A_1581, %add3A_1648 : i32
      %mul3A_1650 = arith.constant 128 : i32
      %mul3A_1651 = arith.muli %add3A_1649, %mul3A_1650 : i32
      %add3A_1652 = arith.constant 0 : i32
      %add3A_1653 = arith.addi %mul3A_1651, %add3A_1652 : i32
      %swap3A_1654 = arith.index_cast %add3A_1653 : i32 to index
      %swap3A_1655 = tpu.vector_load %arg7[%swap3A_1654] {strides = array<i32>} : memref<25600xf32, #tpu.memory_space<vmem>>, vector<16xf32>,
      tpu.vector_store %arg7[%swap3A_1654], %gather3A_1647 {strides = array<i32>} : memref<25600xf32, #tpu.memory_space<vmem>>, vector<16xf32>,
      %add3A_1656 = arith.addf %add3A_1641, %gather3A_1647 : vector<16xf32>
      %add3A_1657 = arith.constant 5 : i32
      %add3A_1658 = arith.addi %mul3A_1581, %add3A_1657 : i32
      %add3A_1659 = vector.broadcast %add3A_1658 : i32 to vector<16xi32>
      %add3A_1660 = arith.addi %mul3A_1407, %add3A_1659 : vector<16xi32>
      %gather3A_1661 = tpu.vector_load_idx %arg6[%add3A_1660] : memref<25600xi32, #tpu.memory_space<vmem>>[vector<16xi32>], vector<16xi32>,
      %gather3A_1662 = tpu.vector_load_idx %arg9[%gather3A_1661] : memref<512xf32, #tpu.memory_space<vmem>>[vector<16xi32>], vector<16xf32>,
      %add3A_1663 = arith.constant 5 : i32
      %add3A_1664 = arith.addi %mul3A_1581, %add3A_1663 : i32
      %mul3A_1665 = arith.constant 128 : i32
      %mul3A_1666 = arith.muli %add3A_1664, %mul3A_1665 : i32
      %add3A_1667 = arith.constant 0 : i32
      %add3A_1668 = arith.addi %mul3A_1666, %add3A_1667 : i32
      %swap3A_1669 = arith.index_cast %add3A_1668 : i32 to index
      %swap3A_1670 = tpu.vector_load %arg7[%swap3A_1669] {strides = array<i32>} : memref<25600xf32, #tpu.memory_space<vmem>>, vector<16xf32>,
      tpu.vector_store %arg7[%swap3A_1669], %gather3A_1662 {strides = array<i32>} : memref<25600xf32, #tpu.memory_space<vmem>>, vector<16xf32>,
      %add3A_1671 = arith.addf %add3A_1656, %gather3A_1662 : vector<16xf32>
      %add3A_1672 = arith.constant 6 : i32
      %add3A_1673 = arith.addi %mul3A_1581, %add3A_1672 : i32
      %add3A_1674 = vector.broadcast %add3A_1673 : i32 to vector<16xi32>
      %add3A_1675 = arith.addi %mul3A_1407, %add3A_1674 : vector<16xi32>
      %gather3A_1676 = tpu.vector_load_idx %arg6[%add3A_1675] : memref<25600xi32, #tpu.memory_space<vmem>>[vector<16xi32>], vector<16xi32>,
      %gather3A_1677 = tpu.vector_load_idx %arg9[%gather3A_1676] : memref<512xf32, #tpu.memory_space<vmem>>[vector<16xi32>], vector<16xf32>,
      %add3A_1678 = arith.constant 6 : i32
      %add3A_1679 = arith.addi %mul3A_1581, %add3A_1678 : i32
      %mul3A_1680 = arith.constant 128 : i32
      %mul3A_1681 = arith.muli %add3A_1679, %mul3A_1680 : i32
      %add3A_1682 = arith.constant 0 : i32
      %add3A_1683 = arith.addi %mul3A_1681, %add3A_1682 : i32
      %swap3A_1684 = arith.index_cast %add3A_1683 : i32 to index
      %swap3A_1685 = tpu.vector_load %arg7[%swap3A_1684] {strides = array<i32>} : memref<25600xf32, #tpu.memory_space<vmem>>, vector<16xf32>,
      tpu.vector_store %arg7[%swap3A_1684], %gather3A_1677 {strides = array<i32>} : memref<25600xf32, #tpu.memory_space<vmem>>, vector<16xf32>,
      %add3A_1686 = arith.addf %add3A_1671, %gather3A_1677 : vector<16xf32>
      %add3A_1687 = arith.constant 7 : i32
      %add3A_1688 = arith.addi %mul3A_1581, %add3A_1687 : i32
      %add3A_1689 = vector.broadcast %add3A_1688 : i32 to vector<16xi32>
      %add3A_1690 = arith.addi %mul3A_1407, %add3A_1689 : vector<16xi32>
      %gather3A_1691 = tpu.vector_load_idx %arg6[%add3A_1690] : memref<25600xi32, #tpu.memory_space<vmem>>[vector<16xi32>], vector<16xi32>,
      %gather3A_1692 = tpu.vector_load_idx %arg9[%gather3A_1691] : memref<512xf32, #tpu.memory_space<vmem>>[vector<16xi32>], vector<16xf32>,
      %add3A_1693 = arith.constant 7 : i32
      %add3A_1694 = arith.addi %mul3A_1581, %add3A_1693 : i32
      %mul3A_1695 = arith.constant 128 : i32
      %mul3A_1696 = arith.muli %add3A_1694, %mul3A_1695 : i32
      %add3A_1697 = arith.constant 0 : i32
      %add3A_1698 = arith.addi %mul3A_1696, %add3A_1697 : i32
      %swap3A_1699 = arith.index_cast %add3A_1698 : i32 to index
      %swap3A_1700 = tpu.vector_load %arg7[%swap3A_1699] {strides = array<i32>} : memref<25600xf32, #tpu.memory_space<vmem>>, vector<16xf32>,
      tpu.vector_store %arg7[%swap3A_1699], %gather3A_1692 {strides = array<i32>} : memref<25600xf32, #tpu.memory_space<vmem>>, vector<16xf32>,
      %add3A_1701 = arith.addf %add3A_1686, %gather3A_1692 : vector<16xf32>
      scf.yield %add3A_1701 : vector<16xf32>
    }
    %scan3A_1413 = arith.constant 25 : i32
    %add3A_1414 = arith.constant 1.000000e-07 : f32
    %add3A_1415 = vector.broadcast %add3A_1414 : f32 to vector<16xf32>
    %add3A_1416 = arith.addf %scan3A_1412, %add3A_1415 : vector<16xf32>
    %div3A_1417 = arith.constant 1.000000e+00 : f32
    %div3A_1418 = vector.broadcast %div3A_1417 : f32 to vector<16xf32>
    %div3A_1419 = arith.divf %div3A_1418, %add3A_1416 : vector<16xf32>
    %swap3A_1420 = arith.constant 0 : index
    %swap3A_1421 = tpu.vector_load %arg10[%swap3A_1420] {strides = array<i32>} : memref<128xf32, #tpu.memory_space<vmem>>, vector<16xf32>,
    tpu.vector_store %arg10[%swap3A_1420], %div3A_1419 {strides = array<i32>} : memref<128xf32, #tpu.memory_space<vmem>>, vector<16xf32>,
    %add3A_1422 = arith.constant 16 : i32
    %add3A_1423 = vector.broadcast %add3A_1422 : i32 to vector<16xi32>
    %add3A_1424 = arith.addi %iota3A, %add3A_1423 : vector<16xi32>
    %mul3A_1425 = arith.constant 200 : i32
    %mul3A_1426 = vector.broadcast %mul3A_1425 : i32 to vector<16xi32>
    %mul3A_1427 = arith.muli %add3A_1424, %mul3A_1426 : vector<16xi32>
    %broadcast_in_dim3A_1428 = arith.constant 0.000000e+00 : f32
    %broadcast_in_dim3A_1429 = vector.broadcast %broadcast_in_dim3A_1428 : f32 to vector<16xf32>
    %scan3A_1430 = arith.constant 0 : i32
    %scan3A_1431 = arith.constant 25 : i32
    %scan3A_1432 = arith.addi %scan3A_1430, %scan3A_1431 : i32
    %scan3A_1433 = arith.constant 1 : i32
    %scan3A_1434 = scf.for %scan3A_1578 = %scan3A_1430 to %scan3A_1432 step %scan3A_1433 iter_args(%scan3A_1579 = %broadcast_in_dim3A_1429) -> (vector<16xf32>)  : i32 {
      %mul3A_1580 = arith.constant 8 : i32
      %mul3A_1581 = arith.muli %scan3A_1578, %mul3A_1580 : i32
      %add3A_1582 = arith.constant 0 : i32
      %add3A_1583 = arith.addi %mul3A_1581, %add3A_1582 : i32
      %add3A_1584 = vector.broadcast %add3A_1583 : i32 to vector<16xi32>
      %add3A_1585 = arith.addi %mul3A_1427, %add3A_1584 : vector<16xi32>
      %gather3A_1586 = tpu.vector_load_idx %arg6[%add3A_1585] : memref<25600xi32, #tpu.memory_space<vmem>>[vector<16xi32>], vector<16xi32>,
      %gather3A_1587 = tpu.vector_load_idx %arg9[%gather3A_1586] : memref<512xf32, #tpu.memory_space<vmem>>[vector<16xi32>], vector<16xf32>,
      %add3A_1588 = arith.constant 0 : i32
      %add3A_1589 = arith.addi %mul3A_1581, %add3A_1588 : i32
      %mul3A_1590 = arith.constant 128 : i32
      %mul3A_1591 = arith.muli %add3A_1589, %mul3A_1590 : i32
      %add3A_1592 = arith.constant 16 : i32
      %add3A_1593 = arith.addi %mul3A_1591, %add3A_1592 : i32
      %swap3A_1594 = arith.index_cast %add3A_1593 : i32 to index
      %swap3A_1595 = tpu.vector_load %arg7[%swap3A_1594] {strides = array<i32>} : memref<25600xf32, #tpu.memory_space<vmem>>, vector<16xf32>,
      tpu.vector_store %arg7[%swap3A_1594], %gather3A_1587 {strides = array<i32>} : memref<25600xf32, #tpu.memory_space<vmem>>, vector<16xf32>,
      %add3A_1596 = arith.addf %scan3A_1579, %gather3A_1587 : vector<16xf32>
      %add3A_1597 = arith.constant 1 : i32
      %add3A_1598 = arith.addi %mul3A_1581, %add3A_1597 : i32
      %add3A_1599 = vector.broadcast %add3A_1598 : i32 to vector<16xi32>
      %add3A_1600 = arith.addi %mul3A_1427, %add3A_1599 : vector<16xi32>
      %gather3A_1601 = tpu.vector_load_idx %arg6[%add3A_1600] : memref<25600xi32, #tpu.memory_space<vmem>>[vector<16xi32>], vector<16xi32>,
      %gather3A_1602 = tpu.vector_load_idx %arg9[%gather3A_1601] : memref<512xf32, #tpu.memory_space<vmem>>[vector<16xi32>], vector<16xf32>,
      %add3A_1603 = arith.constant 1 : i32
      %add3A_1604 = arith.addi %mul3A_1581, %add3A_1603 : i32
      %mul3A_1605 = arith.constant 128 : i32
      %mul3A_1606 = arith.muli %add3A_1604, %mul3A_1605 : i32
      %add3A_1607 = arith.constant 16 : i32
      %add3A_1608 = arith.addi %mul3A_1606, %add3A_1607 : i32
      %swap3A_1609 = arith.index_cast %add3A_1608 : i32 to index
      %swap3A_1610 = tpu.vector_load %arg7[%swap3A_1609] {strides = array<i32>} : memref<25600xf32, #tpu.memory_space<vmem>>, vector<16xf32>,
      tpu.vector_store %arg7[%swap3A_1609], %gather3A_1602 {strides = array<i32>} : memref<25600xf32, #tpu.memory_space<vmem>>, vector<16xf32>,
      %add3A_1611 = arith.addf %add3A_1596, %gather3A_1602 : vector<16xf32>
      %add3A_1612 = arith.constant 2 : i32
      %add3A_1613 = arith.addi %mul3A_1581, %add3A_1612 : i32
      %add3A_1614 = vector.broadcast %add3A_1613 : i32 to vector<16xi32>
      %add3A_1615 = arith.addi %mul3A_1427, %add3A_1614 : vector<16xi32>
      %gather3A_1616 = tpu.vector_load_idx %arg6[%add3A_1615] : memref<25600xi32, #tpu.memory_space<vmem>>[vector<16xi32>], vector<16xi32>,
      %gather3A_1617 = tpu.vector_load_idx %arg9[%gather3A_1616] : memref<512xf32, #tpu.memory_space<vmem>>[vector<16xi32>], vector<16xf32>,
      %add3A_1618 = arith.constant 2 : i32
      %add3A_1619 = arith.addi %mul3A_1581, %add3A_1618 : i32
      %mul3A_1620 = arith.constant 128 : i32
      %mul3A_1621 = arith.muli %add3A_1619, %mul3A_1620 : i32
      %add3A_1622 = arith.constant 16 : i32
      %add3A_1623 = arith.addi %mul3A_1621, %add3A_1622 : i32
      %swap3A_1624 = arith.index_cast %add3A_1623 : i32 to index
      %swap3A_1625 = tpu.vector_load %arg7[%swap3A_1624] {strides = array<i32>} : memref<25600xf32, #tpu.memory_space<vmem>>, vector<16xf32>,
      tpu.vector_store %arg7[%swap3A_1624], %gather3A_1617 {strides = array<i32>} : memref<25600xf32, #tpu.memory_space<vmem>>, vector<16xf32>,
      %add3A_1626 = arith.addf %add3A_1611, %gather3A_1617 : vector<16xf32>
      %add3A_1627 = arith.constant 3 : i32
      %add3A_1628 = arith.addi %mul3A_1581, %add3A_1627 : i32
      %add3A_1629 = vector.broadcast %add3A_1628 : i32 to vector<16xi32>
      %add3A_1630 = arith.addi %mul3A_1427, %add3A_1629 : vector<16xi32>
      %gather3A_1631 = tpu.vector_load_idx %arg6[%add3A_1630] : memref<25600xi32, #tpu.memory_space<vmem>>[vector<16xi32>], vector<16xi32>,
      %gather3A_1632 = tpu.vector_load_idx %arg9[%gather3A_1631] : memref<512xf32, #tpu.memory_space<vmem>>[vector<16xi32>], vector<16xf32>,
      %add3A_1633 = arith.constant 3 : i32
      %add3A_1634 = arith.addi %mul3A_1581, %add3A_1633 : i32
      %mul3A_1635 = arith.constant 128 : i32
      %mul3A_1636 = arith.muli %add3A_1634, %mul3A_1635 : i32
      %add3A_1637 = arith.constant 16 : i32
      %add3A_1638 = arith.addi %mul3A_1636, %add3A_1637 : i32
      %swap3A_1639 = arith.index_cast %add3A_1638 : i32 to index
      %swap3A_1640 = tpu.vector_load %arg7[%swap3A_1639] {strides = array<i32>} : memref<25600xf32, #tpu.memory_space<vmem>>, vector<16xf32>,
      tpu.vector_store %arg7[%swap3A_1639], %gather3A_1632 {strides = array<i32>} : memref<25600xf32, #tpu.memory_space<vmem>>, vector<16xf32>,
      %add3A_1641 = arith.addf %add3A_1626, %gather3A_1632 : vector<16xf32>
      %add3A_1642 = arith.constant 4 : i32
      %add3A_1643 = arith.addi %mul3A_1581, %add3A_1642 : i32
      %add3A_1644 = vector.broadcast %add3A_1643 : i32 to vector<16xi32>
      %add3A_1645 = arith.addi %mul3A_1427, %add3A_1644 : vector<16xi32>
      %gather3A_1646 = tpu.vector_load_idx %arg6[%add3A_1645] : memref<25600xi32, #tpu.memory_space<vmem>>[vector<16xi32>], vector<16xi32>,
      %gather3A_1647 = tpu.vector_load_idx %arg9[%gather3A_1646] : memref<512xf32, #tpu.memory_space<vmem>>[vector<16xi32>], vector<16xf32>,
      %add3A_1648 = arith.constant 4 : i32
      %add3A_1649 = arith.addi %mul3A_1581, %add3A_1648 : i32
      %mul3A_1650 = arith.constant 128 : i32
      %mul3A_1651 = arith.muli %add3A_1649, %mul3A_1650 : i32
      %add3A_1652 = arith.constant 16 : i32
      %add3A_1653 = arith.addi %mul3A_1651, %add3A_1652 : i32
      %swap3A_1654 = arith.index_cast %add3A_1653 : i32 to index
      %swap3A_1655 = tpu.vector_load %arg7[%swap3A_1654] {strides = array<i32>} : memref<25600xf32, #tpu.memory_space<vmem>>, vector<16xf32>,
      tpu.vector_store %arg7[%swap3A_1654], %gather3A_1647 {strides = array<i32>} : memref<25600xf32, #tpu.memory_space<vmem>>, vector<16xf32>,
      %add3A_1656 = arith.addf %add3A_1641, %gather3A_1647 : vector<16xf32>
      %add3A_1657 = arith.constant 5 : i32
      %add3A_1658 = arith.addi %mul3A_1581, %add3A_1657 : i32
      %add3A_1659 = vector.broadcast %add3A_1658 : i32 to vector<16xi32>
      %add3A_1660 = arith.addi %mul3A_1427, %add3A_1659 : vector<16xi32>
      %gather3A_1661 = tpu.vector_load_idx %arg6[%add3A_1660] : memref<25600xi32, #tpu.memory_space<vmem>>[vector<16xi32>], vector<16xi32>,
      %gather3A_1662 = tpu.vector_load_idx %arg9[%gather3A_1661] : memref<512xf32, #tpu.memory_space<vmem>>[vector<16xi32>], vector<16xf32>,
      %add3A_1663 = arith.constant 5 : i32
      %add3A_1664 = arith.addi %mul3A_1581, %add3A_1663 : i32
      %mul3A_1665 = arith.constant 128 : i32
      %mul3A_1666 = arith.muli %add3A_1664, %mul3A_1665 : i32
      %add3A_1667 = arith.constant 16 : i32
      %add3A_1668 = arith.addi %mul3A_1666, %add3A_1667 : i32
      %swap3A_1669 = arith.index_cast %add3A_1668 : i32 to index
      %swap3A_1670 = tpu.vector_load %arg7[%swap3A_1669] {strides = array<i32>} : memref<25600xf32, #tpu.memory_space<vmem>>, vector<16xf32>,
      tpu.vector_store %arg7[%swap3A_1669], %gather3A_1662 {strides = array<i32>} : memref<25600xf32, #tpu.memory_space<vmem>>, vector<16xf32>,
      %add3A_1671 = arith.addf %add3A_1656, %gather3A_1662 : vector<16xf32>
      %add3A_1672 = arith.constant 6 : i32
      %add3A_1673 = arith.addi %mul3A_1581, %add3A_1672 : i32
      %add3A_1674 = vector.broadcast %add3A_1673 : i32 to vector<16xi32>
      %add3A_1675 = arith.addi %mul3A_1427, %add3A_1674 : vector<16xi32>
      %gather3A_1676 = tpu.vector_load_idx %arg6[%add3A_1675] : memref<25600xi32, #tpu.memory_space<vmem>>[vector<16xi32>], vector<16xi32>,
      %gather3A_1677 = tpu.vector_load_idx %arg9[%gather3A_1676] : memref<512xf32, #tpu.memory_space<vmem>>[vector<16xi32>], vector<16xf32>,
      %add3A_1678 = arith.constant 6 : i32
      %add3A_1679 = arith.addi %mul3A_1581, %add3A_1678 : i32
      %mul3A_1680 = arith.constant 128 : i32
      %mul3A_1681 = arith.muli %add3A_1679, %mul3A_1680 : i32
      %add3A_1682 = arith.constant 16 : i32
      %add3A_1683 = arith.addi %mul3A_1681, %add3A_1682 : i32
      %swap3A_1684 = arith.index_cast %add3A_1683 : i32 to index
      %swap3A_1685 = tpu.vector_load %arg7[%swap3A_1684] {strides = array<i32>} : memref<25600xf32, #tpu.memory_space<vmem>>, vector<16xf32>,
      tpu.vector_store %arg7[%swap3A_1684], %gather3A_1677 {strides = array<i32>} : memref<25600xf32, #tpu.memory_space<vmem>>, vector<16xf32>,
      %add3A_1686 = arith.addf %add3A_1671, %gather3A_1677 : vector<16xf32>
      %add3A_1687 = arith.constant 7 : i32
      %add3A_1688 = arith.addi %mul3A_1581, %add3A_1687 : i32
      %add3A_1689 = vector.broadcast %add3A_1688 : i32 to vector<16xi32>
      %add3A_1690 = arith.addi %mul3A_1427, %add3A_1689 : vector<16xi32>
      %gather3A_1691 = tpu.vector_load_idx %arg6[%add3A_1690] : memref<25600xi32, #tpu.memory_space<vmem>>[vector<16xi32>], vector<16xi32>,
      %gather3A_1692 = tpu.vector_load_idx %arg9[%gather3A_1691] : memref<512xf32, #tpu.memory_space<vmem>>[vector<16xi32>], vector<16xf32>,
      %add3A_1693 = arith.constant 7 : i32
      %add3A_1694 = arith.addi %mul3A_1581, %add3A_1693 : i32
      %mul3A_1695 = arith.constant 128 : i32
      %mul3A_1696 = arith.muli %add3A_1694, %mul3A_1695 : i32
      %add3A_1697 = arith.constant 16 : i32
      %add3A_1698 = arith.addi %mul3A_1696, %add3A_1697 : i32
      %swap3A_1699 = arith.index_cast %add3A_1698 : i32 to index
      %swap3A_1700 = tpu.vector_load %arg7[%swap3A_1699] {strides = array<i32>} : memref<25600xf32, #tpu.memory_space<vmem>>, vector<16xf32>,
      tpu.vector_store %arg7[%swap3A_1699], %gather3A_1692 {strides = array<i32>} : memref<25600xf32, #tpu.memory_space<vmem>>, vector<16xf32>,
      %add3A_1701 = arith.addf %add3A_1686, %gather3A_1692 : vector<16xf32>
      scf.yield %add3A_1701 : vector<16xf32>
    }
    %scan3A_1435 = arith.constant 25 : i32
    %add3A_1436 = arith.constant 1.000000e-07 : f32
    %add3A_1437 = vector.broadcast %add3A_1436 : f32 to vector<16xf32>
    %add3A_1438 = arith.addf %scan3A_1434, %add3A_1437 : vector<16xf32>
    %div3A_1439 = arith.constant 1.000000e+00 : f32
    %div3A_1440 = vector.broadcast %div3A_1439 : f32 to vector<16xf32>
    %div3A_1441 = arith.divf %div3A_1440, %add3A_1438 : vector<16xf32>
    %swap3A_1442 = arith.constant 16 : index
    %swap3A_1443 = tpu.vector_load %arg10[%swap3A_1442] {strides = array<i32>} : memref<128xf32, #tpu.memory_space<vmem>>, vector<16xf32>,
    tpu.vector_store %arg10[%swap3A_1442], %div3A_1441 {strides = array<i32>} : memref<128xf32, #tpu.memory_space<vmem>>, vector<16xf32>,
    %add3A_1444 = arith.constant 32 : i32
    %add3A_1445 = vector.broadcast %add3A_1444 : i32 to vector<16xi32>
    %add3A_1446 = arith.addi %iota3A, %add3A_1445 : vector<16xi32>
    %mul3A_1447 = arith.constant 200 : i32
    %mul3A_1448 = vector.broadcast %mul3A_1447 : i32 to vector<16xi32>
    %mul3A_1449 = arith.muli %add3A_1446, %mul3A_1448 : vector<16xi32>
    %broadcast_in_dim3A_1450 = arith.constant 0.000000e+00 : f32
    %broadcast_in_dim3A_1451 = vector.broadcast %broadcast_in_dim3A_1450 : f32 to vector<16xf32>
    %scan3A_1452 = arith.constant 0 : i32
    %scan3A_1453 = arith.constant 25 : i32
    %scan3A_1454 = arith.addi %scan3A_1452, %scan3A_1453 : i32
    %scan3A_1455 = arith.constant 1 : i32
    %scan3A_1456 = scf.for %scan3A_1578 = %scan3A_1452 to %scan3A_1454 step %scan3A_1455 iter_args(%scan3A_1579 = %broadcast_in_dim3A_1451) -> (vector<16xf32>)  : i32 {
      %mul3A_1580 = arith.constant 8 : i32
      %mul3A_1581 = arith.muli %scan3A_1578, %mul3A_1580 : i32
      %add3A_1582 = arith.constant 0 : i32
      %add3A_1583 = arith.addi %mul3A_1581, %add3A_1582 : i32
      %add3A_1584 = vector.broadcast %add3A_1583 : i32 to vector<16xi32>
      %add3A_1585 = arith.addi %mul3A_1449, %add3A_1584 : vector<16xi32>
      %gather3A_1586 = tpu.vector_load_idx %arg6[%add3A_1585] : memref<25600xi32, #tpu.memory_space<vmem>>[vector<16xi32>], vector<16xi32>,
      %gather3A_1587 = tpu.vector_load_idx %arg9[%gather3A_1586] : memref<512xf32, #tpu.memory_space<vmem>>[vector<16xi32>], vector<16xf32>,
      %add3A_1588 = arith.constant 0 : i32
      %add3A_1589 = arith.addi %mul3A_1581, %add3A_1588 : i32
      %mul3A_1590 = arith.constant 128 : i32
      %mul3A_1591 = arith.muli %add3A_1589, %mul3A_1590 : i32
      %add3A_1592 = arith.constant 32 : i32
      %add3A_1593 = arith.addi %mul3A_1591, %add3A_1592 : i32
      %swap3A_1594 = arith.index_cast %add3A_1593 : i32 to index
      %swap3A_1595 = tpu.vector_load %arg7[%swap3A_1594] {strides = array<i32>} : memref<25600xf32, #tpu.memory_space<vmem>>, vector<16xf32>,
      tpu.vector_store %arg7[%swap3A_1594], %gather3A_1587 {strides = array<i32>} : memref<25600xf32, #tpu.memory_space<vmem>>, vector<16xf32>,
      %add3A_1596 = arith.addf %scan3A_1579, %gather3A_1587 : vector<16xf32>
      %add3A_1597 = arith.constant 1 : i32
      %add3A_1598 = arith.addi %mul3A_1581, %add3A_1597 : i32
      %add3A_1599 = vector.broadcast %add3A_1598 : i32 to vector<16xi32>
      %add3A_1600 = arith.addi %mul3A_1449, %add3A_1599 : vector<16xi32>
      %gather3A_1601 = tpu.vector_load_idx %arg6[%add3A_1600] : memref<25600xi32, #tpu.memory_space<vmem>>[vector<16xi32>], vector<16xi32>,
      %gather3A_1602 = tpu.vector_load_idx %arg9[%gather3A_1601] : memref<512xf32, #tpu.memory_space<vmem>>[vector<16xi32>], vector<16xf32>,
      %add3A_1603 = arith.constant 1 : i32
      %add3A_1604 = arith.addi %mul3A_1581, %add3A_1603 : i32
      %mul3A_1605 = arith.constant 128 : i32
      %mul3A_1606 = arith.muli %add3A_1604, %mul3A_1605 : i32
      %add3A_1607 = arith.constant 32 : i32
      %add3A_1608 = arith.addi %mul3A_1606, %add3A_1607 : i32
      %swap3A_1609 = arith.index_cast %add3A_1608 : i32 to index
      %swap3A_1610 = tpu.vector_load %arg7[%swap3A_1609] {strides = array<i32>} : memref<25600xf32, #tpu.memory_space<vmem>>, vector<16xf32>,
      tpu.vector_store %arg7[%swap3A_1609], %gather3A_1602 {strides = array<i32>} : memref<25600xf32, #tpu.memory_space<vmem>>, vector<16xf32>,
      %add3A_1611 = arith.addf %add3A_1596, %gather3A_1602 : vector<16xf32>
      %add3A_1612 = arith.constant 2 : i32
      %add3A_1613 = arith.addi %mul3A_1581, %add3A_1612 : i32
      %add3A_1614 = vector.broadcast %add3A_1613 : i32 to vector<16xi32>
      %add3A_1615 = arith.addi %mul3A_1449, %add3A_1614 : vector<16xi32>
      %gather3A_1616 = tpu.vector_load_idx %arg6[%add3A_1615] : memref<25600xi32, #tpu.memory_space<vmem>>[vector<16xi32>], vector<16xi32>,
      %gather3A_1617 = tpu.vector_load_idx %arg9[%gather3A_1616] : memref<512xf32, #tpu.memory_space<vmem>>[vector<16xi32>], vector<16xf32>,
      %add3A_1618 = arith.constant 2 : i32
      %add3A_1619 = arith.addi %mul3A_1581, %add3A_1618 : i32
      %mul3A_1620 = arith.constant 128 : i32
      %mul3A_1621 = arith.muli %add3A_1619, %mul3A_1620 : i32
      %add3A_1622 = arith.constant 32 : i32
      %add3A_1623 = arith.addi %mul3A_1621, %add3A_1622 : i32
      %swap3A_1624 = arith.index_cast %add3A_1623 : i32 to index
      %swap3A_1625 = tpu.vector_load %arg7[%swap3A_1624] {strides = array<i32>} : memref<25600xf32, #tpu.memory_space<vmem>>, vector<16xf32>,
      tpu.vector_store %arg7[%swap3A_1624], %gather3A_1617 {strides = array<i32>} : memref<25600xf32, #tpu.memory_space<vmem>>, vector<16xf32>,
      %add3A_1626 = arith.addf %add3A_1611, %gather3A_1617 : vector<16xf32>
      %add3A_1627 = arith.constant 3 : i32
      %add3A_1628 = arith.addi %mul3A_1581, %add3A_1627 : i32
      %add3A_1629 = vector.broadcast %add3A_1628 : i32 to vector<16xi32>
      %add3A_1630 = arith.addi %mul3A_1449, %add3A_1629 : vector<16xi32>
      %gather3A_1631 = tpu.vector_load_idx %arg6[%add3A_1630] : memref<25600xi32, #tpu.memory_space<vmem>>[vector<16xi32>], vector<16xi32>,
      %gather3A_1632 = tpu.vector_load_idx %arg9[%gather3A_1631] : memref<512xf32, #tpu.memory_space<vmem>>[vector<16xi32>], vector<16xf32>,
      %add3A_1633 = arith.constant 3 : i32
      %add3A_1634 = arith.addi %mul3A_1581, %add3A_1633 : i32
      %mul3A_1635 = arith.constant 128 : i32
      %mul3A_1636 = arith.muli %add3A_1634, %mul3A_1635 : i32
      %add3A_1637 = arith.constant 32 : i32
      %add3A_1638 = arith.addi %mul3A_1636, %add3A_1637 : i32
      %swap3A_1639 = arith.index_cast %add3A_1638 : i32 to index
      %swap3A_1640 = tpu.vector_load %arg7[%swap3A_1639] {strides = array<i32>} : memref<25600xf32, #tpu.memory_space<vmem>>, vector<16xf32>,
      tpu.vector_store %arg7[%swap3A_1639], %gather3A_1632 {strides = array<i32>} : memref<25600xf32, #tpu.memory_space<vmem>>, vector<16xf32>,
      %add3A_1641 = arith.addf %add3A_1626, %gather3A_1632 : vector<16xf32>
      %add3A_1642 = arith.constant 4 : i32
      %add3A_1643 = arith.addi %mul3A_1581, %add3A_1642 : i32
      %add3A_1644 = vector.broadcast %add3A_1643 : i32 to vector<16xi32>
      %add3A_1645 = arith.addi %mul3A_1449, %add3A_1644 : vector<16xi32>
      %gather3A_1646 = tpu.vector_load_idx %arg6[%add3A_1645] : memref<25600xi32, #tpu.memory_space<vmem>>[vector<16xi32>], vector<16xi32>,
      %gather3A_1647 = tpu.vector_load_idx %arg9[%gather3A_1646] : memref<512xf32, #tpu.memory_space<vmem>>[vector<16xi32>], vector<16xf32>,
      %add3A_1648 = arith.constant 4 : i32
      %add3A_1649 = arith.addi %mul3A_1581, %add3A_1648 : i32
      %mul3A_1650 = arith.constant 128 : i32
      %mul3A_1651 = arith.muli %add3A_1649, %mul3A_1650 : i32
      %add3A_1652 = arith.constant 32 : i32
      %add3A_1653 = arith.addi %mul3A_1651, %add3A_1652 : i32
      %swap3A_1654 = arith.index_cast %add3A_1653 : i32 to index
      %swap3A_1655 = tpu.vector_load %arg7[%swap3A_1654] {strides = array<i32>} : memref<25600xf32, #tpu.memory_space<vmem>>, vector<16xf32>,
      tpu.vector_store %arg7[%swap3A_1654], %gather3A_1647 {strides = array<i32>} : memref<25600xf32, #tpu.memory_space<vmem>>, vector<16xf32>,
      %add3A_1656 = arith.addf %add3A_1641, %gather3A_1647 : vector<16xf32>
      %add3A_1657 = arith.constant 5 : i32
      %add3A_1658 = arith.addi %mul3A_1581, %add3A_1657 : i32
      %add3A_1659 = vector.broadcast %add3A_1658 : i32 to vector<16xi32>
      %add3A_1660 = arith.addi %mul3A_1449, %add3A_1659 : vector<16xi32>
      %gather3A_1661 = tpu.vector_load_idx %arg6[%add3A_1660] : memref<25600xi32, #tpu.memory_space<vmem>>[vector<16xi32>], vector<16xi32>,
      %gather3A_1662 = tpu.vector_load_idx %arg9[%gather3A_1661] : memref<512xf32, #tpu.memory_space<vmem>>[vector<16xi32>], vector<16xf32>,
      %add3A_1663 = arith.constant 5 : i32
      %add3A_1664 = arith.addi %mul3A_1581, %add3A_1663 : i32
      %mul3A_1665 = arith.constant 128 : i32
      %mul3A_1666 = arith.muli %add3A_1664, %mul3A_1665 : i32
      %add3A_1667 = arith.constant 32 : i32
      %add3A_1668 = arith.addi %mul3A_1666, %add3A_1667 : i32
      %swap3A_1669 = arith.index_cast %add3A_1668 : i32 to index
      %swap3A_1670 = tpu.vector_load %arg7[%swap3A_1669] {strides = array<i32>} : memref<25600xf32, #tpu.memory_space<vmem>>, vector<16xf32>,
      tpu.vector_store %arg7[%swap3A_1669], %gather3A_1662 {strides = array<i32>} : memref<25600xf32, #tpu.memory_space<vmem>>, vector<16xf32>,
      %add3A_1671 = arith.addf %add3A_1656, %gather3A_1662 : vector<16xf32>
      %add3A_1672 = arith.constant 6 : i32
      %add3A_1673 = arith.addi %mul3A_1581, %add3A_1672 : i32
      %add3A_1674 = vector.broadcast %add3A_1673 : i32 to vector<16xi32>
      %add3A_1675 = arith.addi %mul3A_1449, %add3A_1674 : vector<16xi32>
      %gather3A_1676 = tpu.vector_load_idx %arg6[%add3A_1675] : memref<25600xi32, #tpu.memory_space<vmem>>[vector<16xi32>], vector<16xi32>,
      %gather3A_1677 = tpu.vector_load_idx %arg9[%gather3A_1676] : memref<512xf32, #tpu.memory_space<vmem>>[vector<16xi32>], vector<16xf32>,
      %add3A_1678 = arith.constant 6 : i32
      %add3A_1679 = arith.addi %mul3A_1581, %add3A_1678 : i32
      %mul3A_1680 = arith.constant 128 : i32
      %mul3A_1681 = arith.muli %add3A_1679, %mul3A_1680 : i32
      %add3A_1682 = arith.constant 32 : i32
      %add3A_1683 = arith.addi %mul3A_1681, %add3A_1682 : i32
      %swap3A_1684 = arith.index_cast %add3A_1683 : i32 to index
      %swap3A_1685 = tpu.vector_load %arg7[%swap3A_1684] {strides = array<i32>} : memref<25600xf32, #tpu.memory_space<vmem>>, vector<16xf32>,
      tpu.vector_store %arg7[%swap3A_1684], %gather3A_1677 {strides = array<i32>} : memref<25600xf32, #tpu.memory_space<vmem>>, vector<16xf32>,
      %add3A_1686 = arith.addf %add3A_1671, %gather3A_1677 : vector<16xf32>
      %add3A_1687 = arith.constant 7 : i32
      %add3A_1688 = arith.addi %mul3A_1581, %add3A_1687 : i32
      %add3A_1689 = vector.broadcast %add3A_1688 : i32 to vector<16xi32>
      %add3A_1690 = arith.addi %mul3A_1449, %add3A_1689 : vector<16xi32>
      %gather3A_1691 = tpu.vector_load_idx %arg6[%add3A_1690] : memref<25600xi32, #tpu.memory_space<vmem>>[vector<16xi32>], vector<16xi32>,
      %gather3A_1692 = tpu.vector_load_idx %arg9[%gather3A_1691] : memref<512xf32, #tpu.memory_space<vmem>>[vector<16xi32>], vector<16xf32>,
      %add3A_1693 = arith.constant 7 : i32
      %add3A_1694 = arith.addi %mul3A_1581, %add3A_1693 : i32
      %mul3A_1695 = arith.constant 128 : i32
      %mul3A_1696 = arith.muli %add3A_1694, %mul3A_1695 : i32
      %add3A_1697 = arith.constant 32 : i32
      %add3A_1698 = arith.addi %mul3A_1696, %add3A_1697 : i32
      %swap3A_1699 = arith.index_cast %add3A_1698 : i32 to index
      %swap3A_1700 = tpu.vector_load %arg7[%swap3A_1699] {strides = array<i32>} : memref<25600xf32, #tpu.memory_space<vmem>>, vector<16xf32>,
      tpu.vector_store %arg7[%swap3A_1699], %gather3A_1692 {strides = array<i32>} : memref<25600xf32, #tpu.memory_space<vmem>>, vector<16xf32>,
      %add3A_1701 = arith.addf %add3A_1686, %gather3A_1692 : vector<16xf32>
      scf.yield %add3A_1701 : vector<16xf32>
    }
    %scan3A_1457 = arith.constant 25 : i32
    %add3A_1458 = arith.constant 1.000000e-07 : f32
    %add3A_1459 = vector.broadcast %add3A_1458 : f32 to vector<16xf32>
    %add3A_1460 = arith.addf %scan3A_1456, %add3A_1459 : vector<16xf32>
    %div3A_1461 = arith.constant 1.000000e+00 : f32
    %div3A_1462 = vector.broadcast %div3A_1461 : f32 to vector<16xf32>
    %div3A_1463 = arith.divf %div3A_1462, %add3A_1460 : vector<16xf32>
    %swap3A_1464 = arith.constant 32 : index
    %swap3A_1465 = tpu.vector_load %arg10[%swap3A_1464] {strides = array<i32>} : memref<128xf32, #tpu.memory_space<vmem>>, vector<16xf32>,
    tpu.vector_store %arg10[%swap3A_1464], %div3A_1463 {strides = array<i32>} : memref<128xf32, #tpu.memory_space<vmem>>, vector<16xf32>,
    %add3A_1466 = arith.constant 48 : i32
    %add3A_1467 = vector.broadcast %add3A_1466 : i32 to vector<16xi32>
    %add3A_1468 = arith.addi %iota3A, %add3A_1467 : vector<16xi32>
    %mul3A_1469 = arith.constant 200 : i32
    %mul3A_1470 = vector.broadcast %mul3A_1469 : i32 to vector<16xi32>
    %mul3A_1471 = arith.muli %add3A_1468, %mul3A_1470 : vector<16xi32>
    %broadcast_in_dim3A_1472 = arith.constant 0.000000e+00 : f32
    %broadcast_in_dim3A_1473 = vector.broadcast %broadcast_in_dim3A_1472 : f32 to vector<16xf32>
    %scan3A_1474 = arith.constant 0 : i32
    %scan3A_1475 = arith.constant 25 : i32
    %scan3A_1476 = arith.addi %scan3A_1474, %scan3A_1475 : i32
    %scan3A_1477 = arith.constant 1 : i32
    %scan3A_1478 = scf.for %scan3A_1578 = %scan3A_1474 to %scan3A_1476 step %scan3A_1477 iter_args(%scan3A_1579 = %broadcast_in_dim3A_1473) -> (vector<16xf32>)  : i32 {
      %mul3A_1580 = arith.constant 8 : i32
      %mul3A_1581 = arith.muli %scan3A_1578, %mul3A_1580 : i32
      %add3A_1582 = arith.constant 0 : i32
      %add3A_1583 = arith.addi %mul3A_1581, %add3A_1582 : i32
      %add3A_1584 = vector.broadcast %add3A_1583 : i32 to vector<16xi32>
      %add3A_1585 = arith.addi %mul3A_1471, %add3A_1584 : vector<16xi32>
      %gather3A_1586 = tpu.vector_load_idx %arg6[%add3A_1585] : memref<25600xi32, #tpu.memory_space<vmem>>[vector<16xi32>], vector<16xi32>,
      %gather3A_1587 = tpu.vector_load_idx %arg9[%gather3A_1586] : memref<512xf32, #tpu.memory_space<vmem>>[vector<16xi32>], vector<16xf32>,
      %add3A_1588 = arith.constant 0 : i32
      %add3A_1589 = arith.addi %mul3A_1581, %add3A_1588 : i32
      %mul3A_1590 = arith.constant 128 : i32
      %mul3A_1591 = arith.muli %add3A_1589, %mul3A_1590 : i32
      %add3A_1592 = arith.constant 48 : i32
      %add3A_1593 = arith.addi %mul3A_1591, %add3A_1592 : i32
      %swap3A_1594 = arith.index_cast %add3A_1593 : i32 to index
      %swap3A_1595 = tpu.vector_load %arg7[%swap3A_1594] {strides = array<i32>} : memref<25600xf32, #tpu.memory_space<vmem>>, vector<16xf32>,
      tpu.vector_store %arg7[%swap3A_1594], %gather3A_1587 {strides = array<i32>} : memref<25600xf32, #tpu.memory_space<vmem>>, vector<16xf32>,
      %add3A_1596 = arith.addf %scan3A_1579, %gather3A_1587 : vector<16xf32>
      %add3A_1597 = arith.constant 1 : i32
      %add3A_1598 = arith.addi %mul3A_1581, %add3A_1597 : i32
      %add3A_1599 = vector.broadcast %add3A_1598 : i32 to vector<16xi32>
      %add3A_1600 = arith.addi %mul3A_1471, %add3A_1599 : vector<16xi32>
      %gather3A_1601 = tpu.vector_load_idx %arg6[%add3A_1600] : memref<25600xi32, #tpu.memory_space<vmem>>[vector<16xi32>], vector<16xi32>,
      %gather3A_1602 = tpu.vector_load_idx %arg9[%gather3A_1601] : memref<512xf32, #tpu.memory_space<vmem>>[vector<16xi32>], vector<16xf32>,
      %add3A_1603 = arith.constant 1 : i32
      %add3A_1604 = arith.addi %mul3A_1581, %add3A_1603 : i32
      %mul3A_1605 = arith.constant 128 : i32
      %mul3A_1606 = arith.muli %add3A_1604, %mul3A_1605 : i32
      %add3A_1607 = arith.constant 48 : i32
      %add3A_1608 = arith.addi %mul3A_1606, %add3A_1607 : i32
      %swap3A_1609 = arith.index_cast %add3A_1608 : i32 to index
      %swap3A_1610 = tpu.vector_load %arg7[%swap3A_1609] {strides = array<i32>} : memref<25600xf32, #tpu.memory_space<vmem>>, vector<16xf32>,
      tpu.vector_store %arg7[%swap3A_1609], %gather3A_1602 {strides = array<i32>} : memref<25600xf32, #tpu.memory_space<vmem>>, vector<16xf32>,
      %add3A_1611 = arith.addf %add3A_1596, %gather3A_1602 : vector<16xf32>
      %add3A_1612 = arith.constant 2 : i32
      %add3A_1613 = arith.addi %mul3A_1581, %add3A_1612 : i32
      %add3A_1614 = vector.broadcast %add3A_1613 : i32 to vector<16xi32>
      %add3A_1615 = arith.addi %mul3A_1471, %add3A_1614 : vector<16xi32>
      %gather3A_1616 = tpu.vector_load_idx %arg6[%add3A_1615] : memref<25600xi32, #tpu.memory_space<vmem>>[vector<16xi32>], vector<16xi32>,
      %gather3A_1617 = tpu.vector_load_idx %arg9[%gather3A_1616] : memref<512xf32, #tpu.memory_space<vmem>>[vector<16xi32>], vector<16xf32>,
      %add3A_1618 = arith.constant 2 : i32
      %add3A_1619 = arith.addi %mul3A_1581, %add3A_1618 : i32
      %mul3A_1620 = arith.constant 128 : i32
      %mul3A_1621 = arith.muli %add3A_1619, %mul3A_1620 : i32
      %add3A_1622 = arith.constant 48 : i32
      %add3A_1623 = arith.addi %mul3A_1621, %add3A_1622 : i32
      %swap3A_1624 = arith.index_cast %add3A_1623 : i32 to index
      %swap3A_1625 = tpu.vector_load %arg7[%swap3A_1624] {strides = array<i32>} : memref<25600xf32, #tpu.memory_space<vmem>>, vector<16xf32>,
      tpu.vector_store %arg7[%swap3A_1624], %gather3A_1617 {strides = array<i32>} : memref<25600xf32, #tpu.memory_space<vmem>>, vector<16xf32>,
      %add3A_1626 = arith.addf %add3A_1611, %gather3A_1617 : vector<16xf32>
      %add3A_1627 = arith.constant 3 : i32
      %add3A_1628 = arith.addi %mul3A_1581, %add3A_1627 : i32
      %add3A_1629 = vector.broadcast %add3A_1628 : i32 to vector<16xi32>
      %add3A_1630 = arith.addi %mul3A_1471, %add3A_1629 : vector<16xi32>
      %gather3A_1631 = tpu.vector_load_idx %arg6[%add3A_1630] : memref<25600xi32, #tpu.memory_space<vmem>>[vector<16xi32>], vector<16xi32>,
      %gather3A_1632 = tpu.vector_load_idx %arg9[%gather3A_1631] : memref<512xf32, #tpu.memory_space<vmem>>[vector<16xi32>], vector<16xf32>,
      %add3A_1633 = arith.constant 3 : i32
      %add3A_1634 = arith.addi %mul3A_1581, %add3A_1633 : i32
      %mul3A_1635 = arith.constant 128 : i32
      %mul3A_1636 = arith.muli %add3A_1634, %mul3A_1635 : i32
      %add3A_1637 = arith.constant 48 : i32
      %add3A_1638 = arith.addi %mul3A_1636, %add3A_1637 : i32
      %swap3A_1639 = arith.index_cast %add3A_1638 : i32 to index
      %swap3A_1640 = tpu.vector_load %arg7[%swap3A_1639] {strides = array<i32>} : memref<25600xf32, #tpu.memory_space<vmem>>, vector<16xf32>,
      tpu.vector_store %arg7[%swap3A_1639], %gather3A_1632 {strides = array<i32>} : memref<25600xf32, #tpu.memory_space<vmem>>, vector<16xf32>,
      %add3A_1641 = arith.addf %add3A_1626, %gather3A_1632 : vector<16xf32>
      %add3A_1642 = arith.constant 4 : i32
      %add3A_1643 = arith.addi %mul3A_1581, %add3A_1642 : i32
      %add3A_1644 = vector.broadcast %add3A_1643 : i32 to vector<16xi32>
      %add3A_1645 = arith.addi %mul3A_1471, %add3A_1644 : vector<16xi32>
      %gather3A_1646 = tpu.vector_load_idx %arg6[%add3A_1645] : memref<25600xi32, #tpu.memory_space<vmem>>[vector<16xi32>], vector<16xi32>,
      %gather3A_1647 = tpu.vector_load_idx %arg9[%gather3A_1646] : memref<512xf32, #tpu.memory_space<vmem>>[vector<16xi32>], vector<16xf32>,
      %add3A_1648 = arith.constant 4 : i32
      %add3A_1649 = arith.addi %mul3A_1581, %add3A_1648 : i32
      %mul3A_1650 = arith.constant 128 : i32
      %mul3A_1651 = arith.muli %add3A_1649, %mul3A_1650 : i32
      %add3A_1652 = arith.constant 48 : i32
      %add3A_1653 = arith.addi %mul3A_1651, %add3A_1652 : i32
      %swap3A_1654 = arith.index_cast %add3A_1653 : i32 to index
      %swap3A_1655 = tpu.vector_load %arg7[%swap3A_1654] {strides = array<i32>} : memref<25600xf32, #tpu.memory_space<vmem>>, vector<16xf32>,
      tpu.vector_store %arg7[%swap3A_1654], %gather3A_1647 {strides = array<i32>} : memref<25600xf32, #tpu.memory_space<vmem>>, vector<16xf32>,
      %add3A_1656 = arith.addf %add3A_1641, %gather3A_1647 : vector<16xf32>
      %add3A_1657 = arith.constant 5 : i32
      %add3A_1658 = arith.addi %mul3A_1581, %add3A_1657 : i32
      %add3A_1659 = vector.broadcast %add3A_1658 : i32 to vector<16xi32>
      %add3A_1660 = arith.addi %mul3A_1471, %add3A_1659 : vector<16xi32>
      %gather3A_1661 = tpu.vector_load_idx %arg6[%add3A_1660] : memref<25600xi32, #tpu.memory_space<vmem>>[vector<16xi32>], vector<16xi32>,
      %gather3A_1662 = tpu.vector_load_idx %arg9[%gather3A_1661] : memref<512xf32, #tpu.memory_space<vmem>>[vector<16xi32>], vector<16xf32>,
      %add3A_1663 = arith.constant 5 : i32
      %add3A_1664 = arith.addi %mul3A_1581, %add3A_1663 : i32
      %mul3A_1665 = arith.constant 128 : i32
      %mul3A_1666 = arith.muli %add3A_1664, %mul3A_1665 : i32
      %add3A_1667 = arith.constant 48 : i32
      %add3A_1668 = arith.addi %mul3A_1666, %add3A_1667 : i32
      %swap3A_1669 = arith.index_cast %add3A_1668 : i32 to index
      %swap3A_1670 = tpu.vector_load %arg7[%swap3A_1669] {strides = array<i32>} : memref<25600xf32, #tpu.memory_space<vmem>>, vector<16xf32>,
      tpu.vector_store %arg7[%swap3A_1669], %gather3A_1662 {strides = array<i32>} : memref<25600xf32, #tpu.memory_space<vmem>>, vector<16xf32>,
      %add3A_1671 = arith.addf %add3A_1656, %gather3A_1662 : vector<16xf32>
      %add3A_1672 = arith.constant 6 : i32
      %add3A_1673 = arith.addi %mul3A_1581, %add3A_1672 : i32
      %add3A_1674 = vector.broadcast %add3A_1673 : i32 to vector<16xi32>
      %add3A_1675 = arith.addi %mul3A_1471, %add3A_1674 : vector<16xi32>
      %gather3A_1676 = tpu.vector_load_idx %arg6[%add3A_1675] : memref<25600xi32, #tpu.memory_space<vmem>>[vector<16xi32>], vector<16xi32>,
      %gather3A_1677 = tpu.vector_load_idx %arg9[%gather3A_1676] : memref<512xf32, #tpu.memory_space<vmem>>[vector<16xi32>], vector<16xf32>,
      %add3A_1678 = arith.constant 6 : i32
      %add3A_1679 = arith.addi %mul3A_1581, %add3A_1678 : i32
      %mul3A_1680 = arith.constant 128 : i32
      %mul3A_1681 = arith.muli %add3A_1679, %mul3A_1680 : i32
      %add3A_1682 = arith.constant 48 : i32
      %add3A_1683 = arith.addi %mul3A_1681, %add3A_1682 : i32
      %swap3A_1684 = arith.index_cast %add3A_1683 : i32 to index
      %swap3A_1685 = tpu.vector_load %arg7[%swap3A_1684] {strides = array<i32>} : memref<25600xf32, #tpu.memory_space<vmem>>, vector<16xf32>,
      tpu.vector_store %arg7[%swap3A_1684], %gather3A_1677 {strides = array<i32>} : memref<25600xf32, #tpu.memory_space<vmem>>, vector<16xf32>,
      %add3A_1686 = arith.addf %add3A_1671, %gather3A_1677 : vector<16xf32>
      %add3A_1687 = arith.constant 7 : i32
      %add3A_1688 = arith.addi %mul3A_1581, %add3A_1687 : i32
      %add3A_1689 = vector.broadcast %add3A_1688 : i32 to vector<16xi32>
      %add3A_1690 = arith.addi %mul3A_1471, %add3A_1689 : vector<16xi32>
      %gather3A_1691 = tpu.vector_load_idx %arg6[%add3A_1690] : memref<25600xi32, #tpu.memory_space<vmem>>[vector<16xi32>], vector<16xi32>,
      %gather3A_1692 = tpu.vector_load_idx %arg9[%gather3A_1691] : memref<512xf32, #tpu.memory_space<vmem>>[vector<16xi32>], vector<16xf32>,
      %add3A_1693 = arith.constant 7 : i32
      %add3A_1694 = arith.addi %mul3A_1581, %add3A_1693 : i32
      %mul3A_1695 = arith.constant 128 : i32
      %mul3A_1696 = arith.muli %add3A_1694, %mul3A_1695 : i32
      %add3A_1697 = arith.constant 48 : i32
      %add3A_1698 = arith.addi %mul3A_1696, %add3A_1697 : i32
      %swap3A_1699 = arith.index_cast %add3A_1698 : i32 to index
      %swap3A_1700 = tpu.vector_load %arg7[%swap3A_1699] {strides = array<i32>} : memref<25600xf32, #tpu.memory_space<vmem>>, vector<16xf32>,
      tpu.vector_store %arg7[%swap3A_1699], %gather3A_1692 {strides = array<i32>} : memref<25600xf32, #tpu.memory_space<vmem>>, vector<16xf32>,
      %add3A_1701 = arith.addf %add3A_1686, %gather3A_1692 : vector<16xf32>
      scf.yield %add3A_1701 : vector<16xf32>
    }
    %scan3A_1479 = arith.constant 25 : i32
    %add3A_1480 = arith.constant 1.000000e-07 : f32
    %add3A_1481 = vector.broadcast %add3A_1480 : f32 to vector<16xf32>
    %add3A_1482 = arith.addf %scan3A_1478, %add3A_1481 : vector<16xf32>
    %div3A_1483 = arith.constant 1.000000e+00 : f32
    %div3A_1484 = vector.broadcast %div3A_1483 : f32 to vector<16xf32>
    %div3A_1485 = arith.divf %div3A_1484, %add3A_1482 : vector<16xf32>
    %swap3A_1486 = arith.constant 48 : index
    %swap3A_1487 = tpu.vector_load %arg10[%swap3A_1486] {strides = array<i32>} : memref<128xf32, #tpu.memory_space<vmem>>, vector<16xf32>,
    tpu.vector_store %arg10[%swap3A_1486], %div3A_1485 {strides = array<i32>} : memref<128xf32, #tpu.memory_space<vmem>>, vector<16xf32>,
    %add3A_1488 = arith.constant 64 : i32
    %add3A_1489 = vector.broadcast %add3A_1488 : i32 to vector<16xi32>
    %add3A_1490 = arith.addi %iota3A, %add3A_1489 : vector<16xi32>
    %mul3A_1491 = arith.constant 200 : i32
    %mul3A_1492 = vector.broadcast %mul3A_1491 : i32 to vector<16xi32>
    %mul3A_1493 = arith.muli %add3A_1490, %mul3A_1492 : vector<16xi32>
    %broadcast_in_dim3A_1494 = arith.constant 0.000000e+00 : f32
    %broadcast_in_dim3A_1495 = vector.broadcast %broadcast_in_dim3A_1494 : f32 to vector<16xf32>
    %scan3A_1496 = arith.constant 0 : i32
    %scan3A_1497 = arith.constant 25 : i32
    %scan3A_1498 = arith.addi %scan3A_1496, %scan3A_1497 : i32
    %scan3A_1499 = arith.constant 1 : i32
    %scan3A_1500 = scf.for %scan3A_1578 = %scan3A_1496 to %scan3A_1498 step %scan3A_1499 iter_args(%scan3A_1579 = %broadcast_in_dim3A_1495) -> (vector<16xf32>)  : i32 {
      %mul3A_1580 = arith.constant 8 : i32
      %mul3A_1581 = arith.muli %scan3A_1578, %mul3A_1580 : i32
      %add3A_1582 = arith.constant 0 : i32
      %add3A_1583 = arith.addi %mul3A_1581, %add3A_1582 : i32
      %add3A_1584 = vector.broadcast %add3A_1583 : i32 to vector<16xi32>
      %add3A_1585 = arith.addi %mul3A_1493, %add3A_1584 : vector<16xi32>
      %gather3A_1586 = tpu.vector_load_idx %arg6[%add3A_1585] : memref<25600xi32, #tpu.memory_space<vmem>>[vector<16xi32>], vector<16xi32>,
      %gather3A_1587 = tpu.vector_load_idx %arg9[%gather3A_1586] : memref<512xf32, #tpu.memory_space<vmem>>[vector<16xi32>], vector<16xf32>,
      %add3A_1588 = arith.constant 0 : i32
      %add3A_1589 = arith.addi %mul3A_1581, %add3A_1588 : i32
      %mul3A_1590 = arith.constant 128 : i32
      %mul3A_1591 = arith.muli %add3A_1589, %mul3A_1590 : i32
      %add3A_1592 = arith.constant 64 : i32
      %add3A_1593 = arith.addi %mul3A_1591, %add3A_1592 : i32
      %swap3A_1594 = arith.index_cast %add3A_1593 : i32 to index
      %swap3A_1595 = tpu.vector_load %arg7[%swap3A_1594] {strides = array<i32>} : memref<25600xf32, #tpu.memory_space<vmem>>, vector<16xf32>,
      tpu.vector_store %arg7[%swap3A_1594], %gather3A_1587 {strides = array<i32>} : memref<25600xf32, #tpu.memory_space<vmem>>, vector<16xf32>,
      %add3A_1596 = arith.addf %scan3A_1579, %gather3A_1587 : vector<16xf32>
      %add3A_1597 = arith.constant 1 : i32
      %add3A_1598 = arith.addi %mul3A_1581, %add3A_1597 : i32
      %add3A_1599 = vector.broadcast %add3A_1598 : i32 to vector<16xi32>
      %add3A_1600 = arith.addi %mul3A_1493, %add3A_1599 : vector<16xi32>
      %gather3A_1601 = tpu.vector_load_idx %arg6[%add3A_1600] : memref<25600xi32, #tpu.memory_space<vmem>>[vector<16xi32>], vector<16xi32>,
      %gather3A_1602 = tpu.vector_load_idx %arg9[%gather3A_1601] : memref<512xf32, #tpu.memory_space<vmem>>[vector<16xi32>], vector<16xf32>,
      %add3A_1603 = arith.constant 1 : i32
      %add3A_1604 = arith.addi %mul3A_1581, %add3A_1603 : i32
      %mul3A_1605 = arith.constant 128 : i32
      %mul3A_1606 = arith.muli %add3A_1604, %mul3A_1605 : i32
      %add3A_1607 = arith.constant 64 : i32
      %add3A_1608 = arith.addi %mul3A_1606, %add3A_1607 : i32
      %swap3A_1609 = arith.index_cast %add3A_1608 : i32 to index
      %swap3A_1610 = tpu.vector_load %arg7[%swap3A_1609] {strides = array<i32>} : memref<25600xf32, #tpu.memory_space<vmem>>, vector<16xf32>,
      tpu.vector_store %arg7[%swap3A_1609], %gather3A_1602 {strides = array<i32>} : memref<25600xf32, #tpu.memory_space<vmem>>, vector<16xf32>,
      %add3A_1611 = arith.addf %add3A_1596, %gather3A_1602 : vector<16xf32>
      %add3A_1612 = arith.constant 2 : i32
      %add3A_1613 = arith.addi %mul3A_1581, %add3A_1612 : i32
      %add3A_1614 = vector.broadcast %add3A_1613 : i32 to vector<16xi32>
      %add3A_1615 = arith.addi %mul3A_1493, %add3A_1614 : vector<16xi32>
      %gather3A_1616 = tpu.vector_load_idx %arg6[%add3A_1615] : memref<25600xi32, #tpu.memory_space<vmem>>[vector<16xi32>], vector<16xi32>,
      %gather3A_1617 = tpu.vector_load_idx %arg9[%gather3A_1616] : memref<512xf32, #tpu.memory_space<vmem>>[vector<16xi32>], vector<16xf32>,
      %add3A_1618 = arith.constant 2 : i32
      %add3A_1619 = arith.addi %mul3A_1581, %add3A_1618 : i32
      %mul3A_1620 = arith.constant 128 : i32
      %mul3A_1621 = arith.muli %add3A_1619, %mul3A_1620 : i32
      %add3A_1622 = arith.constant 64 : i32
      %add3A_1623 = arith.addi %mul3A_1621, %add3A_1622 : i32
      %swap3A_1624 = arith.index_cast %add3A_1623 : i32 to index
      %swap3A_1625 = tpu.vector_load %arg7[%swap3A_1624] {strides = array<i32>} : memref<25600xf32, #tpu.memory_space<vmem>>, vector<16xf32>,
      tpu.vector_store %arg7[%swap3A_1624], %gather3A_1617 {strides = array<i32>} : memref<25600xf32, #tpu.memory_space<vmem>>, vector<16xf32>,
      %add3A_1626 = arith.addf %add3A_1611, %gather3A_1617 : vector<16xf32>
      %add3A_1627 = arith.constant 3 : i32
      %add3A_1628 = arith.addi %mul3A_1581, %add3A_1627 : i32
      %add3A_1629 = vector.broadcast %add3A_1628 : i32 to vector<16xi32>
      %add3A_1630 = arith.addi %mul3A_1493, %add3A_1629 : vector<16xi32>
      %gather3A_1631 = tpu.vector_load_idx %arg6[%add3A_1630] : memref<25600xi32, #tpu.memory_space<vmem>>[vector<16xi32>], vector<16xi32>,
      %gather3A_1632 = tpu.vector_load_idx %arg9[%gather3A_1631] : memref<512xf32, #tpu.memory_space<vmem>>[vector<16xi32>], vector<16xf32>,
      %add3A_1633 = arith.constant 3 : i32
      %add3A_1634 = arith.addi %mul3A_1581, %add3A_1633 : i32
      %mul3A_1635 = arith.constant 128 : i32
      %mul3A_1636 = arith.muli %add3A_1634, %mul3A_1635 : i32
      %add3A_1637 = arith.constant 64 : i32
      %add3A_1638 = arith.addi %mul3A_1636, %add3A_1637 : i32
      %swap3A_1639 = arith.index_cast %add3A_1638 : i32 to index
      %swap3A_1640 = tpu.vector_load %arg7[%swap3A_1639] {strides = array<i32>} : memref<25600xf32, #tpu.memory_space<vmem>>, vector<16xf32>,
      tpu.vector_store %arg7[%swap3A_1639], %gather3A_1632 {strides = array<i32>} : memref<25600xf32, #tpu.memory_space<vmem>>, vector<16xf32>,
      %add3A_1641 = arith.addf %add3A_1626, %gather3A_1632 : vector<16xf32>
      %add3A_1642 = arith.constant 4 : i32
      %add3A_1643 = arith.addi %mul3A_1581, %add3A_1642 : i32
      %add3A_1644 = vector.broadcast %add3A_1643 : i32 to vector<16xi32>
      %add3A_1645 = arith.addi %mul3A_1493, %add3A_1644 : vector<16xi32>
      %gather3A_1646 = tpu.vector_load_idx %arg6[%add3A_1645] : memref<25600xi32, #tpu.memory_space<vmem>>[vector<16xi32>], vector<16xi32>,
      %gather3A_1647 = tpu.vector_load_idx %arg9[%gather3A_1646] : memref<512xf32, #tpu.memory_space<vmem>>[vector<16xi32>], vector<16xf32>,
      %add3A_1648 = arith.constant 4 : i32
      %add3A_1649 = arith.addi %mul3A_1581, %add3A_1648 : i32
      %mul3A_1650 = arith.constant 128 : i32
      %mul3A_1651 = arith.muli %add3A_1649, %mul3A_1650 : i32
      %add3A_1652 = arith.constant 64 : i32
      %add3A_1653 = arith.addi %mul3A_1651, %add3A_1652 : i32
      %swap3A_1654 = arith.index_cast %add3A_1653 : i32 to index
      %swap3A_1655 = tpu.vector_load %arg7[%swap3A_1654] {strides = array<i32>} : memref<25600xf32, #tpu.memory_space<vmem>>, vector<16xf32>,
      tpu.vector_store %arg7[%swap3A_1654], %gather3A_1647 {strides = array<i32>} : memref<25600xf32, #tpu.memory_space<vmem>>, vector<16xf32>,
      %add3A_1656 = arith.addf %add3A_1641, %gather3A_1647 : vector<16xf32>
      %add3A_1657 = arith.constant 5 : i32
      %add3A_1658 = arith.addi %mul3A_1581, %add3A_1657 : i32
      %add3A_1659 = vector.broadcast %add3A_1658 : i32 to vector<16xi32>
      %add3A_1660 = arith.addi %mul3A_1493, %add3A_1659 : vector<16xi32>
      %gather3A_1661 = tpu.vector_load_idx %arg6[%add3A_1660] : memref<25600xi32, #tpu.memory_space<vmem>>[vector<16xi32>], vector<16xi32>,
      %gather3A_1662 = tpu.vector_load_idx %arg9[%gather3A_1661] : memref<512xf32, #tpu.memory_space<vmem>>[vector<16xi32>], vector<16xf32>,
      %add3A_1663 = arith.constant 5 : i32
      %add3A_1664 = arith.addi %mul3A_1581, %add3A_1663 : i32
      %mul3A_1665 = arith.constant 128 : i32
      %mul3A_1666 = arith.muli %add3A_1664, %mul3A_1665 : i32
      %add3A_1667 = arith.constant 64 : i32
      %add3A_1668 = arith.addi %mul3A_1666, %add3A_1667 : i32
      %swap3A_1669 = arith.index_cast %add3A_1668 : i32 to index
      %swap3A_1670 = tpu.vector_load %arg7[%swap3A_1669] {strides = array<i32>} : memref<25600xf32, #tpu.memory_space<vmem>>, vector<16xf32>,
      tpu.vector_store %arg7[%swap3A_1669], %gather3A_1662 {strides = array<i32>} : memref<25600xf32, #tpu.memory_space<vmem>>, vector<16xf32>,
      %add3A_1671 = arith.addf %add3A_1656, %gather3A_1662 : vector<16xf32>
      %add3A_1672 = arith.constant 6 : i32
      %add3A_1673 = arith.addi %mul3A_1581, %add3A_1672 : i32
      %add3A_1674 = vector.broadcast %add3A_1673 : i32 to vector<16xi32>
      %add3A_1675 = arith.addi %mul3A_1493, %add3A_1674 : vector<16xi32>
      %gather3A_1676 = tpu.vector_load_idx %arg6[%add3A_1675] : memref<25600xi32, #tpu.memory_space<vmem>>[vector<16xi32>], vector<16xi32>,
      %gather3A_1677 = tpu.vector_load_idx %arg9[%gather3A_1676] : memref<512xf32, #tpu.memory_space<vmem>>[vector<16xi32>], vector<16xf32>,
      %add3A_1678 = arith.constant 6 : i32
      %add3A_1679 = arith.addi %mul3A_1581, %add3A_1678 : i32
      %mul3A_1680 = arith.constant 128 : i32
      %mul3A_1681 = arith.muli %add3A_1679, %mul3A_1680 : i32
      %add3A_1682 = arith.constant 64 : i32
      %add3A_1683 = arith.addi %mul3A_1681, %add3A_1682 : i32
      %swap3A_1684 = arith.index_cast %add3A_1683 : i32 to index
      %swap3A_1685 = tpu.vector_load %arg7[%swap3A_1684] {strides = array<i32>} : memref<25600xf32, #tpu.memory_space<vmem>>, vector<16xf32>,
      tpu.vector_store %arg7[%swap3A_1684], %gather3A_1677 {strides = array<i32>} : memref<25600xf32, #tpu.memory_space<vmem>>, vector<16xf32>,
      %add3A_1686 = arith.addf %add3A_1671, %gather3A_1677 : vector<16xf32>
      %add3A_1687 = arith.constant 7 : i32
      %add3A_1688 = arith.addi %mul3A_1581, %add3A_1687 : i32
      %add3A_1689 = vector.broadcast %add3A_1688 : i32 to vector<16xi32>
      %add3A_1690 = arith.addi %mul3A_1493, %add3A_1689 : vector<16xi32>
      %gather3A_1691 = tpu.vector_load_idx %arg6[%add3A_1690] : memref<25600xi32, #tpu.memory_space<vmem>>[vector<16xi32>], vector<16xi32>,
      %gather3A_1692 = tpu.vector_load_idx %arg9[%gather3A_1691] : memref<512xf32, #tpu.memory_space<vmem>>[vector<16xi32>], vector<16xf32>,
      %add3A_1693 = arith.constant 7 : i32
      %add3A_1694 = arith.addi %mul3A_1581, %add3A_1693 : i32
      %mul3A_1695 = arith.constant 128 : i32
      %mul3A_1696 = arith.muli %add3A_1694, %mul3A_1695 : i32
      %add3A_1697 = arith.constant 64 : i32
      %add3A_1698 = arith.addi %mul3A_1696, %add3A_1697 : i32
      %swap3A_1699 = arith.index_cast %add3A_1698 : i32 to index
      %swap3A_1700 = tpu.vector_load %arg7[%swap3A_1699] {strides = array<i32>} : memref<25600xf32, #tpu.memory_space<vmem>>, vector<16xf32>,
      tpu.vector_store %arg7[%swap3A_1699], %gather3A_1692 {strides = array<i32>} : memref<25600xf32, #tpu.memory_space<vmem>>, vector<16xf32>,
      %add3A_1701 = arith.addf %add3A_1686, %gather3A_1692 : vector<16xf32>
      scf.yield %add3A_1701 : vector<16xf32>
    }
    %scan3A_1501 = arith.constant 25 : i32
    %add3A_1502 = arith.constant 1.000000e-07 : f32
    %add3A_1503 = vector.broadcast %add3A_1502 : f32 to vector<16xf32>
    %add3A_1504 = arith.addf %scan3A_1500, %add3A_1503 : vector<16xf32>
    %div3A_1505 = arith.constant 1.000000e+00 : f32
    %div3A_1506 = vector.broadcast %div3A_1505 : f32 to vector<16xf32>
    %div3A_1507 = arith.divf %div3A_1506, %add3A_1504 : vector<16xf32>
    %swap3A_1508 = arith.constant 64 : index
    %swap3A_1509 = tpu.vector_load %arg10[%swap3A_1508] {strides = array<i32>} : memref<128xf32, #tpu.memory_space<vmem>>, vector<16xf32>,
    tpu.vector_store %arg10[%swap3A_1508], %div3A_1507 {strides = array<i32>} : memref<128xf32, #tpu.memory_space<vmem>>, vector<16xf32>,
    %add3A_1510 = arith.constant 80 : i32
    %add3A_1511 = vector.broadcast %add3A_1510 : i32 to vector<16xi32>
    %add3A_1512 = arith.addi %iota3A, %add3A_1511 : vector<16xi32>
    %mul3A_1513 = arith.constant 200 : i32
    %mul3A_1514 = vector.broadcast %mul3A_1513 : i32 to vector<16xi32>
    %mul3A_1515 = arith.muli %add3A_1512, %mul3A_1514 : vector<16xi32>
    %broadcast_in_dim3A_1516 = arith.constant 0.000000e+00 : f32
    %broadcast_in_dim3A_1517 = vector.broadcast %broadcast_in_dim3A_1516 : f32 to vector<16xf32>
    %scan3A_1518 = arith.constant 0 : i32
    %scan3A_1519 = arith.constant 25 : i32
    %scan3A_1520 = arith.addi %scan3A_1518, %scan3A_1519 : i32
    %scan3A_1521 = arith.constant 1 : i32
    %scan3A_1522 = scf.for %scan3A_1578 = %scan3A_1518 to %scan3A_1520 step %scan3A_1521 iter_args(%scan3A_1579 = %broadcast_in_dim3A_1517) -> (vector<16xf32>)  : i32 {
      %mul3A_1580 = arith.constant 8 : i32
      %mul3A_1581 = arith.muli %scan3A_1578, %mul3A_1580 : i32
      %add3A_1582 = arith.constant 0 : i32
      %add3A_1583 = arith.addi %mul3A_1581, %add3A_1582 : i32
      %add3A_1584 = vector.broadcast %add3A_1583 : i32 to vector<16xi32>
      %add3A_1585 = arith.addi %mul3A_1515, %add3A_1584 : vector<16xi32>
      %gather3A_1586 = tpu.vector_load_idx %arg6[%add3A_1585] : memref<25600xi32, #tpu.memory_space<vmem>>[vector<16xi32>], vector<16xi32>,
      %gather3A_1587 = tpu.vector_load_idx %arg9[%gather3A_1586] : memref<512xf32, #tpu.memory_space<vmem>>[vector<16xi32>], vector<16xf32>,
      %add3A_1588 = arith.constant 0 : i32
      %add3A_1589 = arith.addi %mul3A_1581, %add3A_1588 : i32
      %mul3A_1590 = arith.constant 128 : i32
      %mul3A_1591 = arith.muli %add3A_1589, %mul3A_1590 : i32
      %add3A_1592 = arith.constant 80 : i32
      %add3A_1593 = arith.addi %mul3A_1591, %add3A_1592 : i32
      %swap3A_1594 = arith.index_cast %add3A_1593 : i32 to index
      %swap3A_1595 = tpu.vector_load %arg7[%swap3A_1594] {strides = array<i32>} : memref<25600xf32, #tpu.memory_space<vmem>>, vector<16xf32>,
      tpu.vector_store %arg7[%swap3A_1594], %gather3A_1587 {strides = array<i32>} : memref<25600xf32, #tpu.memory_space<vmem>>, vector<16xf32>,
      %add3A_1596 = arith.addf %scan3A_1579, %gather3A_1587 : vector<16xf32>
      %add3A_1597 = arith.constant 1 : i32
      %add3A_1598 = arith.addi %mul3A_1581, %add3A_1597 : i32
      %add3A_1599 = vector.broadcast %add3A_1598 : i32 to vector<16xi32>
      %add3A_1600 = arith.addi %mul3A_1515, %add3A_1599 : vector<16xi32>
      %gather3A_1601 = tpu.vector_load_idx %arg6[%add3A_1600] : memref<25600xi32, #tpu.memory_space<vmem>>[vector<16xi32>], vector<16xi32>,
      %gather3A_1602 = tpu.vector_load_idx %arg9[%gather3A_1601] : memref<512xf32, #tpu.memory_space<vmem>>[vector<16xi32>], vector<16xf32>,
      %add3A_1603 = arith.constant 1 : i32
      %add3A_1604 = arith.addi %mul3A_1581, %add3A_1603 : i32
      %mul3A_1605 = arith.constant 128 : i32
      %mul3A_1606 = arith.muli %add3A_1604, %mul3A_1605 : i32
      %add3A_1607 = arith.constant 80 : i32
      %add3A_1608 = arith.addi %mul3A_1606, %add3A_1607 : i32
      %swap3A_1609 = arith.index_cast %add3A_1608 : i32 to index
      %swap3A_1610 = tpu.vector_load %arg7[%swap3A_1609] {strides = array<i32>} : memref<25600xf32, #tpu.memory_space<vmem>>, vector<16xf32>,
      tpu.vector_store %arg7[%swap3A_1609], %gather3A_1602 {strides = array<i32>} : memref<25600xf32, #tpu.memory_space<vmem>>, vector<16xf32>,
      %add3A_1611 = arith.addf %add3A_1596, %gather3A_1602 : vector<16xf32>
      %add3A_1612 = arith.constant 2 : i32
      %add3A_1613 = arith.addi %mul3A_1581, %add3A_1612 : i32
      %add3A_1614 = vector.broadcast %add3A_1613 : i32 to vector<16xi32>
      %add3A_1615 = arith.addi %mul3A_1515, %add3A_1614 : vector<16xi32>
      %gather3A_1616 = tpu.vector_load_idx %arg6[%add3A_1615] : memref<25600xi32, #tpu.memory_space<vmem>>[vector<16xi32>], vector<16xi32>,
      %gather3A_1617 = tpu.vector_load_idx %arg9[%gather3A_1616] : memref<512xf32, #tpu.memory_space<vmem>>[vector<16xi32>], vector<16xf32>,
      %add3A_1618 = arith.constant 2 : i32
      %add3A_1619 = arith.addi %mul3A_1581, %add3A_1618 : i32
      %mul3A_1620 = arith.constant 128 : i32
      %mul3A_1621 = arith.muli %add3A_1619, %mul3A_1620 : i32
      %add3A_1622 = arith.constant 80 : i32
      %add3A_1623 = arith.addi %mul3A_1621, %add3A_1622 : i32
      %swap3A_1624 = arith.index_cast %add3A_1623 : i32 to index
      %swap3A_1625 = tpu.vector_load %arg7[%swap3A_1624] {strides = array<i32>} : memref<25600xf32, #tpu.memory_space<vmem>>, vector<16xf32>,
      tpu.vector_store %arg7[%swap3A_1624], %gather3A_1617 {strides = array<i32>} : memref<25600xf32, #tpu.memory_space<vmem>>, vector<16xf32>,
      %add3A_1626 = arith.addf %add3A_1611, %gather3A_1617 : vector<16xf32>
      %add3A_1627 = arith.constant 3 : i32
      %add3A_1628 = arith.addi %mul3A_1581, %add3A_1627 : i32
      %add3A_1629 = vector.broadcast %add3A_1628 : i32 to vector<16xi32>
      %add3A_1630 = arith.addi %mul3A_1515, %add3A_1629 : vector<16xi32>
      %gather3A_1631 = tpu.vector_load_idx %arg6[%add3A_1630] : memref<25600xi32, #tpu.memory_space<vmem>>[vector<16xi32>], vector<16xi32>,
      %gather3A_1632 = tpu.vector_load_idx %arg9[%gather3A_1631] : memref<512xf32, #tpu.memory_space<vmem>>[vector<16xi32>], vector<16xf32>,
      %add3A_1633 = arith.constant 3 : i32
      %add3A_1634 = arith.addi %mul3A_1581, %add3A_1633 : i32
      %mul3A_1635 = arith.constant 128 : i32
      %mul3A_1636 = arith.muli %add3A_1634, %mul3A_1635 : i32
      %add3A_1637 = arith.constant 80 : i32
      %add3A_1638 = arith.addi %mul3A_1636, %add3A_1637 : i32
      %swap3A_1639 = arith.index_cast %add3A_1638 : i32 to index
      %swap3A_1640 = tpu.vector_load %arg7[%swap3A_1639] {strides = array<i32>} : memref<25600xf32, #tpu.memory_space<vmem>>, vector<16xf32>,
      tpu.vector_store %arg7[%swap3A_1639], %gather3A_1632 {strides = array<i32>} : memref<25600xf32, #tpu.memory_space<vmem>>, vector<16xf32>,
      %add3A_1641 = arith.addf %add3A_1626, %gather3A_1632 : vector<16xf32>
      %add3A_1642 = arith.constant 4 : i32
      %add3A_1643 = arith.addi %mul3A_1581, %add3A_1642 : i32
      %add3A_1644 = vector.broadcast %add3A_1643 : i32 to vector<16xi32>
      %add3A_1645 = arith.addi %mul3A_1515, %add3A_1644 : vector<16xi32>
      %gather3A_1646 = tpu.vector_load_idx %arg6[%add3A_1645] : memref<25600xi32, #tpu.memory_space<vmem>>[vector<16xi32>], vector<16xi32>,
      %gather3A_1647 = tpu.vector_load_idx %arg9[%gather3A_1646] : memref<512xf32, #tpu.memory_space<vmem>>[vector<16xi32>], vector<16xf32>,
      %add3A_1648 = arith.constant 4 : i32
      %add3A_1649 = arith.addi %mul3A_1581, %add3A_1648 : i32
      %mul3A_1650 = arith.constant 128 : i32
      %mul3A_1651 = arith.muli %add3A_1649, %mul3A_1650 : i32
      %add3A_1652 = arith.constant 80 : i32
      %add3A_1653 = arith.addi %mul3A_1651, %add3A_1652 : i32
      %swap3A_1654 = arith.index_cast %add3A_1653 : i32 to index
      %swap3A_1655 = tpu.vector_load %arg7[%swap3A_1654] {strides = array<i32>} : memref<25600xf32, #tpu.memory_space<vmem>>, vector<16xf32>,
      tpu.vector_store %arg7[%swap3A_1654], %gather3A_1647 {strides = array<i32>} : memref<25600xf32, #tpu.memory_space<vmem>>, vector<16xf32>,
      %add3A_1656 = arith.addf %add3A_1641, %gather3A_1647 : vector<16xf32>
      %add3A_1657 = arith.constant 5 : i32
      %add3A_1658 = arith.addi %mul3A_1581, %add3A_1657 : i32
      %add3A_1659 = vector.broadcast %add3A_1658 : i32 to vector<16xi32>
      %add3A_1660 = arith.addi %mul3A_1515, %add3A_1659 : vector<16xi32>
      %gather3A_1661 = tpu.vector_load_idx %arg6[%add3A_1660] : memref<25600xi32, #tpu.memory_space<vmem>>[vector<16xi32>], vector<16xi32>,
      %gather3A_1662 = tpu.vector_load_idx %arg9[%gather3A_1661] : memref<512xf32, #tpu.memory_space<vmem>>[vector<16xi32>], vector<16xf32>,
      %add3A_1663 = arith.constant 5 : i32
      %add3A_1664 = arith.addi %mul3A_1581, %add3A_1663 : i32
      %mul3A_1665 = arith.constant 128 : i32
      %mul3A_1666 = arith.muli %add3A_1664, %mul3A_1665 : i32
      %add3A_1667 = arith.constant 80 : i32
      %add3A_1668 = arith.addi %mul3A_1666, %add3A_1667 : i32
      %swap3A_1669 = arith.index_cast %add3A_1668 : i32 to index
      %swap3A_1670 = tpu.vector_load %arg7[%swap3A_1669] {strides = array<i32>} : memref<25600xf32, #tpu.memory_space<vmem>>, vector<16xf32>,
      tpu.vector_store %arg7[%swap3A_1669], %gather3A_1662 {strides = array<i32>} : memref<25600xf32, #tpu.memory_space<vmem>>, vector<16xf32>,
      %add3A_1671 = arith.addf %add3A_1656, %gather3A_1662 : vector<16xf32>
      %add3A_1672 = arith.constant 6 : i32
      %add3A_1673 = arith.addi %mul3A_1581, %add3A_1672 : i32
      %add3A_1674 = vector.broadcast %add3A_1673 : i32 to vector<16xi32>
      %add3A_1675 = arith.addi %mul3A_1515, %add3A_1674 : vector<16xi32>
      %gather3A_1676 = tpu.vector_load_idx %arg6[%add3A_1675] : memref<25600xi32, #tpu.memory_space<vmem>>[vector<16xi32>], vector<16xi32>,
      %gather3A_1677 = tpu.vector_load_idx %arg9[%gather3A_1676] : memref<512xf32, #tpu.memory_space<vmem>>[vector<16xi32>], vector<16xf32>,
      %add3A_1678 = arith.constant 6 : i32
      %add3A_1679 = arith.addi %mul3A_1581, %add3A_1678 : i32
      %mul3A_1680 = arith.constant 128 : i32
      %mul3A_1681 = arith.muli %add3A_1679, %mul3A_1680 : i32
      %add3A_1682 = arith.constant 80 : i32
      %add3A_1683 = arith.addi %mul3A_1681, %add3A_1682 : i32
      %swap3A_1684 = arith.index_cast %add3A_1683 : i32 to index
      %swap3A_1685 = tpu.vector_load %arg7[%swap3A_1684] {strides = array<i32>} : memref<25600xf32, #tpu.memory_space<vmem>>, vector<16xf32>,
      tpu.vector_store %arg7[%swap3A_1684], %gather3A_1677 {strides = array<i32>} : memref<25600xf32, #tpu.memory_space<vmem>>, vector<16xf32>,
      %add3A_1686 = arith.addf %add3A_1671, %gather3A_1677 : vector<16xf32>
      %add3A_1687 = arith.constant 7 : i32
      %add3A_1688 = arith.addi %mul3A_1581, %add3A_1687 : i32
      %add3A_1689 = vector.broadcast %add3A_1688 : i32 to vector<16xi32>
      %add3A_1690 = arith.addi %mul3A_1515, %add3A_1689 : vector<16xi32>
      %gather3A_1691 = tpu.vector_load_idx %arg6[%add3A_1690] : memref<25600xi32, #tpu.memory_space<vmem>>[vector<16xi32>], vector<16xi32>,
      %gather3A_1692 = tpu.vector_load_idx %arg9[%gather3A_1691] : memref<512xf32, #tpu.memory_space<vmem>>[vector<16xi32>], vector<16xf32>,
      %add3A_1693 = arith.constant 7 : i32
      %add3A_1694 = arith.addi %mul3A_1581, %add3A_1693 : i32
      %mul3A_1695 = arith.constant 128 : i32
      %mul3A_1696 = arith.muli %add3A_1694, %mul3A_1695 : i32
      %add3A_1697 = arith.constant 80 : i32
      %add3A_1698 = arith.addi %mul3A_1696, %add3A_1697 : i32
      %swap3A_1699 = arith.index_cast %add3A_1698 : i32 to index
      %swap3A_1700 = tpu.vector_load %arg7[%swap3A_1699] {strides = array<i32>} : memref<25600xf32, #tpu.memory_space<vmem>>, vector<16xf32>,
      tpu.vector_store %arg7[%swap3A_1699], %gather3A_1692 {strides = array<i32>} : memref<25600xf32, #tpu.memory_space<vmem>>, vector<16xf32>,
      %add3A_1701 = arith.addf %add3A_1686, %gather3A_1692 : vector<16xf32>
      scf.yield %add3A_1701 : vector<16xf32>
    }
    %scan3A_1523 = arith.constant 25 : i32
    %add3A_1524 = arith.constant 1.000000e-07 : f32
    %add3A_1525 = vector.broadcast %add3A_1524 : f32 to vector<16xf32>
    %add3A_1526 = arith.addf %scan3A_1522, %add3A_1525 : vector<16xf32>
    %div3A_1527 = arith.constant 1.000000e+00 : f32
    %div3A_1528 = vector.broadcast %div3A_1527 : f32 to vector<16xf32>
    %div3A_1529 = arith.divf %div3A_1528, %add3A_1526 : vector<16xf32>
    %swap3A_1530 = arith.constant 80 : index
    %swap3A_1531 = tpu.vector_load %arg10[%swap3A_1530] {strides = array<i32>} : memref<128xf32, #tpu.memory_space<vmem>>, vector<16xf32>,
    tpu.vector_store %arg10[%swap3A_1530], %div3A_1529 {strides = array<i32>} : memref<128xf32, #tpu.memory_space<vmem>>, vector<16xf32>,
    %add3A_1532 = arith.constant 96 : i32
    %add3A_1533 = vector.broadcast %add3A_1532 : i32 to vector<16xi32>
    %add3A_1534 = arith.addi %iota3A, %add3A_1533 : vector<16xi32>
    %mul3A_1535 = arith.constant 200 : i32
    %mul3A_1536 = vector.broadcast %mul3A_1535 : i32 to vector<16xi32>
    %mul3A_1537 = arith.muli %add3A_1534, %mul3A_1536 : vector<16xi32>
    %broadcast_in_dim3A_1538 = arith.constant 0.000000e+00 : f32
    %broadcast_in_dim3A_1539 = vector.broadcast %broadcast_in_dim3A_1538 : f32 to vector<16xf32>
    %scan3A_1540 = arith.constant 0 : i32
    %scan3A_1541 = arith.constant 25 : i32
    %scan3A_1542 = arith.addi %scan3A_1540, %scan3A_1541 : i32
    %scan3A_1543 = arith.constant 1 : i32
    %scan3A_1544 = scf.for %scan3A_1578 = %scan3A_1540 to %scan3A_1542 step %scan3A_1543 iter_args(%scan3A_1579 = %broadcast_in_dim3A_1539) -> (vector<16xf32>)  : i32 {
      %mul3A_1580 = arith.constant 8 : i32
      %mul3A_1581 = arith.muli %scan3A_1578, %mul3A_1580 : i32
      %add3A_1582 = arith.constant 0 : i32
      %add3A_1583 = arith.addi %mul3A_1581, %add3A_1582 : i32
      %add3A_1584 = vector.broadcast %add3A_1583 : i32 to vector<16xi32>
      %add3A_1585 = arith.addi %mul3A_1537, %add3A_1584 : vector<16xi32>
      %gather3A_1586 = tpu.vector_load_idx %arg6[%add3A_1585] : memref<25600xi32, #tpu.memory_space<vmem>>[vector<16xi32>], vector<16xi32>,
      %gather3A_1587 = tpu.vector_load_idx %arg9[%gather3A_1586] : memref<512xf32, #tpu.memory_space<vmem>>[vector<16xi32>], vector<16xf32>,
      %add3A_1588 = arith.constant 0 : i32
      %add3A_1589 = arith.addi %mul3A_1581, %add3A_1588 : i32
      %mul3A_1590 = arith.constant 128 : i32
      %mul3A_1591 = arith.muli %add3A_1589, %mul3A_1590 : i32
      %add3A_1592 = arith.constant 96 : i32
      %add3A_1593 = arith.addi %mul3A_1591, %add3A_1592 : i32
      %swap3A_1594 = arith.index_cast %add3A_1593 : i32 to index
      %swap3A_1595 = tpu.vector_load %arg7[%swap3A_1594] {strides = array<i32>} : memref<25600xf32, #tpu.memory_space<vmem>>, vector<16xf32>,
      tpu.vector_store %arg7[%swap3A_1594], %gather3A_1587 {strides = array<i32>} : memref<25600xf32, #tpu.memory_space<vmem>>, vector<16xf32>,
      %add3A_1596 = arith.addf %scan3A_1579, %gather3A_1587 : vector<16xf32>
      %add3A_1597 = arith.constant 1 : i32
      %add3A_1598 = arith.addi %mul3A_1581, %add3A_1597 : i32
      %add3A_1599 = vector.broadcast %add3A_1598 : i32 to vector<16xi32>
      %add3A_1600 = arith.addi %mul3A_1537, %add3A_1599 : vector<16xi32>
      %gather3A_1601 = tpu.vector_load_idx %arg6[%add3A_1600] : memref<25600xi32, #tpu.memory_space<vmem>>[vector<16xi32>], vector<16xi32>,
      %gather3A_1602 = tpu.vector_load_idx %arg9[%gather3A_1601] : memref<512xf32, #tpu.memory_space<vmem>>[vector<16xi32>], vector<16xf32>,
      %add3A_1603 = arith.constant 1 : i32
      %add3A_1604 = arith.addi %mul3A_1581, %add3A_1603 : i32
      %mul3A_1605 = arith.constant 128 : i32
      %mul3A_1606 = arith.muli %add3A_1604, %mul3A_1605 : i32
      %add3A_1607 = arith.constant 96 : i32
      %add3A_1608 = arith.addi %mul3A_1606, %add3A_1607 : i32
      %swap3A_1609 = arith.index_cast %add3A_1608 : i32 to index
      %swap3A_1610 = tpu.vector_load %arg7[%swap3A_1609] {strides = array<i32>} : memref<25600xf32, #tpu.memory_space<vmem>>, vector<16xf32>,
      tpu.vector_store %arg7[%swap3A_1609], %gather3A_1602 {strides = array<i32>} : memref<25600xf32, #tpu.memory_space<vmem>>, vector<16xf32>,
      %add3A_1611 = arith.addf %add3A_1596, %gather3A_1602 : vector<16xf32>
      %add3A_1612 = arith.constant 2 : i32
      %add3A_1613 = arith.addi %mul3A_1581, %add3A_1612 : i32
      %add3A_1614 = vector.broadcast %add3A_1613 : i32 to vector<16xi32>
      %add3A_1615 = arith.addi %mul3A_1537, %add3A_1614 : vector<16xi32>
      %gather3A_1616 = tpu.vector_load_idx %arg6[%add3A_1615] : memref<25600xi32, #tpu.memory_space<vmem>>[vector<16xi32>], vector<16xi32>,
      %gather3A_1617 = tpu.vector_load_idx %arg9[%gather3A_1616] : memref<512xf32, #tpu.memory_space<vmem>>[vector<16xi32>], vector<16xf32>,
      %add3A_1618 = arith.constant 2 : i32
      %add3A_1619 = arith.addi %mul3A_1581, %add3A_1618 : i32
      %mul3A_1620 = arith.constant 128 : i32
      %mul3A_1621 = arith.muli %add3A_1619, %mul3A_1620 : i32
      %add3A_1622 = arith.constant 96 : i32
      %add3A_1623 = arith.addi %mul3A_1621, %add3A_1622 : i32
      %swap3A_1624 = arith.index_cast %add3A_1623 : i32 to index
      %swap3A_1625 = tpu.vector_load %arg7[%swap3A_1624] {strides = array<i32>} : memref<25600xf32, #tpu.memory_space<vmem>>, vector<16xf32>,
      tpu.vector_store %arg7[%swap3A_1624], %gather3A_1617 {strides = array<i32>} : memref<25600xf32, #tpu.memory_space<vmem>>, vector<16xf32>,
      %add3A_1626 = arith.addf %add3A_1611, %gather3A_1617 : vector<16xf32>
      %add3A_1627 = arith.constant 3 : i32
      %add3A_1628 = arith.addi %mul3A_1581, %add3A_1627 : i32
      %add3A_1629 = vector.broadcast %add3A_1628 : i32 to vector<16xi32>
      %add3A_1630 = arith.addi %mul3A_1537, %add3A_1629 : vector<16xi32>
      %gather3A_1631 = tpu.vector_load_idx %arg6[%add3A_1630] : memref<25600xi32, #tpu.memory_space<vmem>>[vector<16xi32>], vector<16xi32>,
      %gather3A_1632 = tpu.vector_load_idx %arg9[%gather3A_1631] : memref<512xf32, #tpu.memory_space<vmem>>[vector<16xi32>], vector<16xf32>,
      %add3A_1633 = arith.constant 3 : i32
      %add3A_1634 = arith.addi %mul3A_1581, %add3A_1633 : i32
      %mul3A_1635 = arith.constant 128 : i32
      %mul3A_1636 = arith.muli %add3A_1634, %mul3A_1635 : i32
      %add3A_1637 = arith.constant 96 : i32
      %add3A_1638 = arith.addi %mul3A_1636, %add3A_1637 : i32
      %swap3A_1639 = arith.index_cast %add3A_1638 : i32 to index
      %swap3A_1640 = tpu.vector_load %arg7[%swap3A_1639] {strides = array<i32>} : memref<25600xf32, #tpu.memory_space<vmem>>, vector<16xf32>,
      tpu.vector_store %arg7[%swap3A_1639], %gather3A_1632 {strides = array<i32>} : memref<25600xf32, #tpu.memory_space<vmem>>, vector<16xf32>,
      %add3A_1641 = arith.addf %add3A_1626, %gather3A_1632 : vector<16xf32>
      %add3A_1642 = arith.constant 4 : i32
      %add3A_1643 = arith.addi %mul3A_1581, %add3A_1642 : i32
      %add3A_1644 = vector.broadcast %add3A_1643 : i32 to vector<16xi32>
      %add3A_1645 = arith.addi %mul3A_1537, %add3A_1644 : vector<16xi32>
      %gather3A_1646 = tpu.vector_load_idx %arg6[%add3A_1645] : memref<25600xi32, #tpu.memory_space<vmem>>[vector<16xi32>], vector<16xi32>,
      %gather3A_1647 = tpu.vector_load_idx %arg9[%gather3A_1646] : memref<512xf32, #tpu.memory_space<vmem>>[vector<16xi32>], vector<16xf32>,
      %add3A_1648 = arith.constant 4 : i32
      %add3A_1649 = arith.addi %mul3A_1581, %add3A_1648 : i32
      %mul3A_1650 = arith.constant 128 : i32
      %mul3A_1651 = arith.muli %add3A_1649, %mul3A_1650 : i32
      %add3A_1652 = arith.constant 96 : i32
      %add3A_1653 = arith.addi %mul3A_1651, %add3A_1652 : i32
      %swap3A_1654 = arith.index_cast %add3A_1653 : i32 to index
      %swap3A_1655 = tpu.vector_load %arg7[%swap3A_1654] {strides = array<i32>} : memref<25600xf32, #tpu.memory_space<vmem>>, vector<16xf32>,
      tpu.vector_store %arg7[%swap3A_1654], %gather3A_1647 {strides = array<i32>} : memref<25600xf32, #tpu.memory_space<vmem>>, vector<16xf32>,
      %add3A_1656 = arith.addf %add3A_1641, %gather3A_1647 : vector<16xf32>
      %add3A_1657 = arith.constant 5 : i32
      %add3A_1658 = arith.addi %mul3A_1581, %add3A_1657 : i32
      %add3A_1659 = vector.broadcast %add3A_1658 : i32 to vector<16xi32>
      %add3A_1660 = arith.addi %mul3A_1537, %add3A_1659 : vector<16xi32>
      %gather3A_1661 = tpu.vector_load_idx %arg6[%add3A_1660] : memref<25600xi32, #tpu.memory_space<vmem>>[vector<16xi32>], vector<16xi32>,
      %gather3A_1662 = tpu.vector_load_idx %arg9[%gather3A_1661] : memref<512xf32, #tpu.memory_space<vmem>>[vector<16xi32>], vector<16xf32>,
      %add3A_1663 = arith.constant 5 : i32
      %add3A_1664 = arith.addi %mul3A_1581, %add3A_1663 : i32
      %mul3A_1665 = arith.constant 128 : i32
      %mul3A_1666 = arith.muli %add3A_1664, %mul3A_1665 : i32
      %add3A_1667 = arith.constant 96 : i32
      %add3A_1668 = arith.addi %mul3A_1666, %add3A_1667 : i32
      %swap3A_1669 = arith.index_cast %add3A_1668 : i32 to index
      %swap3A_1670 = tpu.vector_load %arg7[%swap3A_1669] {strides = array<i32>} : memref<25600xf32, #tpu.memory_space<vmem>>, vector<16xf32>,
      tpu.vector_store %arg7[%swap3A_1669], %gather3A_1662 {strides = array<i32>} : memref<25600xf32, #tpu.memory_space<vmem>>, vector<16xf32>,
      %add3A_1671 = arith.addf %add3A_1656, %gather3A_1662 : vector<16xf32>
      %add3A_1672 = arith.constant 6 : i32
      %add3A_1673 = arith.addi %mul3A_1581, %add3A_1672 : i32
      %add3A_1674 = vector.broadcast %add3A_1673 : i32 to vector<16xi32>
      %add3A_1675 = arith.addi %mul3A_1537, %add3A_1674 : vector<16xi32>
      %gather3A_1676 = tpu.vector_load_idx %arg6[%add3A_1675] : memref<25600xi32, #tpu.memory_space<vmem>>[vector<16xi32>], vector<16xi32>,
      %gather3A_1677 = tpu.vector_load_idx %arg9[%gather3A_1676] : memref<512xf32, #tpu.memory_space<vmem>>[vector<16xi32>], vector<16xf32>,
      %add3A_1678 = arith.constant 6 : i32
      %add3A_1679 = arith.addi %mul3A_1581, %add3A_1678 : i32
      %mul3A_1680 = arith.constant 128 : i32
      %mul3A_1681 = arith.muli %add3A_1679, %mul3A_1680 : i32
      %add3A_1682 = arith.constant 96 : i32
      %add3A_1683 = arith.addi %mul3A_1681, %add3A_1682 : i32
      %swap3A_1684 = arith.index_cast %add3A_1683 : i32 to index
      %swap3A_1685 = tpu.vector_load %arg7[%swap3A_1684] {strides = array<i32>} : memref<25600xf32, #tpu.memory_space<vmem>>, vector<16xf32>,
      tpu.vector_store %arg7[%swap3A_1684], %gather3A_1677 {strides = array<i32>} : memref<25600xf32, #tpu.memory_space<vmem>>, vector<16xf32>,
      %add3A_1686 = arith.addf %add3A_1671, %gather3A_1677 : vector<16xf32>
      %add3A_1687 = arith.constant 7 : i32
      %add3A_1688 = arith.addi %mul3A_1581, %add3A_1687 : i32
      %add3A_1689 = vector.broadcast %add3A_1688 : i32 to vector<16xi32>
      %add3A_1690 = arith.addi %mul3A_1537, %add3A_1689 : vector<16xi32>
      %gather3A_1691 = tpu.vector_load_idx %arg6[%add3A_1690] : memref<25600xi32, #tpu.memory_space<vmem>>[vector<16xi32>], vector<16xi32>,
      %gather3A_1692 = tpu.vector_load_idx %arg9[%gather3A_1691] : memref<512xf32, #tpu.memory_space<vmem>>[vector<16xi32>], vector<16xf32>,
      %add3A_1693 = arith.constant 7 : i32
      %add3A_1694 = arith.addi %mul3A_1581, %add3A_1693 : i32
      %mul3A_1695 = arith.constant 128 : i32
      %mul3A_1696 = arith.muli %add3A_1694, %mul3A_1695 : i32
      %add3A_1697 = arith.constant 96 : i32
      %add3A_1698 = arith.addi %mul3A_1696, %add3A_1697 : i32
      %swap3A_1699 = arith.index_cast %add3A_1698 : i32 to index
      %swap3A_1700 = tpu.vector_load %arg7[%swap3A_1699] {strides = array<i32>} : memref<25600xf32, #tpu.memory_space<vmem>>, vector<16xf32>,
      tpu.vector_store %arg7[%swap3A_1699], %gather3A_1692 {strides = array<i32>} : memref<25600xf32, #tpu.memory_space<vmem>>, vector<16xf32>,
      %add3A_1701 = arith.addf %add3A_1686, %gather3A_1692 : vector<16xf32>
      scf.yield %add3A_1701 : vector<16xf32>
    }
    %scan3A_1545 = arith.constant 25 : i32
    %add3A_1546 = arith.constant 1.000000e-07 : f32
    %add3A_1547 = vector.broadcast %add3A_1546 : f32 to vector<16xf32>
    %add3A_1548 = arith.addf %scan3A_1544, %add3A_1547 : vector<16xf32>
    %div3A_1549 = arith.constant 1.000000e+00 : f32
    %div3A_1550 = vector.broadcast %div3A_1549 : f32 to vector<16xf32>
    %div3A_1551 = arith.divf %div3A_1550, %add3A_1548 : vector<16xf32>
    %swap3A_1552 = arith.constant 96 : index
    %swap3A_1553 = tpu.vector_load %arg10[%swap3A_1552] {strides = array<i32>} : memref<128xf32, #tpu.memory_space<vmem>>, vector<16xf32>,
    tpu.vector_store %arg10[%swap3A_1552], %div3A_1551 {strides = array<i32>} : memref<128xf32, #tpu.memory_space<vmem>>, vector<16xf32>,
    %add3A_1554 = arith.constant 112 : i32
    %add3A_1555 = vector.broadcast %add3A_1554 : i32 to vector<16xi32>
    %add3A_1556 = arith.addi %iota3A, %add3A_1555 : vector<16xi32>
    %mul3A_1557 = arith.constant 200 : i32
    %mul3A_1558 = vector.broadcast %mul3A_1557 : i32 to vector<16xi32>
    %mul3A_1559 = arith.muli %add3A_1556, %mul3A_1558 : vector<16xi32>
    %broadcast_in_dim3A_1560 = arith.constant 0.000000e+00 : f32
    %broadcast_in_dim3A_1561 = vector.broadcast %broadcast_in_dim3A_1560 : f32 to vector<16xf32>
    %scan3A_1562 = arith.constant 0 : i32
    %scan3A_1563 = arith.constant 25 : i32
    %scan3A_1564 = arith.addi %scan3A_1562, %scan3A_1563 : i32
    %scan3A_1565 = arith.constant 1 : i32
    %scan3A_1566 = scf.for %scan3A_1578 = %scan3A_1562 to %scan3A_1564 step %scan3A_1565 iter_args(%scan3A_1579 = %broadcast_in_dim3A_1561) -> (vector<16xf32>)  : i32 {
      %mul3A_1580 = arith.constant 8 : i32
      %mul3A_1581 = arith.muli %scan3A_1578, %mul3A_1580 : i32
      %add3A_1582 = arith.constant 0 : i32
      %add3A_1583 = arith.addi %mul3A_1581, %add3A_1582 : i32
      %add3A_1584 = vector.broadcast %add3A_1583 : i32 to vector<16xi32>
      %add3A_1585 = arith.addi %mul3A_1559, %add3A_1584 : vector<16xi32>
      %gather3A_1586 = tpu.vector_load_idx %arg6[%add3A_1585] : memref<25600xi32, #tpu.memory_space<vmem>>[vector<16xi32>], vector<16xi32>,
      %gather3A_1587 = tpu.vector_load_idx %arg9[%gather3A_1586] : memref<512xf32, #tpu.memory_space<vmem>>[vector<16xi32>], vector<16xf32>,
      %add3A_1588 = arith.constant 0 : i32
      %add3A_1589 = arith.addi %mul3A_1581, %add3A_1588 : i32
      %mul3A_1590 = arith.constant 128 : i32
      %mul3A_1591 = arith.muli %add3A_1589, %mul3A_1590 : i32
      %add3A_1592 = arith.constant 112 : i32
      %add3A_1593 = arith.addi %mul3A_1591, %add3A_1592 : i32
      %swap3A_1594 = arith.index_cast %add3A_1593 : i32 to index
      %swap3A_1595 = tpu.vector_load %arg7[%swap3A_1594] {strides = array<i32>} : memref<25600xf32, #tpu.memory_space<vmem>>, vector<16xf32>,
      tpu.vector_store %arg7[%swap3A_1594], %gather3A_1587 {strides = array<i32>} : memref<25600xf32, #tpu.memory_space<vmem>>, vector<16xf32>,
      %add3A_1596 = arith.addf %scan3A_1579, %gather3A_1587 : vector<16xf32>
      %add3A_1597 = arith.constant 1 : i32
      %add3A_1598 = arith.addi %mul3A_1581, %add3A_1597 : i32
      %add3A_1599 = vector.broadcast %add3A_1598 : i32 to vector<16xi32>
      %add3A_1600 = arith.addi %mul3A_1559, %add3A_1599 : vector<16xi32>
      %gather3A_1601 = tpu.vector_load_idx %arg6[%add3A_1600] : memref<25600xi32, #tpu.memory_space<vmem>>[vector<16xi32>], vector<16xi32>,
      %gather3A_1602 = tpu.vector_load_idx %arg9[%gather3A_1601] : memref<512xf32, #tpu.memory_space<vmem>>[vector<16xi32>], vector<16xf32>,
      %add3A_1603 = arith.constant 1 : i32
      %add3A_1604 = arith.addi %mul3A_1581, %add3A_1603 : i32
      %mul3A_1605 = arith.constant 128 : i32
      %mul3A_1606 = arith.muli %add3A_1604, %mul3A_1605 : i32
      %add3A_1607 = arith.constant 112 : i32
      %add3A_1608 = arith.addi %mul3A_1606, %add3A_1607 : i32
      %swap3A_1609 = arith.index_cast %add3A_1608 : i32 to index
      %swap3A_1610 = tpu.vector_load %arg7[%swap3A_1609] {strides = array<i32>} : memref<25600xf32, #tpu.memory_space<vmem>>, vector<16xf32>,
      tpu.vector_store %arg7[%swap3A_1609], %gather3A_1602 {strides = array<i32>} : memref<25600xf32, #tpu.memory_space<vmem>>, vector<16xf32>,
      %add3A_1611 = arith.addf %add3A_1596, %gather3A_1602 : vector<16xf32>
      %add3A_1612 = arith.constant 2 : i32
      %add3A_1613 = arith.addi %mul3A_1581, %add3A_1612 : i32
      %add3A_1614 = vector.broadcast %add3A_1613 : i32 to vector<16xi32>
      %add3A_1615 = arith.addi %mul3A_1559, %add3A_1614 : vector<16xi32>
      %gather3A_1616 = tpu.vector_load_idx %arg6[%add3A_1615] : memref<25600xi32, #tpu.memory_space<vmem>>[vector<16xi32>], vector<16xi32>,
      %gather3A_1617 = tpu.vector_load_idx %arg9[%gather3A_1616] : memref<512xf32, #tpu.memory_space<vmem>>[vector<16xi32>], vector<16xf32>,
      %add3A_1618 = arith.constant 2 : i32
      %add3A_1619 = arith.addi %mul3A_1581, %add3A_1618 : i32
      %mul3A_1620 = arith.constant 128 : i32
      %mul3A_1621 = arith.muli %add3A_1619, %mul3A_1620 : i32
      %add3A_1622 = arith.constant 112 : i32
      %add3A_1623 = arith.addi %mul3A_1621, %add3A_1622 : i32
      %swap3A_1624 = arith.index_cast %add3A_1623 : i32 to index
      %swap3A_1625 = tpu.vector_load %arg7[%swap3A_1624] {strides = array<i32>} : memref<25600xf32, #tpu.memory_space<vmem>>, vector<16xf32>,
      tpu.vector_store %arg7[%swap3A_1624], %gather3A_1617 {strides = array<i32>} : memref<25600xf32, #tpu.memory_space<vmem>>, vector<16xf32>,
      %add3A_1626 = arith.addf %add3A_1611, %gather3A_1617 : vector<16xf32>
      %add3A_1627 = arith.constant 3 : i32
      %add3A_1628 = arith.addi %mul3A_1581, %add3A_1627 : i32
      %add3A_1629 = vector.broadcast %add3A_1628 : i32 to vector<16xi32>
      %add3A_1630 = arith.addi %mul3A_1559, %add3A_1629 : vector<16xi32>
      %gather3A_1631 = tpu.vector_load_idx %arg6[%add3A_1630] : memref<25600xi32, #tpu.memory_space<vmem>>[vector<16xi32>], vector<16xi32>,
      %gather3A_1632 = tpu.vector_load_idx %arg9[%gather3A_1631] : memref<512xf32, #tpu.memory_space<vmem>>[vector<16xi32>], vector<16xf32>,
      %add3A_1633 = arith.constant 3 : i32
      %add3A_1634 = arith.addi %mul3A_1581, %add3A_1633 : i32
      %mul3A_1635 = arith.constant 128 : i32
      %mul3A_1636 = arith.muli %add3A_1634, %mul3A_1635 : i32
      %add3A_1637 = arith.constant 112 : i32
      %add3A_1638 = arith.addi %mul3A_1636, %add3A_1637 : i32
      %swap3A_1639 = arith.index_cast %add3A_1638 : i32 to index
      %swap3A_1640 = tpu.vector_load %arg7[%swap3A_1639] {strides = array<i32>} : memref<25600xf32, #tpu.memory_space<vmem>>, vector<16xf32>,
      tpu.vector_store %arg7[%swap3A_1639], %gather3A_1632 {strides = array<i32>} : memref<25600xf32, #tpu.memory_space<vmem>>, vector<16xf32>,
      %add3A_1641 = arith.addf %add3A_1626, %gather3A_1632 : vector<16xf32>
      %add3A_1642 = arith.constant 4 : i32
      %add3A_1643 = arith.addi %mul3A_1581, %add3A_1642 : i32
      %add3A_1644 = vector.broadcast %add3A_1643 : i32 to vector<16xi32>
      %add3A_1645 = arith.addi %mul3A_1559, %add3A_1644 : vector<16xi32>
      %gather3A_1646 = tpu.vector_load_idx %arg6[%add3A_1645] : memref<25600xi32, #tpu.memory_space<vmem>>[vector<16xi32>], vector<16xi32>,
      %gather3A_1647 = tpu.vector_load_idx %arg9[%gather3A_1646] : memref<512xf32, #tpu.memory_space<vmem>>[vector<16xi32>], vector<16xf32>,
      %add3A_1648 = arith.constant 4 : i32
      %add3A_1649 = arith.addi %mul3A_1581, %add3A_1648 : i32
      %mul3A_1650 = arith.constant 128 : i32
      %mul3A_1651 = arith.muli %add3A_1649, %mul3A_1650 : i32
      %add3A_1652 = arith.constant 112 : i32
      %add3A_1653 = arith.addi %mul3A_1651, %add3A_1652 : i32
      %swap3A_1654 = arith.index_cast %add3A_1653 : i32 to index
      %swap3A_1655 = tpu.vector_load %arg7[%swap3A_1654] {strides = array<i32>} : memref<25600xf32, #tpu.memory_space<vmem>>, vector<16xf32>,
      tpu.vector_store %arg7[%swap3A_1654], %gather3A_1647 {strides = array<i32>} : memref<25600xf32, #tpu.memory_space<vmem>>, vector<16xf32>,
      %add3A_1656 = arith.addf %add3A_1641, %gather3A_1647 : vector<16xf32>
      %add3A_1657 = arith.constant 5 : i32
      %add3A_1658 = arith.addi %mul3A_1581, %add3A_1657 : i32
      %add3A_1659 = vector.broadcast %add3A_1658 : i32 to vector<16xi32>
      %add3A_1660 = arith.addi %mul3A_1559, %add3A_1659 : vector<16xi32>
      %gather3A_1661 = tpu.vector_load_idx %arg6[%add3A_1660] : memref<25600xi32, #tpu.memory_space<vmem>>[vector<16xi32>], vector<16xi32>,
      %gather3A_1662 = tpu.vector_load_idx %arg9[%gather3A_1661] : memref<512xf32, #tpu.memory_space<vmem>>[vector<16xi32>], vector<16xf32>,
      %add3A_1663 = arith.constant 5 : i32
      %add3A_1664 = arith.addi %mul3A_1581, %add3A_1663 : i32
      %mul3A_1665 = arith.constant 128 : i32
      %mul3A_1666 = arith.muli %add3A_1664, %mul3A_1665 : i32
      %add3A_1667 = arith.constant 112 : i32
      %add3A_1668 = arith.addi %mul3A_1666, %add3A_1667 : i32
      %swap3A_1669 = arith.index_cast %add3A_1668 : i32 to index
      %swap3A_1670 = tpu.vector_load %arg7[%swap3A_1669] {strides = array<i32>} : memref<25600xf32, #tpu.memory_space<vmem>>, vector<16xf32>,
      tpu.vector_store %arg7[%swap3A_1669], %gather3A_1662 {strides = array<i32>} : memref<25600xf32, #tpu.memory_space<vmem>>, vector<16xf32>,
      %add3A_1671 = arith.addf %add3A_1656, %gather3A_1662 : vector<16xf32>
      %add3A_1672 = arith.constant 6 : i32
      %add3A_1673 = arith.addi %mul3A_1581, %add3A_1672 : i32
      %add3A_1674 = vector.broadcast %add3A_1673 : i32 to vector<16xi32>
      %add3A_1675 = arith.addi %mul3A_1559, %add3A_1674 : vector<16xi32>
      %gather3A_1676 = tpu.vector_load_idx %arg6[%add3A_1675] : memref<25600xi32, #tpu.memory_space<vmem>>[vector<16xi32>], vector<16xi32>,
      %gather3A_1677 = tpu.vector_load_idx %arg9[%gather3A_1676] : memref<512xf32, #tpu.memory_space<vmem>>[vector<16xi32>], vector<16xf32>,
      %add3A_1678 = arith.constant 6 : i32
      %add3A_1679 = arith.addi %mul3A_1581, %add3A_1678 : i32
      %mul3A_1680 = arith.constant 128 : i32
      %mul3A_1681 = arith.muli %add3A_1679, %mul3A_1680 : i32
      %add3A_1682 = arith.constant 112 : i32
      %add3A_1683 = arith.addi %mul3A_1681, %add3A_1682 : i32
      %swap3A_1684 = arith.index_cast %add3A_1683 : i32 to index
      %swap3A_1685 = tpu.vector_load %arg7[%swap3A_1684] {strides = array<i32>} : memref<25600xf32, #tpu.memory_space<vmem>>, vector<16xf32>,
      tpu.vector_store %arg7[%swap3A_1684], %gather3A_1677 {strides = array<i32>} : memref<25600xf32, #tpu.memory_space<vmem>>, vector<16xf32>,
      %add3A_1686 = arith.addf %add3A_1671, %gather3A_1677 : vector<16xf32>
      %add3A_1687 = arith.constant 7 : i32
      %add3A_1688 = arith.addi %mul3A_1581, %add3A_1687 : i32
      %add3A_1689 = vector.broadcast %add3A_1688 : i32 to vector<16xi32>
      %add3A_1690 = arith.addi %mul3A_1559, %add3A_1689 : vector<16xi32>
      %gather3A_1691 = tpu.vector_load_idx %arg6[%add3A_1690] : memref<25600xi32, #tpu.memory_space<vmem>>[vector<16xi32>], vector<16xi32>,
      %gather3A_1692 = tpu.vector_load_idx %arg9[%gather3A_1691] : memref<512xf32, #tpu.memory_space<vmem>>[vector<16xi32>], vector<16xf32>,
      %add3A_1693 = arith.constant 7 : i32
      %add3A_1694 = arith.addi %mul3A_1581, %add3A_1693 : i32
      %mul3A_1695 = arith.constant 128 : i32
      %mul3A_1696 = arith.muli %add3A_1694, %mul3A_1695 : i32
      %add3A_1697 = arith.constant 112 : i32
      %add3A_1698 = arith.addi %mul3A_1696, %add3A_1697 : i32
      %swap3A_1699 = arith.index_cast %add3A_1698 : i32 to index
      %swap3A_1700 = tpu.vector_load %arg7[%swap3A_1699] {strides = array<i32>} : memref<25600xf32, #tpu.memory_space<vmem>>, vector<16xf32>,
      tpu.vector_store %arg7[%swap3A_1699], %gather3A_1692 {strides = array<i32>} : memref<25600xf32, #tpu.memory_space<vmem>>, vector<16xf32>,
      %add3A_1701 = arith.addf %add3A_1686, %gather3A_1692 : vector<16xf32>
      scf.yield %add3A_1701 : vector<16xf32>
    }
    %scan3A_1567 = arith.constant 25 : i32
    %add3A_1568 = arith.constant 1.000000e-07 : f32
    %add3A_1569 = vector.broadcast %add3A_1568 : f32 to vector<16xf32>
    %add3A_1570 = arith.addf %scan3A_1566, %add3A_1569 : vector<16xf32>
    %div3A_1571 = arith.constant 1.000000e+00 : f32
    %div3A_1572 = vector.broadcast %div3A_1571 : f32 to vector<16xf32>
    %div3A_1573 = arith.divf %div3A_1572, %add3A_1570 : vector<16xf32>
    %swap3A_1574 = arith.constant 112 : index
    %swap3A_1575 = tpu.vector_load %arg10[%swap3A_1574] {strides = array<i32>} : memref<128xf32, #tpu.memory_space<vmem>>, vector<16xf32>,
    tpu.vector_store %arg10[%swap3A_1574], %div3A_1573 {strides = array<i32>} : memref<128xf32, #tpu.memory_space<vmem>>, vector<16xf32>,
    "tpu.region"() ({
      %run_scoped3A = tpu.sem_alloc : memref<!tpu.dma_semaphore, #tpu.memory_space<semaphore_mem>>
      %dma_start3A = tpu.memref_slice %arg4[%mul3A_2] : memref<819200xf32, #tpu.memory_space<hbm>> -> memref<25600xf32, #tpu.memory_space<hbm>>
      %dma_start3A_1578 = tpu.memref_slice %arg4[%mul3A_2] : memref<819200xf32, #tpu.memory_space<hbm>> -> memref<25600xf32, #tpu.memory_space<hbm>>
      tpu.enqueue_dma source(%arg7 : memref<25600xf32, #tpu.memory_space<vmem>>) target(%dma_start3A_1578 : memref<25600xf32, #tpu.memory_space<hbm>>) target_semaphore(%run_scoped3A : memref<!tpu.dma_semaphore, #tpu.memory_space<semaphore_mem>>)
      %dma_wait3A = tpu.memref_slice %arg4[%mul3A_2] : memref<819200xf32, #tpu.memory_space<hbm>> -> memref<25600xf32, #tpu.memory_space<hbm>>
      %dma_wait3A_1579 = tpu.memref_slice %arg4[%mul3A_2] : memref<819200xf32, #tpu.memory_space<hbm>> -> memref<25600xf32, #tpu.memory_space<hbm>>
      tpu.wait_dma2 semaphore(%run_scoped3A : memref<!tpu.dma_semaphore, #tpu.memory_space<semaphore_mem>>) src(%arg7 : memref<25600xf32, #tpu.memory_space<vmem>>) dst(%dma_wait3A_1579 : memref<25600xf32, #tpu.memory_space<hbm>>)
      tpu.yield
    }) : () -> ()
    %mul3A_1576 = arith.constant 128 : i32
    %mul3A_1577 = arith.muli %add3A, %mul3A_1576 : i32
    "tpu.region"() ({
      %run_scoped3A = tpu.sem_alloc : memref<!tpu.dma_semaphore, #tpu.memory_space<semaphore_mem>>
      %dma_start3A = tpu.memref_slice %arg5[%mul3A_1577] : memref<4096xf32, #tpu.memory_space<hbm>> -> memref<128xf32, #tpu.memory_space<hbm>>
      %dma_start3A_1578 = tpu.memref_slice %arg5[%mul3A_1577] : memref<4096xf32, #tpu.memory_space<hbm>> -> memref<128xf32, #tpu.memory_space<hbm>>
      tpu.enqueue_dma source(%arg10 : memref<128xf32, #tpu.memory_space<vmem>>) target(%dma_start3A_1578 : memref<128xf32, #tpu.memory_space<hbm>>) target_semaphore(%run_scoped3A : memref<!tpu.dma_semaphore, #tpu.memory_space<semaphore_mem>>)
      %dma_wait3A = tpu.memref_slice %arg5[%mul3A_1577] : memref<4096xf32, #tpu.memory_space<hbm>> -> memref<128xf32, #tpu.memory_space<hbm>>
      %dma_wait3A_1579 = tpu.memref_slice %arg5[%mul3A_1577] : memref<4096xf32, #tpu.memory_space<hbm>> -> memref<128xf32, #tpu.memory_space<hbm>>
      tpu.wait_dma2 semaphore(%run_scoped3A : memref<!tpu.dma_semaphore, #tpu.memory_space<semaphore_mem>>) src(%arg10 : memref<128xf32, #tpu.memory_space<vmem>>) dst(%dma_wait3A_1579 : memref<128xf32, #tpu.memory_space<hbm>>)
      tpu.yield
    }) : () -> ()
    return
  }
}

module attributes {stable_mosaic.version = 14 : i64} {
  func.func @_tc_pool_kernel(%arg0: i32, %arg1: memref<1x200x1x128xf32, #tpu.memory_space<vmem>>, %arg2: memref<1x1x128xf32, #tpu.memory_space<vmem>>, %arg3: memref<200x64x128xf32, #tpu.memory_space<vmem>>, %arg4: memref<64x128xf32, #tpu.memory_space<vmem>>) attributes {dimension_semantics = [#tpu.dimension_semantics<arbitrary>], iteration_bounds = array<i64: 32>, scalar_prefetch = 0 : i64, scratch_operands = 0 : i64, tpu.core_type = #tpu.core_type<tc>, window_params = [{transform_indices = @transform_0, window_bounds = array<i64: 1, 200, 1, 128>}, {transform_indices = @transform_1, window_bounds = array<i64: 1, 1, 128>}, {transform_indices = @transform_2, window_bounds = array<i64: 200, 64, 128>}, {transform_indices = @transform_3, window_bounds = array<i64: 64, 128>}]} {
    %get3A = arith.constant 0 : index
    %get3A_0 = arith.constant 0 : index
    %get3A_1 = arith.constant 0 : index
    %get3A_2 = arith.constant 0 : index
    %get3A_3 = vector.load %arg1[%get3A, %get3A_0, %get3A_1, %get3A_2] : memref<1x200x1x128xf32, #tpu.memory_space<vmem>>, vector<1x200x1x128xf32>
    %get3A_4 = vector.shape_cast %get3A_3 : vector<1x200x1x128xf32> to vector<200x1x128xf32>
    %get3A_5 = arith.constant 0 : index
    %get3A_6 = arith.constant 0 : index
    %get3A_7 = arith.constant 0 : index
    %get3A_8 = vector.load %arg3[%get3A_5, %get3A_6, %get3A_7] : memref<200x64x128xf32, #tpu.memory_space<vmem>>, vector<200x64x128xf32>
    %broadcast_in_dim3A = vector.shape_cast %get3A_4 : vector<200x1x128xf32> to vector<200x1x128xf32>
    %broadcast_in_dim3A_9 = vector.broadcast %broadcast_in_dim3A : vector<200x1x128xf32> to vector<200x64x128xf32>
    %mul3A = arith.mulf %get3A_8, %broadcast_in_dim3A_9 : vector<200x64x128xf32>
    %reduce_sum3A = arith.constant dense<0.000000e+00> : vector<64x128xf32>
    %reduce_sum3A_10 = vector.multi_reduction <add>, %mul3A, %reduce_sum3A [0] : vector<200x64x128xf32> to vector<64x128xf32>
    %get3A_11 = arith.constant 0 : index
    %get3A_12 = arith.constant 0 : index
    %get3A_13 = arith.constant 0 : index
    %get3A_14 = vector.load %arg2[%get3A_11, %get3A_12, %get3A_13] : memref<1x1x128xf32, #tpu.memory_space<vmem>>, vector<1x1x128xf32>
    %get3A_15 = vector.shape_cast %get3A_14 : vector<1x1x128xf32> to vector<1x128xf32>
    %broadcast_in_dim3A_16 = vector.shape_cast %get3A_15 : vector<1x128xf32> to vector<1x128xf32>
    %broadcast_in_dim3A_17 = vector.broadcast %broadcast_in_dim3A_16 : vector<1x128xf32> to vector<64x128xf32>
    %mul3A_18 = arith.mulf %reduce_sum3A_10, %broadcast_in_dim3A_17 : vector<64x128xf32>
    %swap3A = arith.constant 0 : index
    %swap3A_19 = arith.constant 0 : index
    %swap3A_20 = vector.load %arg4[%swap3A, %swap3A_19] : memref<64x128xf32, #tpu.memory_space<vmem>>, vector<64x128xf32>
    tpu.vector_store %arg4[%swap3A, %swap3A_19], %mul3A_18 {strides = array<i32>} : memref<64x128xf32, #tpu.memory_space<vmem>>, vector<64x128xf32>,
    return
  }
  func.func @transform_0(%arg0: i32) -> (i32, i32, i32, i32) {
    %c0_i32 = arith.constant 0 : i32
    %c0_i32_0 = arith.constant 0 : i32
    %c0_i32_1 = arith.constant 0 : i32
    %c0_i32_2 = arith.constant 0 : i32
    return %arg0, %c0_i32, %c0_i32_0, %c0_i32_1 : i32, i32, i32, i32
  }
  func.func @transform_1(%arg0: i32) -> (i32, i32, i32) {
    %c0_i32 = arith.constant 0 : i32
    %c0_i32_0 = arith.constant 0 : i32
    %c0_i32_1 = arith.constant 0 : i32
    return %arg0, %c0_i32, %c0_i32_0 : i32, i32, i32
  }
  func.func @transform_2(%arg0: i32) -> (i32, i32, i32) {
    %c0_i32 = arith.constant 0 : i32
    %c0_i32_0 = arith.constant 0 : i32
    %c0_i32_1 = arith.constant 0 : i32
    return %c0_i32, %c0_i32_0, %arg0 : i32, i32, i32
  }
  func.func @transform_3(%arg0: i32) -> (i32, i32) {
    %c0_i32 = arith.constant 0 : i32
    %c0_i32_0 = arith.constant 0 : i32
    return %c0_i32, %arg0 : i32, i32
  }
}

</mosaic_0001>

<sc_bundles>
// kernel: kernel.4.cloned.1.call-start
scs
__scs_entry_jumppad:
0x0: {  	(pc) =	sbr.rel $0x88, $3  }
0x1: {  	(tag) =	ssettag $0x0;
	lr =	simm.s32 $0x1  }
0x2: {  	[smem:$0x3F9E] =	sst lr;
	_ =	strace $0xD0000000  }
0x3: {  	_ = 	snop  }
0x4: {  	_ = 	snop  }
0x5: {  	_ = 	snop  }
0x6: {  	_ = 	snop  }
0x7: {  	_ = 	snop  }
__scs_overlays_trampoline_lowered:
0x8: {  	[smem:$0x3FAD] =	sst s0  }
0x9: {  	[smem:$0x3FAE] =	sst s1  }
0xa: {  	[smem:$0x3FAF] =	sst s2  }
0xb: {  	[smem:$0x3FB0] =	sst s3  }
0xc: {  	[smem:$0x3FB1] =	sst s4  }
0xd: {  	[smem:$0x3FB2] =	sst s5  }
0xe: {  	[smem:$0x3FB3] =	sst s6  }
0xf: {  	[smem:$0x3FB4] =	sst s7  }
0x10: {  	[smem:$0x3FB5] =	sst s8  }
0x11: {  	[smem:$0x3FB6] =	sst s9;
	s0 =	simm.s32 @!p0 $0x0  }
0x12: {  	s1 =	sld [smem:$0x3F9C];
	s0 =	simm.s32 @p0 $0x1  }
0x13: {  	[smem:$0x3FB7] =	sst s0;
	s0 =	simm.s32 @!p1 $0x0  }
0x14: {  	s2 =	sld [smem:$0x3F9B];
	s0 =	simm.s32 @p1 $0x1  }
0x15: {  	[smem:$0x3FB8] =	sst s0;
	s0 =	simm.s32 @!p2 $0x0  }
0x16: {  	s3 =	sld [smem:$0x3FDB];
	s0 =	simm.s32 @p2 $0x1  }
0x17: {  	s4 =	simm.s32 $0x1BF5;
	[smem:$0x3FBA] =	sst s0  }
0x18: {  	s0 =	sld [smem:$0x3F9D];
	_ =	swait.ge [sflag:s4], $0x0  }
0x19: {  	s7 =	sld [smem:$0x3F9E]  }
0x1a: {  	s8 =	sadd.s32 $0xFFFFE003, lr  }
0x1b: {  	s9 =	sadd.s32 $0xFFFFFEF7, lr;
	s5 =	simm.s32 $0xFFFFFFFF;
	p2 =	slt.u32 s8, $0xFFFFF086  }
0x1c: {  	p1 =	slt.u32 s9, $0xF7A;
	s5 =	simm.s32 @!p2 $0x0  }
0x1d: {  	s5 =	simm.s32 @p1 $0x1;
	p0 =	seq.s32 s7, s2  }
0x1e: {  	s7 =	smul.u32 @!p0 $0xF7A, s2;
	p2 =	seq.s32 @!p0 s5, $0x0  }
0x1f: {  	s9 =	smul.u32 $0xF7A, s1;
	s8 =	simm.s32 @!p0 $0x1BF5;
	p2 =	por !p2, p0  }
0x20: {  	[sflag:s8] =	ssyncset.s32 @!p0 $0xFFFFF086;
	s6 =	sadd.s32 @!p0 s3, s7;
	s7 =	simm.s32 @!p0 $0x108  }
0x21: {  	s3 =	sadd.s32 s3, s9;
	s6 =	sadd.s32 @!p0 $0x88, s6;
	s7 =	simm.s32 @p2 $0x1082  }
0x22: {  	[simem:s7], [sflag:s8] =	dma.local @!p0 [hbm:s6], $0xF7A  }
0x23: {  	s9 =	sor.u32 $0xD0000000, s2;
	s6 =	simm.s32 $0x108;
	_ =	swait.ge @!p0 [sflag:s8], $0x0  }
0x24: {  	s3 =	sadd.s32 $0x88, s3;
	s6 =	simm.s32 @!p1 $0x1082;
	[sflag:s4] =	ssyncset.s32 $0xFFFFF086  }
0x25: {  	[simem:s6], [sflag:s4] =	dma.local [hbm:s3], $0xF7A  }
0x26: {  	[smem:$0x3F9E] =	sst s1;
	(tag) =	ssettag s2;
	_ =	strace s9  }
0x27: {  	s1 =	sld [smem:$0x3FAE]  }
0x28: {  	s2 =	sld [smem:$0x3FAF]  }
0x29: {  	s4 =	sld [smem:$0x3FB1]  }
0x2a: {  	p0 =	seq.s32 s5, $0x0;
	s5 =	sld [smem:$0x3FB2]  }
0x2b: {  	s6 =	sld [smem:$0x3FB3]  }
0x2c: {  	s7 =	sld [smem:$0x3FB4]  }
0x2d: {  	s3 =	simm.s32 $0x108;
	s8 =	sld [smem:$0x3FB5]  }
0x2e: {  	s3 =	simm.s32 @!p0 $0x1082;
	s9 =	sld [smem:$0x3FB6]  }
0x2f: {  	lr =	sadd.s32 s0, s3;
	s0 =	sld [smem:$0x3FAD]  }
0x30: {  	s3 =	sld [smem:$0x3FB0]  }
0x31: {  	[smem:$0x3FB9] =	sst s10  }
0x32: {  	s10 =	sld [smem:$0x3FB7];
	_ =	sdelay $0x3  }
0x33: {  	p0 =	seq.s32 s10, $0x1;
	s10 =	sld [smem:$0x3FB9];
	_ =	sdelay $0x3  }
0x34: {  	[smem:$0x3FB9] =	sst s10  }
0x35: {  	s10 =	sld [smem:$0x3FB8];
	_ =	sdelay $0x3  }
0x36: {  	p1 =	seq.s32 s10, $0x1;
	s10 =	sld [smem:$0x3FB9];
	_ =	sdelay $0x3  }
0x37: {  	[smem:$0x3FB9] =	sst s10  }
0x38: {  	s10 =	sld [smem:$0x3FBA]  }
0x39: {  	_ = 	snop;
	(pc) =	sbr.ind lr, $3  }
0x3a: {  	_ = 	snop  }
0x3b: {  	_ = 	snop  }
0x3c: {  	p2 =	seq.s32 s10, $0x1;
	s10 =	sld [smem:$0x3FB9]  }
0x3d: {  	_ =	shalt  }
0x3e: {  	_ =	shalt  }
0x3f: {  	_ =	shalt  }
0x40: {  	_ =	shalt  }
0x41: {  	_ =	shalt  }
0x42: {  	_ =	shalt  }
0x43: {  	_ =	shalt  }
0x44: {  	_ =	shalt  }
0x45: {  	_ =	shalt  }
0x46: {  	_ =	shalt  }
0x47: {  	_ =	shalt  }
0x48: {  	_ =	shalt  }
0x49: {  	_ =	shalt  }
0x4a: {  	_ =	shalt  }
0x4b: {  	_ =	shalt  }
0x4c: {  	_ =	shalt  }
0x4d: {  	_ =	shalt  }
0x4e: {  	_ =	shalt  }
0x4f: {  	_ =	shalt  }
0x50: {  	_ =	shalt  }
0x51: {  	_ =	shalt  }
0x52: {  	_ =	shalt  }
0x53: {  	_ =	shalt  }
0x54: {  	_ =	shalt  }
0x55: {  	_ =	shalt  }
0x56: {  	_ =	shalt  }
0x57: {  	_ =	shalt  }
0x58: {  	_ =	shalt  }
0x59: {  	_ =	shalt  }
0x5a: {  	_ =	shalt  }
0x5b: {  	_ =	shalt  }
0x5c: {  	_ =	shalt  }
0x5d: {  	_ =	shalt  }
0x5e: {  	_ =	shalt  }
0x5f: {  	_ =	shalt  }
0x60: {  	_ =	shalt  }
0x61: {  	_ =	shalt  }
0x62: {  	_ =	shalt  }
0x63: {  	_ =	shalt  }
0x64: {  	_ =	shalt  }
0x65: {  	_ =	shalt  }
0x66: {  	_ =	shalt  }
0x67: {  	_ =	shalt  }
0x68: {  	_ =	shalt  }
0x69: {  	_ =	shalt  }
0x6a: {  	_ =	shalt  }
0x6b: {  	_ =	shalt  }
0x6c: {  	_ =	shalt  }
0x6d: {  	_ =	shalt  }
0x6e: {  	_ =	shalt  }
0x6f: {  	_ =	shalt  }
0x70: {  	_ =	shalt  }
0x71: {  	_ =	shalt  }
0x72: {  	_ =	shalt  }
0x73: {  	_ =	shalt  }
0x74: {  	_ =	shalt  }
0x75: {  	_ =	shalt  }
0x76: {  	_ =	shalt  }
0x77: {  	_ =	shalt  }
0x78: {  	_ =	shalt  }
0x79: {  	_ =	shalt  }
0x7a: {  	_ =	shalt  }
0x7b: {  	_ =	shalt  }
0x7c: {  	_ =	shalt  }
0x7d: {  	_ =	shalt  }
0x7e: {  	_ =	shalt  }
0x7f: {  	_ =	shalt  }
0x80: {  	_ =	shalt  }
0x81: {  	_ =	shalt  }
0x82: {  	_ =	shalt  }
0x83: {  	_ =	shalt  }
0x84: {  	_ =	shalt  }
0x85: {  	_ =	shalt  }
0x86: {  	_ =	shalt  }
0x87: {  	_ =	shalt  }
.Lfunc_end0:
.L_simem_size_0:
called_computation_lowered:
.L_overlay_start_0:
0x88: {  	s2 =	sld [smem:$0x3FD9]  }
0x89: {  	s3 =	sld [smem:$0x3FFE];
	_ =	sdelay $0x1  }
0x8a: {  	s1 =	srdreg.scid  }
0x8b: {  	s0 =	sand.u32 $0x1, s1  }
0x8c: {  	s17 =	sshll.u32 s0, $0xA;
	s2 =	sadd.s32 s3, s2  }
0x8d: {  	s2 =	sadd.s32 s2, s17  }
0x8e: {  	[smem:$0x3FC5] =	sst s2  }
0x8f: {  	_ = 	snop  }
0x90: {  	s2 =	sld [smem:$0x3FD0];
	(tm) =	ssettm $0x1  }
0x91: {  	s18 =	sld [smem:$0x3FFB];
	_ =	sdelay $0x3  }
0x92: {  	_ =	strace s18  }
0x93: {  	s3 =	sld [smem:$0x3FFC];
	_ =	sdelay $0x3  }
0x94: {  	_ =	strace s3  }
0x95: {  	s3 =	sld [smem:$0x3FFD];
	_ =	sdelay $0x3  }
0x96: {  	_ =	strace s3  }
0x97: {  	_ =	strace $0x8FFFFFFF  }
0x98: {  	s19 =	sld [smem:$0x3FDB];
	_ =	sdelay $0x1  }
0x99: {  	s4 =	simm.s32 $_scs_section_size  }
0x9a: {  	s5 =	simm.s32 $_size__tile_overlayer_lowered;
	s6 =	simm.s32 $_tile_overlayer_lowered  }
0x9b: {  	s22 =	simm.s32 $0x1BFF;
	s21 =	sshll.u32 s6, $0x1;
	s3 =	sadd.s32 s4, s19  }
0x9c: {  	s7 =	simm.s32 $0x0;
	s20 =	sshll.u32 s5, $0x1;
	s5 =	sadd.s32 s21, s3  }
0x9d: {  	[timem:s7], [sflag:s22] =	dma.local [hbm:s5], s20  }
0x9e: {  	_ =	swait.ge [sflag:s22], s20  }
0x9f: {  	s4 =	ssub.s32 $0x0, s20;
	[sflag:s22] =	ssyncset.done $0x0  }
0xa0: {  	[sflag:s22] =	ssyncadd.s32 s4;
	_ =	sdelay $0x1  }
0xa1: {  	s23 =	simm.s32 $0x1B8B  }
0xa2: {  	_ =	swait.ge [sflag:s23], $0x1  }
0xa3: {  	[sflag:s23] =	ssyncset.done $0x0  }
0xa4: {  	s25 =	simm.s32 $0x1B8E;
	s24 =	sld [smem:$0x3FFE];
	[sflag:s23] =	ssyncadd.s32 $0xFFFFFFFF  }
0xa5: {  	s26 =	simm.s32 $execute0_lowered;
	[smem:$0x3FD2] =	sst s25  }
0xa6: {  	s5 =	sshll.u32 s26, $0x1;
	_ =	strace $0x80000046;
	[dreg:$0x1] =	wrdreg $0xFFFFFFFF  }
0xa7: {  	s28 =	simm.s32 $_size_execute0_lowered;
	s3 =	sadd.s32 s3, s5;
	[dreg:$0x0] =	wrdreg $0x0  }
0xa8: {  	s5 =	sshll.u32 s28, $0x1;
	[dreg:$0x2] =	wrdreg s3  }
0xa9: {  	[dreg:$0x3] =	wrdreg s5  }
0xaa: {  	[dreg:$0x4] =	wrdreg $0xC0  }
0xab: {  	_ =	task [dreg:s7], $0x5FFFF  }
0xac: {  	[dreg:$0x1] =	wrdreg $0xFFFFFFFF  }
0xad: {  	[dreg:$0x0] =	wrdreg $0x60  }
0xae: {  	[dreg:$0x2] =	wrdreg s24  }
0xaf: {  	[dreg:$0x3] =	wrdreg s2  }
0xb0: {  	[dreg:$0x4] =	wrdreg $0x9  }
0xb1: {  	_ =	task.clear_ibuf [dreg:s7], $0x5FFFF;
	_ =	strace $0x90000046  }
0xb2: {  	s29 =	simm.s32 $0x9;
	_ =	strace $0x80000048  }
0xb3: {  	_ =	swait.ge [sflag:s29], $0x1  }
0xb4: {  	[sflag:s29] =	ssyncadd.s32 $0xFFFFFFFF  }
0xb5: {  	_ =	strace $0x90000048  }
0xb6: {  	_ =	sfence  }
0xb7: {  	s30 =	sld [smem:$0x0];
	_ =	sdelay $0x2  }
0xb8: {  	s31 =	sshll.u32 s1, $0xD;
	s1 =	sshrl.u32 s1, $0x2  }
0xb9: {  	s3 =	sand.u32 $0x4000, s31;
	s1 =	sadd.s32 s1, s30  }
0xba: {  	s0 =	sor.u32 s3, s0;
	s1 =	sshll.u32 s1, $0x11  }
0xbb: {  	s0 =	sor.u32 s1, s0  }
0xbc: {  	s0 =	sadd.s32 $0x8F2B, s0  }
0xbd: {  	[sflag:s0] =	ssyncadd.remote.s32 $0x1  }
0xbe: {  	_ =	sfence.sel $0xFFFF  }
0xbf: {  	[dreg:$0x0] =	wrdreg $0xFFFFFFFF;
	(pc) =	sbr.abs _section_cstart, $3  }
0xc0: {  	[dreg:$0x1] =	wrdreg $0xFFFFFFFF  }
0xc1: {  	_ =	task.clear_ibuf [dreg:s7], $0x2FFFF;
	_ =	strace $0x9FFFFFFF  }
0xc2: {  	(tm) =	ssettm $0x7FFFFFFF  }
0xc3: {  	_ =	shalt  }
tec
execute0_lowered:
.L_overlay_start_1:
0x0: {  	(tag) =	ssettag $0x1  }
0x1: {  	v0 =	vlaneseq.u32  }
0x2: {  	v1 =	vmul.u32 $0x4, v0;
	_ =	sdelay $0x1  }
0x3: {  	v2 =	vor.u32 $0x1, v1  }
0x4: {  	v13 =	vor.u32 $0xC0, v1;
	v14 =	vor.u32 $0xC1, v1;
	v15 =	vor.u32 $0xC2, v1  }
0x5: {  	v16 =	vor.u32 $0xC3, v1;
	v17 =	vor.u32 $0x100, v1;
	v18 =	vor.u32 $0x101, v1  }
0x6: {  	v19 =	vor.u32 $0x102, v1;
	v20 =	vor.u32 $0x103, v1;
	v21 =	vor.u32 $0x140, v1  }
0x7: {  	v22 =	vor.u32 $0x141, v1;
	v23 =	vor.u32 $0x142, v1;
	v24 =	vor.u32 $0x143, v1  }
0x8: {  	v25 =	vor.u32 $0x180, v1;
	v26 =	vor.u32 $0x181, v1;
	v27 =	vor.u32 $0x182, v1  }
0x9: {  	v28 =	vor.u32 $0x183, v1;
	v29 =	vor.u32 $0x1C0, v1;
	v30 =	vor.u32 $0x1C1, v1  }
0xa: {  	v31 =	vor.u32 $0x1C2, v1;
	v32 =	vor.u32 $0x1C3, v1;
	v33 =	vor.u32 $0x200, v1  }
0xb: {  	v34 =	vor.u32 $0x201, v1;
	v35 =	vor.u32 $0x202, v1;
	v36 =	vor.u32 $0x203, v1  }
0xc: {  	v37 =	vor.u32 $0x240, v1;
	v38 =	vor.u32 $0x241, v1;
	v39 =	vor.u32 $0x242, v1  }
0xd: {  	v40 =	vor.u32 $0x243, v1;
	v41 =	vor.u32 $0x280, v1;
	[tilespmem:$0x1FF50] =	vst v2;
	v2 =	vor.u32 $0x2, v1  }
0xe: {  	v42 =	vor.u32 $0x281, v1;
	v43 =	vor.u32 $0x282, v1;
	[tilespmem:$0x1FF60] =	vst v2;
	v2 =	vor.u32 $0x3, v1  }
0xf: {  	s4 =	rddreg [dreg:$0x0];
	s1 =	srdreg.scid;
	v44 =	vor.u32 $0x283, v1;
	v45 =	vor.u32 $0x2C0, v1;
	[tilespmem:$0x1FF70] =	vst v2;
	v2 =	vor.u32 $0x40, v1  }
0x10: {  	s0 =	stileid.u32;
	s6 =	rddreg [dreg:$0x1];
	v46 =	vor.u32 $0x2C1, v1;
	v47 =	vor.u32 $0x2C2, v1;
	[tilespmem:$0x1FF80] =	vst v2;
	v2 =	vor.u32 $0x41, v1  }
0x11: {  	s2 =	simm.s32 $0x0;
	s10 =	simm.s32 $0xD000;
	s11 =	simm.s32 $0x6400;
	v48 =	vor.u32 $0x2C3, v1;
	v49 =	vor.u32 $0x300, v1;
	[tilespmem:$0x1FF90] =	vst v2;
	v2 =	vor.u32 $0x42, v1  }
0x12: {  	s12 =	simm.s32 $0xD200;
	s3 =	sand.u32 $0x1, s1;
	s5 =	sshll.u32 s0, $0x1;
	v50 =	vor.u32 $0x301, v1;
	v51 =	vor.u32 $0x302, v1;
	[tilespmem:$0x1FFA0] =	vst v2;
	v2 =	vor.u32 $0x43, v1  }
0x13: {  	s13 =	simm.s32 $0x0;
	s1 =	rddreg [dreg:$0x2];
	s5 =	sor.u32 s3, s5;
	v52 =	vor.u32 $0x303, v1;
	v53 =	vor.u32 $0x340, v1;
	[tilespmem:$0x1FFB0] =	vst v2;
	v2 =	vor.u32 $0x80, v1  }
0x14: {  	[smem:$0x7FF] =	sst s2;
	s8 =	ssub.s32 $0x2, s3;
	s7 =	smul.u32 $0xC80, s5;
	v54 =	vor.u32 $0x341, v1;
	v55 =	vor.u32 $0x342, v1;
	[tilespmem:$0x1FFC0] =	vst v2;
	v2 =	vor.u32 $0x81, v1  }
0x15: {  	s3 =	sadd.s32 $0x19E00, s4;
	s31 =	sshrl.u32 s8, $0x1;
	s9 =	sshll.u32 s5, $0x4;
	v56 =	vor.u32 $0x343, v1;
	v57 =	vor.u32 $0x380, v1;
	[tilespmem:$0x1FFD0] =	vst v2;
	v2 =	vor.u32 $0x82, v1  }
0x16: {  	v58 =	vor.u32 $0x381, v1;
	v59 =	vor.u32 $0x382, v1;
	s8 =	ssub.s32 s8, s31;
	s6 =	sadd.s32 s6, s9;
	s7 =	sadd.s32 s7, s4;
	[tilespmem:$0x1FFE0] =	vst v2;
	v2 =	vor.u32 $0x83, v1  }
0x17: {  	v60 =	vor.u32 $0x383, v1;
	v61 =	vor.u32 $0x3C0, v1;
	s9 =	simm.s32 $0xC800;
	s4 =	sadd.s32 $0xE00, s7;
	s5 =	sadd.s32 $0x1A000, s7;
	[tilespmem:$0x1FFF0] =	vst v2  }
0x18: {  	v62 =	vor.u32 $0x3C1, v1;
	v63 =	vor.u32 $0x3C2, v1;
	s7 =	smax.u32 s8, $0x1;
	s8 =	simm.s32 $0x1;
	v2 =	vor.u32 $0x3C3, v1;
	_ =	strace $0x80000047  }
.LBB2_1:
0x19: {  	[tilespmem:s2], [sflag:$0x1] =	stream.linear.gather [hbm4b:s4+s2], $0x6400, $0x38;
	[tilespmem:$0xD280] =	vst v63  }
0x1a: {  	_ =	swait.ge [sflag:s8], $0x6400  }
0x1b: {  	[sflag:s8] =	ssyncset.done $0x0  }
0x1c: {  	[sflag:s8] =	ssyncadd.s32 $0xFFFF9C00  }
0x1d: {  	[tilespmem:s9], [sflag:$0x1] =	stream.linear.gather [hbm4b:s3+s2], $0x800, $0x38;
	[tilespmem:$0xD280] =	vst v63  }
0x1e: {  	_ =	swait.ge [sflag:s8], $0x800  }
0x1f: {  	v4 =	vld [tilespmem:$0x1FF50];
	_ =	sdelay $0x1  }
0x20: {  	v5 =	vld [tilespmem:$0x1FF60];
	_ =	sdelay $0x1  }
0x21: {  	v6 =	vld [tilespmem:$0x1FF70]  }
0x22: {  	[sflag:s8] =	ssyncset.done $0x0  }
0x23: {  	[sflag:s8] =	ssyncadd.s32 $0xFFFFF800  }
0x24: {  	v3 =	vld.idx.msk [tilespmem:v1+s9+$0x0], $0xffff  }
0x25: {  	v4 =	vld.idx.msk [tilespmem:v4+s9+$0x0], $0xffff;
	_ =	sdelay $0x1  }
0x26: {  	v5 =	vld.idx.msk [tilespmem:v5+s9+$0x0], $0xffff;
	_ =	sdelay $0x1  }
0x27: {  	v6 =	vld.idx.msk [tilespmem:v6+s9+$0x0], $0xffff  }
0x28: {  	v3 =	vadd.f32 v4, v3;
	_ =	sdelay $0x1  }
0x29: {  	v3 =	vadd.f32 v5, v3;
	_ =	sdelay $0x1  }
0x2a: {  	v3 =	vadd.f32 v6, v3;
	_ =	sdelay $0x1  }
0x2b: {  	v4 =	vand.u32 $0x7FFFFFFF, v3  }
0x2c: {  	v4 =	vmul.f32 $-2.000000000e+00, v4;
	_ =	sdelay $0x1  }
0x2d: {  	v4 =	vmul.f32 $1.442695020e+00, v4;
	_ =	sdelay $0x1  }
0x2e: {  	(erf) = vpow2.f32 v4;
	_ =	sdelay $0x8  }
0x2f: {  	v4 =	vpop (erf)  }
0x30: {  	v5 =	vadd.f32 $1.000000000e+00, v4;
	_ =	sdelay $0x1  }
0x31: {  	(erf) = vrcp.f32 v5;
	_ =	sdelay $0x7  }
0x32: {  	v4 =	vsub.f32 $1.000000000e+00, v4  }
0x33: {  	v5 =	vpop (erf)  }
0x34: {  	v4 =	vmul.f32 v5, v4;
	_ =	sdelay $0x1  }
0x35: {  	v5 =	vsub.f32 $0.0e+00, v4  }
0x36: {  	vm0 =	vlt.f32 v3, $0.0e+00  }
0x37: {  	v3 =	vsel vm0, v5, v4  }
0x38: {  	v3 =	vmul.f32 $1.442695020e+00, v3;
	_ =	sdelay $0x1  }
0x39: {  	(erf) = vpow2.f32 v3;
	_ =	sdelay $0x8  }
0x3a: {  	v4 =	vld [tilespmem:$0x1FF90];
	v3 =	vpop (erf)  }
0x3b: {  	[tilespmem:$0xD000] =	vst v3;
	v3 =	vld [tilespmem:$0x1FF80];
	_ =	sdelay $0x1  }
0x3c: {  	v5 =	vld [tilespmem:$0x1FFA0];
	_ =	sdelay $0x1  }
0x3d: {  	v6 =	vld [tilespmem:$0x1FFB0];
	_ =	sdelay $0x2  }
0x3e: {  	v4 =	vld.idx.msk [tilespmem:v4+s9+$0x0], $0xffff  }
0x3f: {  	v3 =	vld.idx.msk [tilespmem:v3+s9+$0x0], $0xffff;
	_ =	sdelay $0x1  }
0x40: {  	v5 =	vld.idx.msk [tilespmem:v5+s9+$0x0], $0xffff;
	_ =	sdelay $0x1  }
0x41: {  	v6 =	vld.idx.msk [tilespmem:v6+s9+$0x0], $0xffff  }
0x42: {  	v3 =	vadd.f32 v4, v3;
	_ =	sdelay $0x1  }
0x43: {  	v3 =	vadd.f32 v5, v3;
	_ =	sdelay $0x1  }
0x44: {  	v3 =	vadd.f32 v6, v3;
	_ =	sdelay $0x1  }
0x45: {  	v4 =	vand.u32 $0x7FFFFFFF, v3  }
0x46: {  	v4 =	vmul.f32 $-2.000000000e+00, v4;
	_ =	sdelay $0x1  }
0x47: {  	v4 =	vmul.f32 $1.442695020e+00, v4;
	_ =	sdelay $0x1  }
0x48: {  	(erf) = vpow2.f32 v4;
	_ =	sdelay $0x8  }
0x49: {  	v4 =	vpop (erf)  }
0x4a: {  	v5 =	vadd.f32 $1.000000000e+00, v4;
	_ =	sdelay $0x1  }
0x4b: {  	(erf) = vrcp.f32 v5;
	_ =	sdelay $0x7  }
0x4c: {  	v4 =	vsub.f32 $1.000000000e+00, v4  }
0x4d: {  	v5 =	vpop (erf)  }
0x4e: {  	v4 =	vmul.f32 v5, v4;
	_ =	sdelay $0x1  }
0x4f: {  	v5 =	vsub.f32 $0.0e+00, v4  }
0x50: {  	vm9 =	vlt.f32 v3, $0.0e+00  }
0x51: {  	v3 =	vsel vm9, v5, v4  }
0x52: {  	v3 =	vmul.f32 $1.442695020e+00, v3;
	_ =	sdelay $0x1  }
0x53: {  	(erf) = vpow2.f32 v3;
	_ =	sdelay $0x8  }
0x54: {  	v4 =	vld [tilespmem:$0x1FFD0];
	v3 =	vpop (erf)  }
0x55: {  	[tilespmem:$0xD010] =	vst v3;
	v3 =	vld [tilespmem:$0x1FFC0];
	_ =	sdelay $0x1  }
0x56: {  	v5 =	vld [tilespmem:$0x1FFE0];
	_ =	sdelay $0x1  }
0x57: {  	v6 =	vld [tilespmem:$0x1FFF0];
	_ =	sdelay $0x2  }
0x58: {  	v4 =	vld.idx.msk [tilespmem:v4+s9+$0x0], $0xffff  }
0x59: {  	v3 =	vld.idx.msk [tilespmem:v3+s9+$0x0], $0xffff;
	_ =	sdelay $0x1  }
0x5a: {  	v5 =	vld.idx.msk [tilespmem:v5+s9+$0x0], $0xffff;
	_ =	sdelay $0x1  }
0x5b: {  	v6 =	vld.idx.msk [tilespmem:v6+s9+$0x0], $0xffff  }
0x5c: {  	v3 =	vadd.f32 v4, v3;
	_ =	sdelay $0x1  }
0x5d: {  	v3 =	vadd.f32 v5, v3;
	_ =	sdelay $0x1  }
0x5e: {  	v3 =	vadd.f32 v6, v3;
	_ =	sdelay $0x1  }
0x5f: {  	v4 =	vand.u32 $0x7FFFFFFF, v3  }
0x60: {  	v4 =	vmul.f32 $-2.000000000e+00, v4;
	_ =	sdelay $0x1  }
0x61: {  	v4 =	vmul.f32 $1.442695020e+00, v4;
	_ =	sdelay $0x1  }
0x62: {  	(erf) = vpow2.f32 v4;
	_ =	sdelay $0x8  }
0x63: {  	v4 =	vpop (erf)  }
0x64: {  	v5 =	vadd.f32 $1.000000000e+00, v4;
	_ =	sdelay $0x1  }
0x65: {  	(erf) = vrcp.f32 v5;
	_ =	sdelay $0x7  }
0x66: {  	v4 =	vsub.f32 $1.000000000e+00, v4  }
0x67: {  	v5 =	vpop (erf)  }
0x68: {  	v4 =	vmul.f32 v5, v4;
	_ =	sdelay $0x1  }
0x69: {  	v5 =	vsub.f32 $0.0e+00, v4  }
0x6a: {  	vm10 =	vlt.f32 v3, $0.0e+00  }
0x6b: {  	v3 =	vsel vm10, v5, v4  }
0x6c: {  	v3 =	vmul.f32 $1.442695020e+00, v3;
	_ =	sdelay $0x1  }
0x6d: {  	(erf) = vpow2.f32 v3;
	_ =	sdelay $0x8  }
0x6e: {  	v3 =	vpop (erf)  }
0x6f: {  	[tilespmem:$0xD020] =	vst v3  }
0x70: {  	v3 =	vld.idx.msk [tilespmem:v13+s9+$0x0], $0xffff  }
0x71: {  	v4 =	vld.idx.msk [tilespmem:v14+s9+$0x0], $0xffff;
	_ =	sdelay $0x1  }
0x72: {  	v5 =	vld.idx.msk [tilespmem:v15+s9+$0x0], $0xffff;
	_ =	sdelay $0x1  }
0x73: {  	v6 =	vld.idx.msk [tilespmem:v16+s9+$0x0], $0xffff  }
0x74: {  	v3 =	vadd.f32 v4, v3;
	_ =	sdelay $0x1  }
0x75: {  	v3 =	vadd.f32 v5, v3;
	_ =	sdelay $0x1  }
0x76: {  	v3 =	vadd.f32 v6, v3;
	_ =	sdelay $0x1  }
0x77: {  	v4 =	vand.u32 $0x7FFFFFFF, v3  }
0x78: {  	v4 =	vmul.f32 $-2.000000000e+00, v4;
	_ =	sdelay $0x1  }
0x79: {  	v4 =	vmul.f32 $1.442695020e+00, v4;
	_ =	sdelay $0x1  }
0x7a: {  	(erf) = vpow2.f32 v4;
	_ =	sdelay $0x8  }
0x7b: {  	v4 =	vpop (erf)  }
0x7c: {  	v5 =	vadd.f32 $1.000000000e+00, v4;
	_ =	sdelay $0x1  }
0x7d: {  	(erf) = vrcp.f32 v5;
	_ =	sdelay $0x7  }
0x7e: {  	v4 =	vsub.f32 $1.000000000e+00, v4  }
0x7f: {  	v5 =	vpop (erf)  }
0x80: {  	v4 =	vmul.f32 v5, v4;
	_ =	sdelay $0x1  }
0x81: {  	v5 =	vsub.f32 $0.0e+00, v4  }
0x82: {  	vm11 =	vlt.f32 v3, $0.0e+00  }
0x83: {  	v3 =	vsel vm11, v5, v4  }
0x84: {  	v3 =	vmul.f32 $1.442695020e+00, v3;
	_ =	sdelay $0x1  }
0x85: {  	(erf) = vpow2.f32 v3;
	_ =	sdelay $0x8  }
0x86: {  	v3 =	vpop (erf)  }
0x87: {  	[tilespmem:$0xD030] =	vst v3  }
0x88: {  	v3 =	vld.idx.msk [tilespmem:v17+s9+$0x0], $0xffff  }
0x89: {  	v4 =	vld.idx.msk [tilespmem:v18+s9+$0x0], $0xffff;
	_ =	sdelay $0x1  }
0x8a: {  	v5 =	vld.idx.msk [tilespmem:v19+s9+$0x0], $0xffff;
	_ =	sdelay $0x1  }
0x8b: {  	v6 =	vld.idx.msk [tilespmem:v20+s9+$0x0], $0xffff  }
0x8c: {  	v3 =	vadd.f32 v4, v3;
	_ =	sdelay $0x1  }
0x8d: {  	v3 =	vadd.f32 v5, v3;
	_ =	sdelay $0x1  }
0x8e: {  	v3 =	vadd.f32 v6, v3;
	_ =	sdelay $0x1  }
0x8f: {  	v4 =	vand.u32 $0x7FFFFFFF, v3  }
0x90: {  	v4 =	vmul.f32 $-2.000000000e+00, v4;
	_ =	sdelay $0x1  }
0x91: {  	v4 =	vmul.f32 $1.442695020e+00, v4;
	_ =	sdelay $0x1  }
0x92: {  	(erf) = vpow2.f32 v4;
	_ =	sdelay $0x8  }
0x93: {  	v4 =	vpop (erf)  }
0x94: {  	v5 =	vadd.f32 $1.000000000e+00, v4;
	_ =	sdelay $0x1  }
0x95: {  	(erf) = vrcp.f32 v5;
	_ =	sdelay $0x7  }
0x96: {  	v4 =	vsub.f32 $1.000000000e+00, v4  }
0x97: {  	v5 =	vpop (erf)  }
0x98: {  	v4 =	vmul.f32 v5, v4;
	_ =	sdelay $0x1  }
0x99: {  	v5 =	vsub.f32 $0.0e+00, v4  }
0x9a: {  	vm12 =	vlt.f32 v3, $0.0e+00  }
0x9b: {  	v3 =	vsel vm12, v5, v4  }
0x9c: {  	v3 =	vmul.f32 $1.442695020e+00, v3;
	_ =	sdelay $0x1  }
0x9d: {  	(erf) = vpow2.f32 v3;
	_ =	sdelay $0x8  }
0x9e: {  	v3 =	vpop (erf)  }
0x9f: {  	[tilespmem:$0xD040] =	vst v3  }
0xa0: {  	v3 =	vld.idx.msk [tilespmem:v21+s9+$0x0], $0xffff  }
0xa1: {  	v4 =	vld.idx.msk [tilespmem:v22+s9+$0x0], $0xffff;
	_ =	sdelay $0x1  }
0xa2: {  	v5 =	vld.idx.msk [tilespmem:v23+s9+$0x0], $0xffff;
	_ =	sdelay $0x1  }
0xa3: {  	v6 =	vld.idx.msk [tilespmem:v24+s9+$0x0], $0xffff  }
0xa4: {  	v3 =	vadd.f32 v4, v3;
	_ =	sdelay $0x1  }
0xa5: {  	v3 =	vadd.f32 v5, v3;
	_ =	sdelay $0x1  }
0xa6: {  	v3 =	vadd.f32 v6, v3;
	_ =	sdelay $0x1  }
0xa7: {  	v4 =	vand.u32 $0x7FFFFFFF, v3  }
0xa8: {  	v4 =	vmul.f32 $-2.000000000e+00, v4;
	_ =	sdelay $0x1  }
0xa9: {  	v4 =	vmul.f32 $1.442695020e+00, v4;
	_ =	sdelay $0x1  }
0xaa: {  	(erf) = vpow2.f32 v4;
	_ =	sdelay $0x8  }
0xab: {  	v4 =	vpop (erf)  }
0xac: {  	v5 =	vadd.f32 $1.000000000e+00, v4;
	_ =	sdelay $0x1  }
0xad: {  	(erf) = vrcp.f32 v5;
	_ =	sdelay $0x7  }
0xae: {  	v4 =	vsub.f32 $1.000000000e+00, v4  }
0xaf: {  	v5 =	vpop (erf)  }
0xb0: {  	v4 =	vmul.f32 v5, v4;
	_ =	sdelay $0x1  }
0xb1: {  	v5 =	vsub.f32 $0.0e+00, v4  }
0xb2: {  	vm13 =	vlt.f32 v3, $0.0e+00  }
0xb3: {  	v3 =	vsel vm13, v5, v4  }
0xb4: {  	v3 =	vmul.f32 $1.442695020e+00, v3;
	_ =	sdelay $0x1  }
0xb5: {  	(erf) = vpow2.f32 v3;
	_ =	sdelay $0x8  }
0xb6: {  	v3 =	vpop (erf)  }
0xb7: {  	[tilespmem:$0xD050] =	vst v3  }
0xb8: {  	v3 =	vld.idx.msk [tilespmem:v25+s9+$0x0], $0xffff  }
0xb9: {  	v4 =	vld.idx.msk [tilespmem:v26+s9+$0x0], $0xffff;
	_ =	sdelay $0x1  }
0xba: {  	v5 =	vld.idx.msk [tilespmem:v27+s9+$0x0], $0xffff;
	_ =	sdelay $0x1  }
0xbb: {  	v6 =	vld.idx.msk [tilespmem:v28+s9+$0x0], $0xffff  }
0xbc: {  	v3 =	vadd.f32 v4, v3;
	_ =	sdelay $0x1  }
0xbd: {  	v3 =	vadd.f32 v5, v3;
	_ =	sdelay $0x1  }
0xbe: {  	v3 =	vadd.f32 v6, v3;
	_ =	sdelay $0x1  }
0xbf: {  	v4 =	vand.u32 $0x7FFFFFFF, v3  }
0xc0: {  	v4 =	vmul.f32 $-2.000000000e+00, v4;
	_ =	sdelay $0x1  }
0xc1: {  	v4 =	vmul.f32 $1.442695020e+00, v4;
	_ =	sdelay $0x1  }
0xc2: {  	(erf) = vpow2.f32 v4;
	_ =	sdelay $0x8  }
0xc3: {  	v4 =	vpop (erf)  }
0xc4: {  	v5 =	vadd.f32 $1.000000000e+00, v4;
	_ =	sdelay $0x1  }
0xc5: {  	(erf) = vrcp.f32 v5;
	_ =	sdelay $0x7  }
0xc6: {  	v4 =	vsub.f32 $1.000000000e+00, v4  }
0xc7: {  	v5 =	vpop (erf)  }
0xc8: {  	v4 =	vmul.f32 v5, v4;
	_ =	sdelay $0x1  }
0xc9: {  	v5 =	vsub.f32 $0.0e+00, v4  }
0xca: {  	vm14 =	vlt.f32 v3, $0.0e+00  }
0xcb: {  	v3 =	vsel vm14, v5, v4  }
0xcc: {  	v3 =	vmul.f32 $1.442695020e+00, v3;
	_ =	sdelay $0x1  }
0xcd: {  	(erf) = vpow2.f32 v3;
	_ =	sdelay $0x8  }
0xce: {  	v3 =	vpop (erf)  }
0xcf: {  	[tilespmem:$0xD060] =	vst v3  }
0xd0: {  	v3 =	vld.idx.msk [tilespmem:v29+s9+$0x0], $0xffff  }
0xd1: {  	v4 =	vld.idx.msk [tilespmem:v30+s9+$0x0], $0xffff;
	_ =	sdelay $0x1  }
0xd2: {  	v5 =	vld.idx.msk [tilespmem:v31+s9+$0x0], $0xffff;
	_ =	sdelay $0x1  }
0xd3: {  	v6 =	vld.idx.msk [tilespmem:v32+s9+$0x0], $0xffff  }
0xd4: {  	v3 =	vadd.f32 v4, v3;
	_ =	sdelay $0x1  }
0xd5: {  	v3 =	vadd.f32 v5, v3;
	_ =	sdelay $0x1  }
0xd6: {  	v3 =	vadd.f32 v6, v3;
	_ =	sdelay $0x1  }
0xd7: {  	v4 =	vand.u32 $0x7FFFFFFF, v3  }
0xd8: {  	v4 =	vmul.f32 $-2.000000000e+00, v4;
	_ =	sdelay $0x1  }
0xd9: {  	v4 =	vmul.f32 $1.442695020e+00, v4;
	_ =	sdelay $0x1  }
0xda: {  	(erf) = vpow2.f32 v4;
	_ =	sdelay $0x8  }
0xdb: {  	v4 =	vpop (erf)  }
0xdc: {  	v5 =	vadd.f32 $1.000000000e+00, v4;
	_ =	sdelay $0x1  }
0xdd: {  	(erf) = vrcp.f32 v5;
	_ =	sdelay $0x7  }
0xde: {  	v4 =	vsub.f32 $1.000000000e+00, v4  }
0xdf: {  	v5 =	vpop (erf)  }
0xe0: {  	v4 =	vmul.f32 v5, v4;
	_ =	sdelay $0x1  }
0xe1: {  	v5 =	vsub.f32 $0.0e+00, v4  }
0xe2: {  	vm15 =	vlt.f32 v3, $0.0e+00  }
0xe3: {  	v3 =	vsel vm15, v5, v4  }
0xe4: {  	v3 =	vmul.f32 $1.442695020e+00, v3;
	_ =	sdelay $0x1  }
0xe5: {  	(erf) = vpow2.f32 v3;
	_ =	sdelay $0x8  }
0xe6: {  	v3 =	vpop (erf)  }
0xe7: {  	[tilespmem:$0xD070] =	vst v3  }
0xe8: {  	v3 =	vld.idx.msk [tilespmem:v33+s9+$0x0], $0xffff  }
0xe9: {  	v4 =	vld.idx.msk [tilespmem:v34+s9+$0x0], $0xffff;
	_ =	sdelay $0x1  }
0xea: {  	v5 =	vld.idx.msk [tilespmem:v35+s9+$0x0], $0xffff;
	_ =	sdelay $0x1  }
0xeb: {  	v6 =	vld.idx.msk [tilespmem:v36+s9+$0x0], $0xffff  }
0xec: {  	v3 =	vadd.f32 v4, v3;
	_ =	sdelay $0x1  }
0xed: {  	v3 =	vadd.f32 v5, v3;
	_ =	sdelay $0x1  }
0xee: {  	v3 =	vadd.f32 v6, v3;
	_ =	sdelay $0x1  }
0xef: {  	v4 =	vand.u32 $0x7FFFFFFF, v3  }
0xf0: {  	v4 =	vmul.f32 $-2.000000000e+00, v4;
	_ =	sdelay $0x1  }
0xf1: {  	v4 =	vmul.f32 $1.442695020e+00, v4;
	_ =	sdelay $0x1  }
0xf2: {  	(erf) = vpow2.f32 v4;
	_ =	sdelay $0x8  }
0xf3: {  	v4 =	vpop (erf)  }
0xf4: {  	v5 =	vadd.f32 $1.000000000e+00, v4;
	_ =	sdelay $0x1  }
0xf5: {  	(erf) = vrcp.f32 v5;
	_ =	sdelay $0x7  }
0xf6: {  	v4 =	vsub.f32 $1.000000000e+00, v4  }
0xf7: {  	v5 =	vpop (erf)  }
0xf8: {  	v4 =	vmul.f32 v5, v4;
	_ =	sdelay $0x1  }
0xf9: {  	v5 =	vsub.f32 $0.0e+00, v4  }
0xfa: {  	vm4 =	vlt.f32 v3, $0.0e+00  }
0xfb: {  	v3 =	vsel vm4, v5, v4  }
0xfc: {  	v3 =	vmul.f32 $1.442695020e+00, v3;
	_ =	sdelay $0x1  }
0xfd: {  	(erf) = vpow2.f32 v3;
	_ =	sdelay $0x8  }
0xfe: {  	v3 =	vpop (erf)  }
0xff: {  	[tilespmem:$0xD080] =	vst v3  }
0x100: {  	v3 =	vld.idx.msk [tilespmem:v37+s9+$0x0], $0xffff  }
0x101: {  	v4 =	vld.idx.msk [tilespmem:v38+s9+$0x0], $0xffff;
	_ =	sdelay $0x1  }
0x102: {  	v5 =	vld.idx.msk [tilespmem:v39+s9+$0x0], $0xffff;
	_ =	sdelay $0x1  }
0x103: {  	v6 =	vld.idx.msk [tilespmem:v40+s9+$0x0], $0xffff  }
0x104: {  	v3 =	vadd.f32 v4, v3;
	_ =	sdelay $0x1  }
0x105: {  	v3 =	vadd.f32 v5, v3;
	_ =	sdelay $0x1  }
0x106: {  	v3 =	vadd.f32 v6, v3;
	_ =	sdelay $0x1  }
0x107: {  	v4 =	vand.u32 $0x7FFFFFFF, v3  }
0x108: {  	v4 =	vmul.f32 $-2.000000000e+00, v4;
	_ =	sdelay $0x1  }
0x109: {  	v4 =	vmul.f32 $1.442695020e+00, v4;
	_ =	sdelay $0x1  }
0x10a: {  	(erf) = vpow2.f32 v4;
	_ =	sdelay $0x8  }
0x10b: {  	v4 =	vpop (erf)  }
0x10c: {  	v5 =	vadd.f32 $1.000000000e+00, v4;
	_ =	sdelay $0x1  }
0x10d: {  	(erf) = vrcp.f32 v5;
	_ =	sdelay $0x7  }
0x10e: {  	v4 =	vsub.f32 $1.000000000e+00, v4  }
0x10f: {  	v5 =	vpop (erf)  }
0x110: {  	v4 =	vmul.f32 v5, v4;
	_ =	sdelay $0x1  }
0x111: {  	v5 =	vsub.f32 $0.0e+00, v4  }
0x112: {  	vm5 =	vlt.f32 v3, $0.0e+00  }
0x113: {  	v3 =	vsel vm5, v5, v4  }
0x114: {  	v3 =	vmul.f32 $1.442695020e+00, v3;
	_ =	sdelay $0x1  }
0x115: {  	(erf) = vpow2.f32 v3;
	_ =	sdelay $0x8  }
0x116: {  	v3 =	vpop (erf)  }
0x117: {  	[tilespmem:$0xD090] =	vst v3  }
0x118: {  	v3 =	vld.idx.msk [tilespmem:v41+s9+$0x0], $0xffff  }
0x119: {  	v4 =	vld.idx.msk [tilespmem:v42+s9+$0x0], $0xffff;
	_ =	sdelay $0x1  }
0x11a: {  	v5 =	vld.idx.msk [tilespmem:v43+s9+$0x0], $0xffff;
	_ =	sdelay $0x1  }
0x11b: {  	v6 =	vld.idx.msk [tilespmem:v44+s9+$0x0], $0xffff  }
0x11c: {  	v3 =	vadd.f32 v4, v3;
	_ =	sdelay $0x1  }
0x11d: {  	v3 =	vadd.f32 v5, v3;
	_ =	sdelay $0x1  }
0x11e: {  	v3 =	vadd.f32 v6, v3;
	_ =	sdelay $0x1  }
0x11f: {  	v4 =	vand.u32 $0x7FFFFFFF, v3  }
0x120: {  	v4 =	vmul.f32 $-2.000000000e+00, v4;
	_ =	sdelay $0x1  }
0x121: {  	v4 =	vmul.f32 $1.442695020e+00, v4;
	_ =	sdelay $0x1  }
0x122: {  	(erf) = vpow2.f32 v4;
	_ =	sdelay $0x8  }
0x123: {  	v4 =	vpop (erf)  }
0x124: {  	v5 =	vadd.f32 $1.000000000e+00, v4;
	_ =	sdelay $0x1  }
0x125: {  	(erf) = vrcp.f32 v5;
	_ =	sdelay $0x7  }
0x126: {  	v4 =	vsub.f32 $1.000000000e+00, v4  }
0x127: {  	v5 =	vpop (erf)  }
0x128: {  	v4 =	vmul.f32 v5, v4;
	_ =	sdelay $0x1  }
0x129: {  	v5 =	vsub.f32 $0.0e+00, v4  }
0x12a: {  	vm6 =	vlt.f32 v3, $0.0e+00  }
0x12b: {  	v3 =	vsel vm6, v5, v4  }
0x12c: {  	v3 =	vmul.f32 $1.442695020e+00, v3;
	_ =	sdelay $0x1  }
0x12d: {  	(erf) = vpow2.f32 v3;
	_ =	sdelay $0x8  }
0x12e: {  	v3 =	vpop (erf)  }
0x12f: {  	[tilespmem:$0xD0A0] =	vst v3  }
0x130: {  	v3 =	vld.idx.msk [tilespmem:v45+s9+$0x0], $0xffff  }
0x131: {  	v4 =	vld.idx.msk [tilespmem:v46+s9+$0x0], $0xffff;
	_ =	sdelay $0x1  }
0x132: {  	v5 =	vld.idx.msk [tilespmem:v47+s9+$0x0], $0xffff;
	_ =	sdelay $0x1  }
0x133: {  	v6 =	vld.idx.msk [tilespmem:v48+s9+$0x0], $0xffff  }
0x134: {  	v3 =	vadd.f32 v4, v3;
	_ =	sdelay $0x1  }
0x135: {  	v3 =	vadd.f32 v5, v3;
	_ =	sdelay $0x1  }
0x136: {  	v3 =	vadd.f32 v6, v3;
	_ =	sdelay $0x1  }
0x137: {  	v4 =	vand.u32 $0x7FFFFFFF, v3  }
0x138: {  	v4 =	vmul.f32 $-2.000000000e+00, v4;
	_ =	sdelay $0x1  }
0x139: {  	v4 =	vmul.f32 $1.442695020e+00, v4;
	_ =	sdelay $0x1  }
0x13a: {  	(erf) = vpow2.f32 v4;
	_ =	sdelay $0x8  }
0x13b: {  	v4 =	vpop (erf)  }
0x13c: {  	v5 =	vadd.f32 $1.000000000e+00, v4;
	_ =	sdelay $0x1  }
0x13d: {  	(erf) = vrcp.f32 v5;
	_ =	sdelay $0x7  }
0x13e: {  	v4 =	vsub.f32 $1.000000000e+00, v4  }
0x13f: {  	v5 =	vpop (erf)  }
0x140: {  	v4 =	vmul.f32 v5, v4;
	_ =	sdelay $0x1  }
0x141: {  	v5 =	vsub.f32 $0.0e+00, v4  }
0x142: {  	vm7 =	vlt.f32 v3, $0.0e+00  }
0x143: {  	v3 =	vsel vm7, v5, v4  }
0x144: {  	v3 =	vmul.f32 $1.442695020e+00, v3;
	_ =	sdelay $0x1  }
0x145: {  	(erf) = vpow2.f32 v3;
	_ =	sdelay $0x8  }
0x146: {  	v3 =	vpop (erf)  }
0x147: {  	[tilespmem:$0xD0B0] =	vst v3  }
0x148: {  	v3 =	vld.idx.msk [tilespmem:v49+s9+$0x0], $0xffff  }
0x149: {  	v4 =	vld.idx.msk [tilespmem:v50+s9+$0x0], $0xffff;
	_ =	sdelay $0x1  }
0x14a: {  	v5 =	vld.idx.msk [tilespmem:v51+s9+$0x0], $0xffff;
	_ =	sdelay $0x1  }
0x14b: {  	v6 =	vld.idx.msk [tilespmem:v52+s9+$0x0], $0xffff  }
0x14c: {  	v3 =	vadd.f32 v4, v3;
	_ =	sdelay $0x1  }
0x14d: {  	v3 =	vadd.f32 v5, v3;
	_ =	sdelay $0x1  }
0x14e: {  	v3 =	vadd.f32 v6, v3;
	_ =	sdelay $0x1  }
0x14f: {  	v4 =	vand.u32 $0x7FFFFFFF, v3  }
0x150: {  	v4 =	vmul.f32 $-2.000000000e+00, v4;
	_ =	sdelay $0x1  }
0x151: {  	v4 =	vmul.f32 $1.442695020e+00, v4;
	_ =	sdelay $0x1  }
0x152: {  	(erf) = vpow2.f32 v4;
	_ =	sdelay $0x8  }
0x153: {  	v4 =	vpop (erf)  }
0x154: {  	v5 =	vadd.f32 $1.000000000e+00, v4;
	_ =	sdelay $0x1  }
0x155: {  	(erf) = vrcp.f32 v5;
	_ =	sdelay $0x7  }
0x156: {  	v4 =	vsub.f32 $1.000000000e+00, v4  }
0x157: {  	v5 =	vpop (erf)  }
0x158: {  	v4 =	vmul.f32 v5, v4;
	_ =	sdelay $0x1  }
0x159: {  	v5 =	vsub.f32 $0.0e+00, v4  }
0x15a: {  	vm8 =	vlt.f32 v3, $0.0e+00  }
0x15b: {  	v3 =	vsel vm8, v5, v4  }
0x15c: {  	v3 =	vmul.f32 $1.442695020e+00, v3;
	_ =	sdelay $0x1  }
0x15d: {  	(erf) = vpow2.f32 v3;
	_ =	sdelay $0x8  }
0x15e: {  	v3 =	vpop (erf)  }
0x15f: {  	[tilespmem:$0xD0C0] =	vst v3  }
0x160: {  	v3 =	vld.idx.msk [tilespmem:v53+s9+$0x0], $0xffff  }
0x161: {  	v4 =	vld.idx.msk [tilespmem:v54+s9+$0x0], $0xffff;
	_ =	sdelay $0x1  }
0x162: {  	v5 =	vld.idx.msk [tilespmem:v55+s9+$0x0], $0xffff;
	_ =	sdelay $0x1  }
0x163: {  	v6 =	vld.idx.msk [tilespmem:v56+s9+$0x0], $0xffff  }
0x164: {  	v3 =	vadd.f32 v4, v3;
	_ =	sdelay $0x1  }
0x165: {  	v3 =	vadd.f32 v5, v3;
	_ =	sdelay $0x1  }
0x166: {  	v3 =	vadd.f32 v6, v3;
	_ =	sdelay $0x1  }
0x167: {  	v4 =	vand.u32 $0x7FFFFFFF, v3  }
0x168: {  	v4 =	vmul.f32 $-2.000000000e+00, v4;
	_ =	sdelay $0x1  }
0x169: {  	v4 =	vmul.f32 $1.442695020e+00, v4;
	_ =	sdelay $0x1  }
0x16a: {  	(erf) = vpow2.f32 v4;
	_ =	sdelay $0x8  }
0x16b: {  	v4 =	vpop (erf)  }
0x16c: {  	v5 =	vadd.f32 $1.000000000e+00, v4;
	_ =	sdelay $0x1  }
0x16d: {  	(erf) = vrcp.f32 v5;
	_ =	sdelay $0x7  }
0x16e: {  	v4 =	vsub.f32 $1.000000000e+00, v4  }
0x16f: {  	v5 =	vpop (erf)  }
0x170: {  	v4 =	vmul.f32 v5, v4;
	_ =	sdelay $0x1  }
0x171: {  	v5 =	vsub.f32 $0.0e+00, v4  }
0x172: {  	vm9 =	vlt.f32 v3, $0.0e+00  }
0x173: {  	v3 =	vsel vm9, v5, v4  }
0x174: {  	v3 =	vmul.f32 $1.442695020e+00, v3;
	_ =	sdelay $0x1  }
0x175: {  	(erf) = vpow2.f32 v3;
	_ =	sdelay $0x8  }
0x176: {  	v3 =	vpop (erf)  }
0x177: {  	[tilespmem:$0xD0D0] =	vst v3  }
0x178: {  	v3 =	vld.idx.msk [tilespmem:v57+s9+$0x0], $0xffff  }
0x179: {  	v4 =	vld.idx.msk [tilespmem:v58+s9+$0x0], $0xffff;
	_ =	sdelay $0x1  }
0x17a: {  	v5 =	vld.idx.msk [tilespmem:v59+s9+$0x0], $0xffff;
	_ =	sdelay $0x1  }
0x17b: {  	v6 =	vld.idx.msk [tilespmem:v60+s9+$0x0], $0xffff  }
0x17c: {  	v3 =	vadd.f32 v4, v3;
	_ =	sdelay $0x1  }
0x17d: {  	v3 =	vadd.f32 v5, v3;
	_ =	sdelay $0x1  }
0x17e: {  	v3 =	vadd.f32 v6, v3;
	_ =	sdelay $0x1  }
0x17f: {  	v4 =	vand.u32 $0x7FFFFFFF, v3  }
0x180: {  	v4 =	vmul.f32 $-2.000000000e+00, v4;
	_ =	sdelay $0x1  }
0x181: {  	v4 =	vmul.f32 $1.442695020e+00, v4;
	_ =	sdelay $0x1  }
0x182: {  	(erf) = vpow2.f32 v4;
	_ =	sdelay $0x8  }
0x183: {  	v4 =	vpop (erf)  }
0x184: {  	v5 =	vadd.f32 $1.000000000e+00, v4;
	_ =	sdelay $0x1  }
0x185: {  	(erf) = vrcp.f32 v5;
	_ =	sdelay $0x7  }
0x186: {  	v4 =	vsub.f32 $1.000000000e+00, v4  }
0x187: {  	v5 =	vpop (erf)  }
0x188: {  	v4 =	vmul.f32 v5, v4;
	_ =	sdelay $0x1  }
0x189: {  	v5 =	vsub.f32 $0.0e+00, v4  }
0x18a: {  	vm10 =	vlt.f32 v3, $0.0e+00  }
0x18b: {  	v3 =	vsel vm10, v5, v4  }
0x18c: {  	v3 =	vmul.f32 $1.442695020e+00, v3;
	_ =	sdelay $0x1  }
0x18d: {  	(erf) = vpow2.f32 v3;
	_ =	sdelay $0x8  }
0x18e: {  	v3 =	vpop (erf)  }
0x18f: {  	[tilespmem:$0xD0E0] =	vst v3  }
0x190: {  	v3 =	vld.idx.msk [tilespmem:v61+s9+$0x0], $0xffff  }
0x191: {  	v4 =	vld.idx.msk [tilespmem:v62+s9+$0x0], $0xffff;
	_ =	sdelay $0x1  }
0x192: {  	v5 =	vld.idx.msk [tilespmem:v63+s9+$0x0], $0xffff;
	_ =	sdelay $0x1  }
0x193: {  	v6 =	vld.idx.msk [tilespmem:v2+s9+$0x0], $0xffff  }
0x194: {  	v3 =	vadd.f32 v4, v3;
	_ =	sdelay $0x1  }
0x195: {  	v3 =	vadd.f32 v5, v3;
	_ =	sdelay $0x1  }
0x196: {  	v3 =	vadd.f32 v6, v3;
	_ =	sdelay $0x1  }
0x197: {  	v4 =	vand.u32 $0x7FFFFFFF, v3  }
0x198: {  	v4 =	vmul.f32 $-2.000000000e+00, v4;
	_ =	sdelay $0x1  }
0x199: {  	v4 =	vmul.f32 $1.442695020e+00, v4;
	_ =	sdelay $0x1  }
0x19a: {  	(erf) = vpow2.f32 v4;
	_ =	sdelay $0x8  }
0x19b: {  	v4 =	vpop (erf)  }
0x19c: {  	v5 =	vadd.f32 $1.000000000e+00, v4;
	_ =	sdelay $0x1  }
0x19d: {  	(erf) = vrcp.f32 v5;
	_ =	sdelay $0x7  }
0x19e: {  	v4 =	vsub.f32 $1.000000000e+00, v4  }
0x19f: {  	v5 =	vpop (erf)  }
0x1a0: {  	v4 =	vmul.f32 v5, v4;
	_ =	sdelay $0x1  }
0x1a1: {  	v5 =	vsub.f32 $0.0e+00, v4  }
0x1a2: {  	vm11 =	vlt.f32 v3, $0.0e+00  }
0x1a3: {  	v3 =	vsel vm11, v5, v4  }
0x1a4: {  	v3 =	vmul.f32 $1.442695020e+00, v3;
	_ =	sdelay $0x1  }
0x1a5: {  	(erf) = vpow2.f32 v3;
	_ =	sdelay $0x5  }
0x1a6: {  	v3 =	vor.u32 $0x400, v1  }
0x1a7: {  	v4 =	vor.u32 $0x401, v1;
	_ =	sdelay $0x1  }
0x1a8: {  	v6 =	vor.u32 $0x402, v1;
	v5 =	vpop (erf)  }
0x1a9: {  	[tilespmem:$0xD0F0] =	vst v5  }
0x1aa: {  	v5 =	vor.u32 $0x403, v1;
	v3 =	vld.idx.msk [tilespmem:v3+s9+$0x0], $0xffff  }
0x1ab: {  	v4 =	vld.idx.msk [tilespmem:v4+s9+$0x0], $0xffff;
	_ =	sdelay $0x1  }
0x1ac: {  	v6 =	vld.idx.msk [tilespmem:v6+s9+$0x0], $0xffff;
	_ =	sdelay $0x1  }
0x1ad: {  	v5 =	vld.idx.msk [tilespmem:v5+s9+$0x0], $0xffff  }
0x1ae: {  	v3 =	vadd.f32 v4, v3;
	_ =	sdelay $0x1  }
0x1af: {  	v3 =	vadd.f32 v6, v3;
	_ =	sdelay $0x1  }
0x1b0: {  	v3 =	vadd.f32 v5, v3;
	_ =	sdelay $0x1  }
0x1b1: {  	v4 =	vand.u32 $0x7FFFFFFF, v3  }
0x1b2: {  	v4 =	vmul.f32 $-2.000000000e+00, v4;
	_ =	sdelay $0x1  }
0x1b3: {  	v4 =	vmul.f32 $1.442695020e+00, v4;
	_ =	sdelay $0x1  }
0x1b4: {  	(erf) = vpow2.f32 v4;
	_ =	sdelay $0x8  }
0x1b5: {  	v4 =	vpop (erf)  }
0x1b6: {  	v5 =	vadd.f32 $1.000000000e+00, v4;
	_ =	sdelay $0x1  }
0x1b7: {  	(erf) = vrcp.f32 v5;
	_ =	sdelay $0x7  }
0x1b8: {  	v4 =	vsub.f32 $1.000000000e+00, v4  }
0x1b9: {  	v5 =	vpop (erf)  }
0x1ba: {  	v4 =	vmul.f32 v5, v4;
	_ =	sdelay $0x1  }
0x1bb: {  	v5 =	vsub.f32 $0.0e+00, v4  }
0x1bc: {  	vm12 =	vlt.f32 v3, $0.0e+00  }
0x1bd: {  	v3 =	vsel vm12, v5, v4  }
0x1be: {  	v3 =	vmul.f32 $1.442695020e+00, v3;
	_ =	sdelay $0x1  }
0x1bf: {  	(erf) = vpow2.f32 v3;
	_ =	sdelay $0x5  }
0x1c0: {  	v3 =	vor.u32 $0x440, v1  }
0x1c1: {  	v4 =	vor.u32 $0x441, v1;
	_ =	sdelay $0x1  }
0x1c2: {  	v6 =	vor.u32 $0x442, v1;
	v5 =	vpop (erf)  }
0x1c3: {  	[tilespmem:$0xD100] =	vst v5  }
0x1c4: {  	v5 =	vor.u32 $0x443, v1;
	v3 =	vld.idx.msk [tilespmem:v3+s9+$0x0], $0xffff  }
0x1c5: {  	v4 =	vld.idx.msk [tilespmem:v4+s9+$0x0], $0xffff;
	_ =	sdelay $0x1  }
0x1c6: {  	v6 =	vld.idx.msk [tilespmem:v6+s9+$0x0], $0xffff;
	_ =	sdelay $0x1  }
0x1c7: {  	v5 =	vld.idx.msk [tilespmem:v5+s9+$0x0], $0xffff  }
0x1c8: {  	v3 =	vadd.f32 v4, v3;
	_ =	sdelay $0x1  }
0x1c9: {  	v3 =	vadd.f32 v6, v3;
	_ =	sdelay $0x1  }
0x1ca: {  	v3 =	vadd.f32 v5, v3;
	_ =	sdelay $0x1  }
0x1cb: {  	v4 =	vand.u32 $0x7FFFFFFF, v3  }
0x1cc: {  	v4 =	vmul.f32 $-2.000000000e+00, v4;
	_ =	sdelay $0x1  }
0x1cd: {  	v4 =	vmul.f32 $1.442695020e+00, v4;
	_ =	sdelay $0x1  }
0x1ce: {  	(erf) = vpow2.f32 v4;
	_ =	sdelay $0x8  }
0x1cf: {  	v4 =	vpop (erf)  }
0x1d0: {  	v5 =	vadd.f32 $1.000000000e+00, v4;
	_ =	sdelay $0x1  }
0x1d1: {  	(erf) = vrcp.f32 v5;
	_ =	sdelay $0x7  }
0x1d2: {  	v4 =	vsub.f32 $1.000000000e+00, v4  }
0x1d3: {  	v5 =	vpop (erf)  }
0x1d4: {  	v4 =	vmul.f32 v5, v4;
	_ =	sdelay $0x1  }
0x1d5: {  	v5 =	vsub.f32 $0.0e+00, v4  }
0x1d6: {  	vm13 =	vlt.f32 v3, $0.0e+00  }
0x1d7: {  	v3 =	vsel vm13, v5, v4  }
0x1d8: {  	v3 =	vmul.f32 $1.442695020e+00, v3;
	_ =	sdelay $0x1  }
0x1d9: {  	(erf) = vpow2.f32 v3;
	_ =	sdelay $0x5  }
0x1da: {  	v3 =	vor.u32 $0x480, v1  }
0x1db: {  	v4 =	vor.u32 $0x481, v1;
	_ =	sdelay $0x1  }
0x1dc: {  	v6 =	vor.u32 $0x482, v1;
	v5 =	vpop (erf)  }
0x1dd: {  	[tilespmem:$0xD110] =	vst v5  }
0x1de: {  	v5 =	vor.u32 $0x483, v1;
	v3 =	vld.idx.msk [tilespmem:v3+s9+$0x0], $0xffff  }
0x1df: {  	v4 =	vld.idx.msk [tilespmem:v4+s9+$0x0], $0xffff;
	_ =	sdelay $0x1  }
0x1e0: {  	v6 =	vld.idx.msk [tilespmem:v6+s9+$0x0], $0xffff;
	_ =	sdelay $0x1  }
0x1e1: {  	v5 =	vld.idx.msk [tilespmem:v5+s9+$0x0], $0xffff  }
0x1e2: {  	v3 =	vadd.f32 v4, v3;
	_ =	sdelay $0x1  }
0x1e3: {  	v3 =	vadd.f32 v6, v3;
	_ =	sdelay $0x1  }
0x1e4: {  	v3 =	vadd.f32 v5, v3;
	_ =	sdelay $0x1  }
0x1e5: {  	v4 =	vand.u32 $0x7FFFFFFF, v3  }
0x1e6: {  	v4 =	vmul.f32 $-2.000000000e+00, v4;
	_ =	sdelay $0x1  }
0x1e7: {  	v4 =	vmul.f32 $1.442695020e+00, v4;
	_ =	sdelay $0x1  }
0x1e8: {  	(erf) = vpow2.f32 v4;
	_ =	sdelay $0x8  }
0x1e9: {  	v4 =	vpop (erf)  }
0x1ea: {  	v5 =	vadd.f32 $1.000000000e+00, v4;
	_ =	sdelay $0x1  }
0x1eb: {  	(erf) = vrcp.f32 v5;
	_ =	sdelay $0x7  }
0x1ec: {  	v4 =	vsub.f32 $1.000000000e+00, v4  }
0x1ed: {  	v5 =	vpop (erf)  }
0x1ee: {  	v4 =	vmul.f32 v5, v4;
	_ =	sdelay $0x1  }
0x1ef: {  	v5 =	vsub.f32 $0.0e+00, v4  }
0x1f0: {  	vm14 =	vlt.f32 v3, $0.0e+00  }
0x1f1: {  	v3 =	vsel vm14, v5, v4  }
0x1f2: {  	v3 =	vmul.f32 $1.442695020e+00, v3;
	_ =	sdelay $0x1  }
0x1f3: {  	(erf) = vpow2.f32 v3;
	_ =	sdelay $0x5  }
0x1f4: {  	v3 =	vor.u32 $0x4C0, v1  }
0x1f5: {  	v4 =	vor.u32 $0x4C1, v1;
	_ =	sdelay $0x1  }
0x1f6: {  	v6 =	vor.u32 $0x4C2, v1;
	v5 =	vpop (erf)  }
0x1f7: {  	[tilespmem:$0xD120] =	vst v5  }
0x1f8: {  	v5 =	vor.u32 $0x4C3, v1;
	v3 =	vld.idx.msk [tilespmem:v3+s9+$0x0], $0xffff  }
0x1f9: {  	v4 =	vld.idx.msk [tilespmem:v4+s9+$0x0], $0xffff;
	_ =	sdelay $0x1  }
0x1fa: {  	v6 =	vld.idx.msk [tilespmem:v6+s9+$0x0], $0xffff;
	_ =	sdelay $0x1  }
0x1fb: {  	v5 =	vld.idx.msk [tilespmem:v5+s9+$0x0], $0xffff  }
0x1fc: {  	v3 =	vadd.f32 v4, v3;
	_ =	sdelay $0x1  }
0x1fd: {  	v3 =	vadd.f32 v6, v3;
	_ =	sdelay $0x1  }
0x1fe: {  	v3 =	vadd.f32 v5, v3;
	_ =	sdelay $0x1  }
0x1ff: {  	v4 =	vand.u32 $0x7FFFFFFF, v3  }
0x200: {  	v4 =	vmul.f32 $-2.000000000e+00, v4;
	_ =	sdelay $0x1  }
0x201: {  	v4 =	vmul.f32 $1.442695020e+00, v4;
	_ =	sdelay $0x1  }
0x202: {  	(erf) = vpow2.f32 v4;
	_ =	sdelay $0x8  }
0x203: {  	v4 =	vpop (erf)  }
0x204: {  	v5 =	vadd.f32 $1.000000000e+00, v4;
	_ =	sdelay $0x1  }
0x205: {  	(erf) = vrcp.f32 v5;
	_ =	sdelay $0x7  }
0x206: {  	v4 =	vsub.f32 $1.000000000e+00, v4  }
0x207: {  	v5 =	vpop (erf)  }
0x208: {  	v4 =	vmul.f32 v5, v4;
	_ =	sdelay $0x1  }
0x209: {  	v5 =	vsub.f32 $0.0e+00, v4  }
0x20a: {  	vm15 =	vlt.f32 v3, $0.0e+00  }
0x20b: {  	v3 =	vsel vm15, v5, v4  }
0x20c: {  	v3 =	vmul.f32 $1.442695020e+00, v3;
	_ =	sdelay $0x1  }
0x20d: {  	(erf) = vpow2.f32 v3;
	_ =	sdelay $0x5  }
0x20e: {  	v3 =	vor.u32 $0x500, v1  }
0x20f: {  	v4 =	vor.u32 $0x501, v1;
	_ =	sdelay $0x1  }
0x210: {  	v6 =	vor.u32 $0x502, v1;
	v5 =	vpop (erf)  }
0x211: {  	[tilespmem:$0xD130] =	vst v5  }
0x212: {  	v5 =	vor.u32 $0x503, v1;
	v3 =	vld.idx.msk [tilespmem:v3+s9+$0x0], $0xffff  }
0x213: {  	v4 =	vld.idx.msk [tilespmem:v4+s9+$0x0], $0xffff;
	_ =	sdelay $0x1  }
0x214: {  	v6 =	vld.idx.msk [tilespmem:v6+s9+$0x0], $0xffff;
	_ =	sdelay $0x1  }
0x215: {  	v5 =	vld.idx.msk [tilespmem:v5+s9+$0x0], $0xffff  }
0x216: {  	v3 =	vadd.f32 v4, v3;
	_ =	sdelay $0x1  }
0x217: {  	v3 =	vadd.f32 v6, v3;
	_ =	sdelay $0x1  }
0x218: {  	v3 =	vadd.f32 v5, v3;
	_ =	sdelay $0x1  }
0x219: {  	v4 =	vand.u32 $0x7FFFFFFF, v3  }
0x21a: {  	v4 =	vmul.f32 $-2.000000000e+00, v4;
	_ =	sdelay $0x1  }
0x21b: {  	v4 =	vmul.f32 $1.442695020e+00, v4;
	_ =	sdelay $0x1  }
0x21c: {  	(erf) = vpow2.f32 v4;
	_ =	sdelay $0x8  }
0x21d: {  	v4 =	vpop (erf)  }
0x21e: {  	v5 =	vadd.f32 $1.000000000e+00, v4;
	_ =	sdelay $0x1  }
0x21f: {  	(erf) = vrcp.f32 v5;
	_ =	sdelay $0x7  }
0x220: {  	v4 =	vsub.f32 $1.000000000e+00, v4  }
0x221: {  	v5 =	vpop (erf)  }
0x222: {  	v4 =	vmul.f32 v5, v4;
	_ =	sdelay $0x1  }
0x223: {  	v5 =	vsub.f32 $0.0e+00, v4  }
0x224: {  	vm4 =	vlt.f32 v3, $0.0e+00  }
0x225: {  	v3 =	vsel vm4, v5, v4  }
0x226: {  	v3 =	vmul.f32 $1.442695020e+00, v3;
	_ =	sdelay $0x1  }
0x227: {  	(erf) = vpow2.f32 v3;
	_ =	sdelay $0x5  }
0x228: {  	v3 =	vor.u32 $0x540, v1  }
0x229: {  	v4 =	vor.u32 $0x541, v1;
	_ =	sdelay $0x1  }
0x22a: {  	v6 =	vor.u32 $0x542, v1;
	v5 =	vpop (erf)  }
0x22b: {  	[tilespmem:$0xD140] =	vst v5  }
0x22c: {  	v5 =	vor.u32 $0x543, v1;
	v3 =	vld.idx.msk [tilespmem:v3+s9+$0x0], $0xffff  }
0x22d: {  	v4 =	vld.idx.msk [tilespmem:v4+s9+$0x0], $0xffff;
	_ =	sdelay $0x1  }
0x22e: {  	v6 =	vld.idx.msk [tilespmem:v6+s9+$0x0], $0xffff;
	_ =	sdelay $0x1  }
0x22f: {  	v5 =	vld.idx.msk [tilespmem:v5+s9+$0x0], $0xffff  }
0x230: {  	v3 =	vadd.f32 v4, v3;
	_ =	sdelay $0x1  }
0x231: {  	v3 =	vadd.f32 v6, v3;
	_ =	sdelay $0x1  }
0x232: {  	v3 =	vadd.f32 v5, v3;
	_ =	sdelay $0x1  }
0x233: {  	v4 =	vand.u32 $0x7FFFFFFF, v3  }
0x234: {  	v4 =	vmul.f32 $-2.000000000e+00, v4;
	_ =	sdelay $0x1  }
0x235: {  	v4 =	vmul.f32 $1.442695020e+00, v4;
	_ =	sdelay $0x1  }
0x236: {  	(erf) = vpow2.f32 v4;
	_ =	sdelay $0x8  }
0x237: {  	v4 =	vpop (erf)  }
0x238: {  	v5 =	vadd.f32 $1.000000000e+00, v4;
	_ =	sdelay $0x1  }
0x239: {  	(erf) = vrcp.f32 v5;
	_ =	sdelay $0x7  }
0x23a: {  	v4 =	vsub.f32 $1.000000000e+00, v4  }
0x23b: {  	v5 =	vpop (erf)  }
0x23c: {  	v4 =	vmul.f32 v5, v4;
	_ =	sdelay $0x1  }
0x23d: {  	v5 =	vsub.f32 $0.0e+00, v4  }
0x23e: {  	vm5 =	vlt.f32 v3, $0.0e+00  }
0x23f: {  	v3 =	vsel vm5, v5, v4  }
0x240: {  	v3 =	vmul.f32 $1.442695020e+00, v3;
	_ =	sdelay $0x1  }
0x241: {  	(erf) = vpow2.f32 v3;
	_ =	sdelay $0x5  }
0x242: {  	v3 =	vor.u32 $0x580, v1  }
0x243: {  	v4 =	vor.u32 $0x581, v1;
	_ =	sdelay $0x1  }
0x244: {  	v6 =	vor.u32 $0x582, v1;
	v5 =	vpop (erf)  }
0x245: {  	[tilespmem:$0xD150] =	vst v5  }
0x246: {  	v5 =	vor.u32 $0x583, v1;
	v3 =	vld.idx.msk [tilespmem:v3+s9+$0x0], $0xffff  }
0x247: {  	v4 =	vld.idx.msk [tilespmem:v4+s9+$0x0], $0xffff;
	_ =	sdelay $0x1  }
0x248: {  	v6 =	vld.idx.msk [tilespmem:v6+s9+$0x0], $0xffff;
	_ =	sdelay $0x1  }
0x249: {  	v5 =	vld.idx.msk [tilespmem:v5+s9+$0x0], $0xffff  }
0x24a: {  	v3 =	vadd.f32 v4, v3;
	_ =	sdelay $0x1  }
0x24b: {  	v3 =	vadd.f32 v6, v3;
	_ =	sdelay $0x1  }
0x24c: {  	v3 =	vadd.f32 v5, v3;
	_ =	sdelay $0x1  }
0x24d: {  	v4 =	vand.u32 $0x7FFFFFFF, v3  }
0x24e: {  	v4 =	vmul.f32 $-2.000000000e+00, v4;
	_ =	sdelay $0x1  }
0x24f: {  	v4 =	vmul.f32 $1.442695020e+00, v4;
	_ =	sdelay $0x1  }
0x250: {  	(erf) = vpow2.f32 v4;
	_ =	sdelay $0x8  }
0x251: {  	v4 =	vpop (erf)  }
0x252: {  	v5 =	vadd.f32 $1.000000000e+00, v4;
	_ =	sdelay $0x1  }
0x253: {  	(erf) = vrcp.f32 v5;
	_ =	sdelay $0x7  }
0x254: {  	v4 =	vsub.f32 $1.000000000e+00, v4  }
0x255: {  	v5 =	vpop (erf)  }
0x256: {  	v4 =	vmul.f32 v5, v4;
	_ =	sdelay $0x1  }
0x257: {  	v5 =	vsub.f32 $0.0e+00, v4  }
0x258: {  	vm6 =	vlt.f32 v3, $0.0e+00  }
0x259: {  	v3 =	vsel vm6, v5, v4  }
0x25a: {  	v3 =	vmul.f32 $1.442695020e+00, v3;
	_ =	sdelay $0x1  }
0x25b: {  	(erf) = vpow2.f32 v3;
	_ =	sdelay $0x5  }
0x25c: {  	v3 =	vor.u32 $0x5C0, v1  }
0x25d: {  	v4 =	vor.u32 $0x5C1, v1;
	_ =	sdelay $0x1  }
0x25e: {  	v6 =	vor.u32 $0x5C2, v1;
	v5 =	vpop (erf)  }
0x25f: {  	[tilespmem:$0xD160] =	vst v5  }
0x260: {  	v5 =	vor.u32 $0x5C3, v1;
	v3 =	vld.idx.msk [tilespmem:v3+s9+$0x0], $0xffff  }
0x261: {  	v4 =	vld.idx.msk [tilespmem:v4+s9+$0x0], $0xffff;
	_ =	sdelay $0x1  }
0x262: {  	v6 =	vld.idx.msk [tilespmem:v6+s9+$0x0], $0xffff;
	_ =	sdelay $0x1  }
0x263: {  	v5 =	vld.idx.msk [tilespmem:v5+s9+$0x0], $0xffff  }
0x264: {  	v3 =	vadd.f32 v4, v3;
	_ =	sdelay $0x1  }
0x265: {  	v3 =	vadd.f32 v6, v3;
	_ =	sdelay $0x1  }
0x266: {  	v3 =	vadd.f32 v5, v3;
	_ =	sdelay $0x1  }
0x267: {  	v4 =	vand.u32 $0x7FFFFFFF, v3  }
0x268: {  	v4 =	vmul.f32 $-2.000000000e+00, v4;
	_ =	sdelay $0x1  }
0x269: {  	v4 =	vmul.f32 $1.442695020e+00, v4;
	_ =	sdelay $0x1  }
0x26a: {  	(erf) = vpow2.f32 v4;
	_ =	sdelay $0x8  }
0x26b: {  	v4 =	vpop (erf)  }
0x26c: {  	v5 =	vadd.f32 $1.000000000e+00, v4;
	_ =	sdelay $0x1  }
0x26d: {  	(erf) = vrcp.f32 v5;
	_ =	sdelay $0x7  }
0x26e: {  	v4 =	vsub.f32 $1.000000000e+00, v4  }
0x26f: {  	v5 =	vpop (erf)  }
0x270: {  	v4 =	vmul.f32 v5, v4;
	_ =	sdelay $0x1  }
0x271: {  	v5 =	vsub.f32 $0.0e+00, v4  }
0x272: {  	vm7 =	vlt.f32 v3, $0.0e+00  }
0x273: {  	v3 =	vsel vm7, v5, v4  }
0x274: {  	v3 =	vmul.f32 $1.442695020e+00, v3;
	_ =	sdelay $0x1  }
0x275: {  	(erf) = vpow2.f32 v3;
	_ =	sdelay $0x5  }
0x276: {  	v3 =	vor.u32 $0x600, v1  }
0x277: {  	v4 =	vor.u32 $0x601, v1;
	_ =	sdelay $0x1  }
0x278: {  	v6 =	vor.u32 $0x602, v1;
	v5 =	vpop (erf)  }
0x279: {  	[tilespmem:$0xD170] =	vst v5  }
0x27a: {  	v5 =	vor.u32 $0x603, v1;
	v3 =	vld.idx.msk [tilespmem:v3+s9+$0x0], $0xffff  }
0x27b: {  	v4 =	vld.idx.msk [tilespmem:v4+s9+$0x0], $0xffff;
	_ =	sdelay $0x1  }
0x27c: {  	v6 =	vld.idx.msk [tilespmem:v6+s9+$0x0], $0xffff;
	_ =	sdelay $0x1  }
0x27d: {  	v5 =	vld.idx.msk [tilespmem:v5+s9+$0x0], $0xffff  }
0x27e: {  	v3 =	vadd.f32 v4, v3;
	_ =	sdelay $0x1  }
0x27f: {  	v3 =	vadd.f32 v6, v3;
	_ =	sdelay $0x1  }
0x280: {  	v3 =	vadd.f32 v5, v3;
	_ =	sdelay $0x1  }
0x281: {  	v4 =	vand.u32 $0x7FFFFFFF, v3  }
0x282: {  	v4 =	vmul.f32 $-2.000000000e+00, v4;
	_ =	sdelay $0x1  }
0x283: {  	v4 =	vmul.f32 $1.442695020e+00, v4;
	_ =	sdelay $0x1  }
0x284: {  	(erf) = vpow2.f32 v4;
	_ =	sdelay $0x8  }
0x285: {  	v4 =	vpop (erf)  }
0x286: {  	v5 =	vadd.f32 $1.000000000e+00, v4;
	_ =	sdelay $0x1  }
0x287: {  	(erf) = vrcp.f32 v5;
	_ =	sdelay $0x7  }
0x288: {  	v4 =	vsub.f32 $1.000000000e+00, v4  }
0x289: {  	v5 =	vpop (erf)  }
0x28a: {  	v4 =	vmul.f32 v5, v4;
	_ =	sdelay $0x1  }
0x28b: {  	v5 =	vsub.f32 $0.0e+00, v4  }
0x28c: {  	vm8 =	vlt.f32 v3, $0.0e+00  }
0x28d: {  	v3 =	vsel vm8, v5, v4  }
0x28e: {  	v3 =	vmul.f32 $1.442695020e+00, v3;
	_ =	sdelay $0x1  }
0x28f: {  	(erf) = vpow2.f32 v3;
	_ =	sdelay $0x5  }
0x290: {  	v3 =	vor.u32 $0x640, v1  }
0x291: {  	v4 =	vor.u32 $0x641, v1;
	_ =	sdelay $0x1  }
0x292: {  	v6 =	vor.u32 $0x642, v1;
	v5 =	vpop (erf)  }
0x293: {  	[tilespmem:$0xD180] =	vst v5  }
0x294: {  	v5 =	vor.u32 $0x643, v1;
	v3 =	vld.idx.msk [tilespmem:v3+s9+$0x0], $0xffff  }
0x295: {  	v4 =	vld.idx.msk [tilespmem:v4+s9+$0x0], $0xffff;
	_ =	sdelay $0x1  }
0x296: {  	v6 =	vld.idx.msk [tilespmem:v6+s9+$0x0], $0xffff;
	_ =	sdelay $0x1  }
0x297: {  	v5 =	vld.idx.msk [tilespmem:v5+s9+$0x0], $0xffff  }
0x298: {  	v3 =	vadd.f32 v4, v3;
	_ =	sdelay $0x1  }
0x299: {  	v3 =	vadd.f32 v6, v3;
	_ =	sdelay $0x1  }
0x29a: {  	v3 =	vadd.f32 v5, v3;
	_ =	sdelay $0x1  }
0x29b: {  	v4 =	vand.u32 $0x7FFFFFFF, v3  }
0x29c: {  	v4 =	vmul.f32 $-2.000000000e+00, v4;
	_ =	sdelay $0x1  }
0x29d: {  	v4 =	vmul.f32 $1.442695020e+00, v4;
	_ =	sdelay $0x1  }
0x29e: {  	(erf) = vpow2.f32 v4;
	_ =	sdelay $0x8  }
0x29f: {  	v4 =	vpop (erf)  }
0x2a0: {  	v5 =	vadd.f32 $1.000000000e+00, v4;
	_ =	sdelay $0x1  }
0x2a1: {  	(erf) = vrcp.f32 v5;
	_ =	sdelay $0x7  }
0x2a2: {  	v4 =	vsub.f32 $1.000000000e+00, v4  }
0x2a3: {  	v5 =	vpop (erf)  }
0x2a4: {  	v4 =	vmul.f32 v5, v4;
	_ =	sdelay $0x1  }
0x2a5: {  	v5 =	vsub.f32 $0.0e+00, v4  }
0x2a6: {  	vm9 =	vlt.f32 v3, $0.0e+00  }
0x2a7: {  	v3 =	vsel vm9, v5, v4  }
0x2a8: {  	v3 =	vmul.f32 $1.442695020e+00, v3;
	_ =	sdelay $0x1  }
0x2a9: {  	(erf) = vpow2.f32 v3;
	_ =	sdelay $0x5  }
0x2aa: {  	v3 =	vor.u32 $0x680, v1  }
0x2ab: {  	v4 =	vor.u32 $0x681, v1;
	_ =	sdelay $0x1  }
0x2ac: {  	v6 =	vor.u32 $0x682, v1;
	v5 =	vpop (erf)  }
0x2ad: {  	[tilespmem:$0xD190] =	vst v5  }
0x2ae: {  	v5 =	vor.u32 $0x683, v1;
	v3 =	vld.idx.msk [tilespmem:v3+s9+$0x0], $0xffff  }
0x2af: {  	v4 =	vld.idx.msk [tilespmem:v4+s9+$0x0], $0xffff;
	_ =	sdelay $0x1  }
0x2b0: {  	v6 =	vld.idx.msk [tilespmem:v6+s9+$0x0], $0xffff;
	_ =	sdelay $0x1  }
0x2b1: {  	v5 =	vld.idx.msk [tilespmem:v5+s9+$0x0], $0xffff  }
0x2b2: {  	v3 =	vadd.f32 v4, v3;
	_ =	sdelay $0x1  }
0x2b3: {  	v3 =	vadd.f32 v6, v3;
	_ =	sdelay $0x1  }
0x2b4: {  	v3 =	vadd.f32 v5, v3;
	_ =	sdelay $0x1  }
0x2b5: {  	v4 =	vand.u32 $0x7FFFFFFF, v3  }
0x2b6: {  	v4 =	vmul.f32 $-2.000000000e+00, v4;
	_ =	sdelay $0x1  }
0x2b7: {  	v4 =	vmul.f32 $1.442695020e+00, v4;
	_ =	sdelay $0x1  }
0x2b8: {  	(erf) = vpow2.f32 v4;
	_ =	sdelay $0x8  }
0x2b9: {  	v4 =	vpop (erf)  }
0x2ba: {  	v5 =	vadd.f32 $1.000000000e+00, v4;
	_ =	sdelay $0x1  }
0x2bb: {  	(erf) = vrcp.f32 v5;
	_ =	sdelay $0x7  }
0x2bc: {  	v4 =	vsub.f32 $1.000000000e+00, v4  }
0x2bd: {  	v5 =	vpop (erf)  }
0x2be: {  	v4 =	vmul.f32 v5, v4;
	_ =	sdelay $0x1  }
0x2bf: {  	v5 =	vsub.f32 $0.0e+00, v4  }
0x2c0: {  	vm10 =	vlt.f32 v3, $0.0e+00  }
0x2c1: {  	v3 =	vsel vm10, v5, v4  }
0x2c2: {  	v3 =	vmul.f32 $1.442695020e+00, v3;
	_ =	sdelay $0x1  }
0x2c3: {  	(erf) = vpow2.f32 v3;
	_ =	sdelay $0x5  }
0x2c4: {  	v3 =	vor.u32 $0x6C0, v1  }
0x2c5: {  	v4 =	vor.u32 $0x6C1, v1;
	_ =	sdelay $0x1  }
0x2c6: {  	v6 =	vor.u32 $0x6C2, v1;
	v5 =	vpop (erf)  }
0x2c7: {  	[tilespmem:$0xD1A0] =	vst v5  }
0x2c8: {  	v5 =	vor.u32 $0x6C3, v1;
	v3 =	vld.idx.msk [tilespmem:v3+s9+$0x0], $0xffff  }
0x2c9: {  	v4 =	vld.idx.msk [tilespmem:v4+s9+$0x0], $0xffff;
	_ =	sdelay $0x1  }
0x2ca: {  	v6 =	vld.idx.msk [tilespmem:v6+s9+$0x0], $0xffff;
	_ =	sdelay $0x1  }
0x2cb: {  	v5 =	vld.idx.msk [tilespmem:v5+s9+$0x0], $0xffff  }
0x2cc: {  	v3 =	vadd.f32 v4, v3;
	_ =	sdelay $0x1  }
0x2cd: {  	v3 =	vadd.f32 v6, v3;
	_ =	sdelay $0x1  }
0x2ce: {  	v3 =	vadd.f32 v5, v3;
	_ =	sdelay $0x1  }
0x2cf: {  	v4 =	vand.u32 $0x7FFFFFFF, v3  }
0x2d0: {  	v4 =	vmul.f32 $-2.000000000e+00, v4;
	_ =	sdelay $0x1  }
0x2d1: {  	v4 =	vmul.f32 $1.442695020e+00, v4;
	_ =	sdelay $0x1  }
0x2d2: {  	(erf) = vpow2.f32 v4;
	_ =	sdelay $0x8  }
0x2d3: {  	v4 =	vpop (erf)  }
0x2d4: {  	v5 =	vadd.f32 $1.000000000e+00, v4;
	_ =	sdelay $0x1  }
0x2d5: {  	(erf) = vrcp.f32 v5;
	_ =	sdelay $0x7  }
0x2d6: {  	v4 =	vsub.f32 $1.000000000e+00, v4  }
0x2d7: {  	v5 =	vpop (erf)  }
0x2d8: {  	v4 =	vmul.f32 v5, v4;
	_ =	sdelay $0x1  }
0x2d9: {  	v5 =	vsub.f32 $0.0e+00, v4  }
0x2da: {  	vm11 =	vlt.f32 v3, $0.0e+00  }
0x2db: {  	v3 =	vsel vm11, v5, v4  }
0x2dc: {  	v3 =	vmul.f32 $1.442695020e+00, v3;
	_ =	sdelay $0x1  }
0x2dd: {  	(erf) = vpow2.f32 v3;
	_ =	sdelay $0x5  }
0x2de: {  	v3 =	vor.u32 $0x700, v1  }
0x2df: {  	v4 =	vor.u32 $0x701, v1;
	_ =	sdelay $0x1  }
0x2e0: {  	v6 =	vor.u32 $0x702, v1;
	v5 =	vpop (erf)  }
0x2e1: {  	[tilespmem:$0xD1B0] =	vst v5  }
0x2e2: {  	v5 =	vor.u32 $0x703, v1;
	v3 =	vld.idx.msk [tilespmem:v3+s9+$0x0], $0xffff  }
0x2e3: {  	v4 =	vld.idx.msk [tilespmem:v4+s9+$0x0], $0xffff;
	_ =	sdelay $0x1  }
0x2e4: {  	v6 =	vld.idx.msk [tilespmem:v6+s9+$0x0], $0xffff;
	_ =	sdelay $0x1  }
0x2e5: {  	v5 =	vld.idx.msk [tilespmem:v5+s9+$0x0], $0xffff  }
0x2e6: {  	v3 =	vadd.f32 v4, v3;
	_ =	sdelay $0x1  }
0x2e7: {  	v3 =	vadd.f32 v6, v3;
	_ =	sdelay $0x1  }
0x2e8: {  	v3 =	vadd.f32 v5, v3;
	_ =	sdelay $0x1  }
0x2e9: {  	v4 =	vand.u32 $0x7FFFFFFF, v3  }
0x2ea: {  	v4 =	vmul.f32 $-2.000000000e+00, v4;
	_ =	sdelay $0x1  }
0x2eb: {  	v4 =	vmul.f32 $1.442695020e+00, v4;
	_ =	sdelay $0x1  }
0x2ec: {  	(erf) = vpow2.f32 v4;
	_ =	sdelay $0x8  }
0x2ed: {  	v4 =	vpop (erf)  }
0x2ee: {  	v5 =	vadd.f32 $1.000000000e+00, v4;
	_ =	sdelay $0x1  }
0x2ef: {  	(erf) = vrcp.f32 v5;
	_ =	sdelay $0x7  }
0x2f0: {  	v4 =	vsub.f32 $1.000000000e+00, v4  }
0x2f1: {  	v5 =	vpop (erf)  }
0x2f2: {  	v4 =	vmul.f32 v5, v4;
	_ =	sdelay $0x1  }
0x2f3: {  	v5 =	vsub.f32 $0.0e+00, v4  }
0x2f4: {  	vm12 =	vlt.f32 v3, $0.0e+00  }
0x2f5: {  	v3 =	vsel vm12, v5, v4  }
0x2f6: {  	v3 =	vmul.f32 $1.442695020e+00, v3;
	_ =	sdelay $0x1  }
0x2f7: {  	(erf) = vpow2.f32 v3;
	_ =	sdelay $0x5  }
0x2f8: {  	v3 =	vor.u32 $0x740, v1  }
0x2f9: {  	v4 =	vor.u32 $0x741, v1;
	_ =	sdelay $0x1  }
0x2fa: {  	v6 =	vor.u32 $0x742, v1;
	v5 =	vpop (erf)  }
0x2fb: {  	[tilespmem:$0xD1C0] =	vst v5  }
0x2fc: {  	v5 =	vor.u32 $0x743, v1;
	v3 =	vld.idx.msk [tilespmem:v3+s9+$0x0], $0xffff  }
0x2fd: {  	v4 =	vld.idx.msk [tilespmem:v4+s9+$0x0], $0xffff;
	_ =	sdelay $0x1  }
0x2fe: {  	v6 =	vld.idx.msk [tilespmem:v6+s9+$0x0], $0xffff;
	_ =	sdelay $0x1  }
0x2ff: {  	v5 =	vld.idx.msk [tilespmem:v5+s9+$0x0], $0xffff  }
0x300: {  	v3 =	vadd.f32 v4, v3;
	_ =	sdelay $0x1  }
0x301: {  	v3 =	vadd.f32 v6, v3;
	_ =	sdelay $0x1  }
0x302: {  	v3 =	vadd.f32 v5, v3;
	_ =	sdelay $0x1  }
0x303: {  	v4 =	vand.u32 $0x7FFFFFFF, v3  }
0x304: {  	v4 =	vmul.f32 $-2.000000000e+00, v4;
	_ =	sdelay $0x1  }
0x305: {  	v4 =	vmul.f32 $1.442695020e+00, v4;
	_ =	sdelay $0x1  }
0x306: {  	(erf) = vpow2.f32 v4;
	_ =	sdelay $0x8  }
0x307: {  	v4 =	vpop (erf)  }
0x308: {  	v5 =	vadd.f32 $1.000000000e+00, v4;
	_ =	sdelay $0x1  }
0x309: {  	(erf) = vrcp.f32 v5;
	_ =	sdelay $0x7  }
0x30a: {  	v4 =	vsub.f32 $1.000000000e+00, v4  }
0x30b: {  	v5 =	vpop (erf)  }
0x30c: {  	v4 =	vmul.f32 v5, v4;
	_ =	sdelay $0x1  }
0x30d: {  	v5 =	vsub.f32 $0.0e+00, v4  }
0x30e: {  	vm13 =	vlt.f32 v3, $0.0e+00  }
0x30f: {  	v3 =	vsel vm13, v5, v4  }
0x310: {  	v3 =	vmul.f32 $1.442695020e+00, v3;
	_ =	sdelay $0x1  }
0x311: {  	(erf) = vpow2.f32 v3;
	_ =	sdelay $0x5  }
0x312: {  	v3 =	vor.u32 $0x780, v1  }
0x313: {  	v4 =	vor.u32 $0x781, v1;
	_ =	sdelay $0x1  }
0x314: {  	v6 =	vor.u32 $0x782, v1;
	v5 =	vpop (erf)  }
0x315: {  	[tilespmem:$0xD1D0] =	vst v5  }
0x316: {  	v5 =	vor.u32 $0x783, v1;
	v3 =	vld.idx.msk [tilespmem:v3+s9+$0x0], $0xffff  }
0x317: {  	v4 =	vld.idx.msk [tilespmem:v4+s9+$0x0], $0xffff;
	_ =	sdelay $0x1  }
0x318: {  	v6 =	vld.idx.msk [tilespmem:v6+s9+$0x0], $0xffff;
	_ =	sdelay $0x1  }
0x319: {  	v5 =	vld.idx.msk [tilespmem:v5+s9+$0x0], $0xffff  }
0x31a: {  	v3 =	vadd.f32 v4, v3;
	_ =	sdelay $0x1  }
0x31b: {  	v3 =	vadd.f32 v6, v3;
	_ =	sdelay $0x1  }
0x31c: {  	v3 =	vadd.f32 v5, v3;
	_ =	sdelay $0x1  }
0x31d: {  	v4 =	vand.u32 $0x7FFFFFFF, v3  }
0x31e: {  	v4 =	vmul.f32 $-2.000000000e+00, v4;
	_ =	sdelay $0x1  }
0x31f: {  	v4 =	vmul.f32 $1.442695020e+00, v4;
	_ =	sdelay $0x1  }
0x320: {  	(erf) = vpow2.f32 v4;
	_ =	sdelay $0x8  }
0x321: {  	v4 =	vpop (erf)  }
0x322: {  	v5 =	vadd.f32 $1.000000000e+00, v4;
	_ =	sdelay $0x1  }
0x323: {  	(erf) = vrcp.f32 v5;
	_ =	sdelay $0x7  }
0x324: {  	v4 =	vsub.f32 $1.000000000e+00, v4  }
0x325: {  	v5 =	vpop (erf)  }
0x326: {  	v4 =	vmul.f32 v5, v4;
	_ =	sdelay $0x1  }
0x327: {  	v5 =	vsub.f32 $0.0e+00, v4  }
0x328: {  	vm14 =	vlt.f32 v3, $0.0e+00  }
0x329: {  	v3 =	vsel vm14, v5, v4  }
0x32a: {  	v3 =	vmul.f32 $1.442695020e+00, v3;
	_ =	sdelay $0x1  }
0x32b: {  	(erf) = vpow2.f32 v3;
	_ =	sdelay $0x5  }
0x32c: {  	v3 =	vor.u32 $0x7C0, v1  }
0x32d: {  	v4 =	vor.u32 $0x7C1, v1;
	_ =	sdelay $0x1  }
0x32e: {  	v6 =	vor.u32 $0x7C2, v1;
	v5 =	vpop (erf)  }
0x32f: {  	[tilespmem:$0xD1E0] =	vst v5  }
0x330: {  	v5 =	vor.u32 $0x7C3, v1;
	v3 =	vld.idx.msk [tilespmem:v3+s9+$0x0], $0xffff  }
0x331: {  	v4 =	vld.idx.msk [tilespmem:v4+s9+$0x0], $0xffff;
	_ =	sdelay $0x1  }
0x332: {  	v6 =	vld.idx.msk [tilespmem:v6+s9+$0x0], $0xffff;
	_ =	sdelay $0x1  }
0x333: {  	v5 =	vld.idx.msk [tilespmem:v5+s9+$0x0], $0xffff  }
0x334: {  	v3 =	vadd.f32 v4, v3;
	_ =	sdelay $0x1  }
0x335: {  	v3 =	vadd.f32 v6, v3;
	_ =	sdelay $0x1  }
0x336: {  	v3 =	vadd.f32 v5, v3;
	_ =	sdelay $0x1  }
0x337: {  	v4 =	vand.u32 $0x7FFFFFFF, v3  }
0x338: {  	v4 =	vmul.f32 $-2.000000000e+00, v4;
	_ =	sdelay $0x1  }
0x339: {  	v4 =	vmul.f32 $1.442695020e+00, v4;
	_ =	sdelay $0x1  }
0x33a: {  	(erf) = vpow2.f32 v4;
	_ =	sdelay $0x8  }
0x33b: {  	v4 =	vpop (erf)  }
0x33c: {  	v5 =	vadd.f32 $1.000000000e+00, v4;
	_ =	sdelay $0x1  }
0x33d: {  	(erf) = vrcp.f32 v5;
	_ =	sdelay $0x7  }
0x33e: {  	v4 =	vsub.f32 $1.000000000e+00, v4  }
0x33f: {  	v5 =	vpop (erf)  }
0x340: {  	v4 =	vmul.f32 v5, v4;
	_ =	sdelay $0x1  }
0x341: {  	v5 =	vsub.f32 $0.0e+00, v4  }
0x342: {  	vm15 =	vlt.f32 v3, $0.0e+00  }
0x343: {  	v3 =	vsel vm15, v5, v4  }
0x344: {  	v3 =	vmul.f32 $1.442695020e+00, v3;
	_ =	sdelay $0x1  }
0x345: {  	(erf) = vpow2.f32 v3;
	_ =	sdelay $0x8  }
0x346: {  	v3 =	vpop (erf)  }
0x347: {  	s14 =	simm.s32 $0x7;
	s15 =	simm.s32 $0x6600;
	v4 =	vimm.f32 $0.0e+00;
	[tilespmem:$0xD1F0] =	vst v3  }
.LBB2_2:
0x348: {  	v3 =	vmul.u32 $0xC8, v0  }
0x349: {  	s16 =	sadd.s32 $0xFFFFFFF9, s14  }
0x34a: {  	v5 =	vadd.s32 s16, v3;
	_ =	sdelay $0x4  }
0x34b: {  	v5 =	vld.idx.msk [tilespmem:v5+s2+$0x0], $0xffff;
	_ =	sdelay $0x7  }
0x34c: {  	s25 =	sadd.s32 $0xFFFFFFFA, s14;
	v5 =	vld.idx.msk [tilespmem:v5+s10+$0x0], $0xffff  }
0x34d: {  	v6 =	vadd.s32 s25, v3;
	_ =	sdelay $0x3  }
0x34e: {  	[tilespmem:s15+$0xFFFFFE00] =	vst v5  }
0x34f: {  	v6 =	vld.idx.msk [tilespmem:v6+s2+$0x0], $0xffff;
	_ =	sdelay $0x7  }
0x350: {  	s26 =	sadd.s32 $0xFFFFFFFB, s14;
	v6 =	vld.idx.msk [tilespmem:v6+s10+$0x0], $0xffff  }
0x351: {  	v7 =	vadd.s32 s26, v3;
	_ =	sdelay $0x3  }
0x352: {  	[tilespmem:s15+$0xFFFFFE80] =	vst v6  }
0x353: {  	v7 =	vld.idx.msk [tilespmem:v7+s2+$0x0], $0xffff;
	_ =	sdelay $0x7  }
0x354: {  	s28 =	sadd.s32 $0xFFFFFFFC, s14;
	v7 =	vld.idx.msk [tilespmem:v7+s10+$0x0], $0xffff  }
0x355: {  	v8 =	vadd.s32 s28, v3;
	_ =	sdelay $0x3  }
0x356: {  	[tilespmem:s15+$0xFFFFFF00] =	vst v7  }
0x357: {  	v8 =	vld.idx.msk [tilespmem:v8+s2+$0x0], $0xffff;
	_ =	sdelay $0x7  }
0x358: {  	s29 =	sadd.s32 $0xFFFFFFFD, s14;
	v8 =	vld.idx.msk [tilespmem:v8+s10+$0x0], $0xffff  }
0x359: {  	v9 =	vadd.s32 s29, v3;
	_ =	sdelay $0x3  }
0x35a: {  	[tilespmem:s15+$0xFFFFFF80] =	vst v8  }
0x35b: {  	v9 =	vld.idx.msk [tilespmem:v9+s2+$0x0], $0xffff;
	_ =	sdelay $0x7  }
0x35c: {  	s30 =	sadd.s32 $0xFFFFFFFE, s14;
	v9 =	vld.idx.msk [tilespmem:v9+s10+$0x0], $0xffff  }
0x35d: {  	v10 =	vadd.s32 s30, v3;
	_ =	sdelay $0x3  }
0x35e: {  	[tilespmem:s15+$0x0] =	vst v9  }
0x35f: {  	v10 =	vld.idx.msk [tilespmem:v10+s2+$0x0], $0xffff;
	_ =	sdelay $0x7  }
0x360: {  	s31 =	sadd.s32 $0xFFFFFFFF, s14;
	v10 =	vld.idx.msk [tilespmem:v10+s10+$0x0], $0xffff  }
0x361: {  	v11 =	vadd.s32 s31, v3;
	_ =	sdelay $0x3  }
0x362: {  	[tilespmem:s15+$0x80] =	vst v10  }
0x363: {  	v11 =	vld.idx.msk [tilespmem:v11+s2+$0x0], $0xffff;
	_ =	sdelay $0x7  }
0x364: {  	v11 =	vld.idx.msk [tilespmem:v11+s10+$0x0], $0xffff  }
0x365: {  	v12 =	vadd.s32 s14, v3;
	_ =	sdelay $0x3  }
0x366: {  	v4 =	vadd.f32 v5, v4;
	[tilespmem:s15+$0x100] =	vst v11  }
0x367: {  	v5 =	vld.idx.msk [tilespmem:v12+s2+$0x0], $0xffff  }
0x368: {  	v4 =	vadd.f32 v6, v4;
	_ =	sdelay $0x1  }
0x369: {  	v4 =	vadd.f32 v7, v4;
	_ =	sdelay $0x1  }
0x36a: {  	v4 =	vadd.f32 v8, v4;
	_ =	sdelay $0x1  }
0x36b: {  	v4 =	vadd.f32 v9, v4  }
0x36c: {  	p0 =	sne.s32 s14, $0xC7;
	v5 =	vld.idx.msk [tilespmem:v5+s10+$0x0], $0xffff  }
.Ltmp0:
0x36d: {  	v4 =	vadd.f32 v10, v4;
	(pc) =	sbr.rel @p0 .LBB2_2-.Ltmp0, $3  }
0x36e: {  	_ = 	snop  }
0x36f: {  	v4 =	vadd.f32 v11, v4;
	_ =	sdelay $0x1  }
0x370: {  	s14 =	sadd.s32 $0x8, s14;
	[tilespmem:s15+$0x180] =	vst v5;
	v4 =	vadd.f32 v5, v4;
	s15 =	sadd.s32 $0x400, s15  }
0x371: {  	_ = 	snop  }
0x372: {  	v4 =	vadd.f32 $1.000000010e-07, v4;
	_ =	sdelay $0x1  }
0x373: {  	(erf) = vrcp.f32 v4;
	_ =	sdelay $0x8  }
0x374: {  	v4 =	vpop (erf)  }
0x375: {  	s14 =	simm.s32 $0x7;
	s15 =	simm.s32 $0x6610;
	[tilespmem:$0xD200] =	vst v4;
	v4 =	vimm.f32 $0.0e+00  }
.LBB2_4:
0x376: {  	s16 =	sadd.s32 $0xFFFFFFF9, s14;
	v5 =	vadd.s32 $0xC80, v3  }
0x377: {  	v6 =	vadd.s32 s16, v5;
	_ =	sdelay $0x4  }
0x378: {  	v6 =	vld.idx.msk [tilespmem:v6+s2+$0x0], $0xffff;
	_ =	sdelay $0x7  }
0x379: {  	s25 =	sadd.s32 $0xFFFFFFFA, s14;
	v6 =	vld.idx.msk [tilespmem:v6+s10+$0x0], $0xffff  }
0x37a: {  	v7 =	vadd.s32 s25, v5;
	_ =	sdelay $0x3  }
0x37b: {  	[tilespmem:s15+$0xFFFFFE00] =	vst v6  }
0x37c: {  	v7 =	vld.idx.msk [tilespmem:v7+s2+$0x0], $0xffff;
	_ =	sdelay $0x7  }
0x37d: {  	s26 =	sadd.s32 $0xFFFFFFFB, s14;
	v7 =	vld.idx.msk [tilespmem:v7+s10+$0x0], $0xffff  }
0x37e: {  	v8 =	vadd.s32 s26, v5;
	_ =	sdelay $0x3  }
0x37f: {  	[tilespmem:s15+$0xFFFFFE80] =	vst v7  }
0x380: {  	v8 =	vld.idx.msk [tilespmem:v8+s2+$0x0], $0xffff;
	_ =	sdelay $0x7  }
0x381: {  	s28 =	sadd.s32 $0xFFFFFFFC, s14;
	v8 =	vld.idx.msk [tilespmem:v8+s10+$0x0], $0xffff  }
0x382: {  	v9 =	vadd.s32 s28, v5;
	_ =	sdelay $0x3  }
0x383: {  	[tilespmem:s15+$0xFFFFFF00] =	vst v8  }
0x384: {  	v9 =	vld.idx.msk [tilespmem:v9+s2+$0x0], $0xffff;
	_ =	sdelay $0x7  }
0x385: {  	s29 =	sadd.s32 $0xFFFFFFFD, s14;
	v9 =	vld.idx.msk [tilespmem:v9+s10+$0x0], $0xffff  }
0x386: {  	v10 =	vadd.s32 s29, v5;
	_ =	sdelay $0x3  }
0x387: {  	[tilespmem:s15+$0xFFFFFF80] =	vst v9  }
0x388: {  	v10 =	vld.idx.msk [tilespmem:v10+s2+$0x0], $0xffff;
	_ =	sdelay $0x7  }
0x389: {  	s30 =	sadd.s32 $0xFFFFFFFE, s14;
	v10 =	vld.idx.msk [tilespmem:v10+s10+$0x0], $0xffff  }
0x38a: {  	v11 =	vadd.s32 s30, v5;
	_ =	sdelay $0x3  }
0x38b: {  	[tilespmem:s15+$0x0] =	vst v10  }
0x38c: {  	v11 =	vld.idx.msk [tilespmem:v11+s2+$0x0], $0xffff;
	_ =	sdelay $0x7  }
0x38d: {  	s31 =	sadd.s32 $0xFFFFFFFF, s14;
	v11 =	vld.idx.msk [tilespmem:v11+s10+$0x0], $0xffff  }
0x38e: {  	v12 =	vadd.s32 s31, v5;
	_ =	sdelay $0x3  }
0x38f: {  	[tilespmem:s15+$0x80] =	vst v11  }
0x390: {  	v12 =	vld.idx.msk [tilespmem:v12+s2+$0x0], $0xffff;
	_ =	sdelay $0x7  }
0x391: {  	v12 =	vld.idx.msk [tilespmem:v12+s10+$0x0], $0xffff  }
0x392: {  	v5 =	vadd.s32 s14, v5;
	_ =	sdelay $0x3  }
0x393: {  	v4 =	vadd.f32 v6, v4;
	[tilespmem:s15+$0x100] =	vst v12  }
0x394: {  	v5 =	vld.idx.msk [tilespmem:v5+s2+$0x0], $0xffff  }
0x395: {  	v4 =	vadd.f32 v7, v4;
	_ =	sdelay $0x1  }
0x396: {  	v4 =	vadd.f32 v8, v4;
	_ =	sdelay $0x1  }
0x397: {  	v4 =	vadd.f32 v9, v4;
	_ =	sdelay $0x1  }
0x398: {  	v4 =	vadd.f32 v10, v4  }
0x399: {  	p0 =	sne.s32 s14, $0xC7;
	v5 =	vld.idx.msk [tilespmem:v5+s10+$0x0], $0xffff  }
.Ltmp1:
0x39a: {  	v4 =	vadd.f32 v11, v4;
	(pc) =	sbr.rel @p0 .LBB2_4-.Ltmp1, $3  }
0x39b: {  	_ = 	snop  }
0x39c: {  	v4 =	vadd.f32 v12, v4;
	_ =	sdelay $0x1  }
0x39d: {  	s14 =	sadd.s32 $0x8, s14;
	[tilespmem:s15+$0x180] =	vst v5;
	v4 =	vadd.f32 v5, v4;
	s15 =	sadd.s32 $0x400, s15  }
0x39e: {  	_ = 	snop  }
0x39f: {  	v4 =	vadd.f32 $1.000000010e-07, v4;
	_ =	sdelay $0x1  }
0x3a0: {  	(erf) = vrcp.f32 v4;
	_ =	sdelay $0x8  }
0x3a1: {  	v4 =	vpop (erf)  }
0x3a2: {  	s14 =	simm.s32 $0x7;
	s15 =	simm.s32 $0x6620;
	[tilespmem:$0xD210] =	vst v4;
	v4 =	vimm.f32 $0.0e+00  }
.LBB2_6:
0x3a3: {  	s16 =	sadd.s32 $0xFFFFFFF9, s14;
	v5 =	vadd.s32 $0x1900, v3  }
0x3a4: {  	v6 =	vadd.s32 s16, v5;
	_ =	sdelay $0x4  }
0x3a5: {  	v6 =	vld.idx.msk [tilespmem:v6+s2+$0x0], $0xffff;
	_ =	sdelay $0x7  }
0x3a6: {  	s25 =	sadd.s32 $0xFFFFFFFA, s14;
	v6 =	vld.idx.msk [tilespmem:v6+s10+$0x0], $0xffff  }
0x3a7: {  	v7 =	vadd.s32 s25, v5;
	_ =	sdelay $0x3  }
0x3a8: {  	[tilespmem:s15+$0xFFFFFE00] =	vst v6  }
0x3a9: {  	v7 =	vld.idx.msk [tilespmem:v7+s2+$0x0], $0xffff;
	_ =	sdelay $0x7  }
0x3aa: {  	s26 =	sadd.s32 $0xFFFFFFFB, s14;
	v7 =	vld.idx.msk [tilespmem:v7+s10+$0x0], $0xffff  }
0x3ab: {  	v8 =	vadd.s32 s26, v5;
	_ =	sdelay $0x3  }
0x3ac: {  	[tilespmem:s15+$0xFFFFFE80] =	vst v7  }
0x3ad: {  	v8 =	vld.idx.msk [tilespmem:v8+s2+$0x0], $0xffff;
	_ =	sdelay $0x7  }
0x3ae: {  	s28 =	sadd.s32 $0xFFFFFFFC, s14;
	v8 =	vld.idx.msk [tilespmem:v8+s10+$0x0], $0xffff  }
0x3af: {  	v9 =	vadd.s32 s28, v5;
	_ =	sdelay $0x3  }
0x3b0: {  	[tilespmem:s15+$0xFFFFFF00] =	vst v8  }
0x3b1: {  	v9 =	vld.idx.msk [tilespmem:v9+s2+$0x0], $0xffff;
	_ =	sdelay $0x7  }
0x3b2: {  	s29 =	sadd.s32 $0xFFFFFFFD, s14;
	v9 =	vld.idx.msk [tilespmem:v9+s10+$0x0], $0xffff  }
0x3b3: {  	v10 =	vadd.s32 s29, v5;
	_ =	sdelay $0x3  }
0x3b4: {  	[tilespmem:s15+$0xFFFFFF80] =	vst v9  }
0x3b5: {  	v10 =	vld.idx.msk [tilespmem:v10+s2+$0x0], $0xffff;
	_ =	sdelay $0x7  }
0x3b6: {  	s30 =	sadd.s32 $0xFFFFFFFE, s14;
	v10 =	vld.idx.msk [tilespmem:v10+s10+$0x0], $0xffff  }
0x3b7: {  	v11 =	vadd.s32 s30, v5;
	_ =	sdelay $0x3  }
0x3b8: {  	[tilespmem:s15+$0x0] =	vst v10  }
0x3b9: {  	v11 =	vld.idx.msk [tilespmem:v11+s2+$0x0], $0xffff;
	_ =	sdelay $0x7  }
0x3ba: {  	s31 =	sadd.s32 $0xFFFFFFFF, s14;
	v11 =	vld.idx.msk [tilespmem:v11+s10+$0x0], $0xffff  }
0x3bb: {  	v12 =	vadd.s32 s31, v5;
	_ =	sdelay $0x3  }
0x3bc: {  	[tilespmem:s15+$0x80] =	vst v11  }
0x3bd: {  	v12 =	vld.idx.msk [tilespmem:v12+s2+$0x0], $0xffff;
	_ =	sdelay $0x7  }
0x3be: {  	v12 =	vld.idx.msk [tilespmem:v12+s10+$0x0], $0xffff  }
0x3bf: {  	v5 =	vadd.s32 s14, v5;
	_ =	sdelay $0x3  }
0x3c0: {  	v4 =	vadd.f32 v6, v4;
	[tilespmem:s15+$0x100] =	vst v12  }
0x3c1: {  	v5 =	vld.idx.msk [tilespmem:v5+s2+$0x0], $0xffff  }
0x3c2: {  	v4 =	vadd.f32 v7, v4;
	_ =	sdelay $0x1  }
0x3c3: {  	v4 =	vadd.f32 v8, v4;
	_ =	sdelay $0x1  }
0x3c4: {  	v4 =	vadd.f32 v9, v4;
	_ =	sdelay $0x1  }
0x3c5: {  	v4 =	vadd.f32 v10, v4  }
0x3c6: {  	p0 =	sne.s32 s14, $0xC7;
	v5 =	vld.idx.msk [tilespmem:v5+s10+$0x0], $0xffff  }
.Ltmp2:
0x3c7: {  	v4 =	vadd.f32 v11, v4;
	(pc) =	sbr.rel @p0 .LBB2_6-.Ltmp2, $3  }
0x3c8: {  	_ = 	snop  }
0x3c9: {  	v4 =	vadd.f32 v12, v4;
	_ =	sdelay $0x1  }
0x3ca: {  	s14 =	sadd.s32 $0x8, s14;
	[tilespmem:s15+$0x180] =	vst v5;
	v4 =	vadd.f32 v5, v4;
	s15 =	sadd.s32 $0x400, s15  }
0x3cb: {  	_ = 	snop  }
0x3cc: {  	v4 =	vadd.f32 $1.000000010e-07, v4;
	_ =	sdelay $0x1  }
0x3cd: {  	(erf) = vrcp.f32 v4;
	_ =	sdelay $0x8  }
0x3ce: {  	v4 =	vpop (erf)  }
0x3cf: {  	s14 =	simm.s32 $0x7;
	s15 =	simm.s32 $0x6630;
	[tilespmem:$0xD220] =	vst v4;
	v4 =	vimm.f32 $0.0e+00  }
.LBB2_8:
0x3d0: {  	s16 =	sadd.s32 $0xFFFFFFF9, s14;
	v5 =	vadd.s32 $0x2580, v3  }
0x3d1: {  	v6 =	vadd.s32 s16, v5;
	_ =	sdelay $0x4  }
0x3d2: {  	v6 =	vld.idx.msk [tilespmem:v6+s2+$0x0], $0xffff;
	_ =	sdelay $0x7  }
0x3d3: {  	s25 =	sadd.s32 $0xFFFFFFFA, s14;
	v6 =	vld.idx.msk [tilespmem:v6+s10+$0x0], $0xffff  }
0x3d4: {  	v7 =	vadd.s32 s25, v5;
	_ =	sdelay $0x3  }
0x3d5: {  	[tilespmem:s15+$0xFFFFFE00] =	vst v6  }
0x3d6: {  	v7 =	vld.idx.msk [tilespmem:v7+s2+$0x0], $0xffff;
	_ =	sdelay $0x7  }
0x3d7: {  	s26 =	sadd.s32 $0xFFFFFFFB, s14;
	v7 =	vld.idx.msk [tilespmem:v7+s10+$0x0], $0xffff  }
0x3d8: {  	v8 =	vadd.s32 s26, v5;
	_ =	sdelay $0x3  }
0x3d9: {  	[tilespmem:s15+$0xFFFFFE80] =	vst v7  }
0x3da: {  	v8 =	vld.idx.msk [tilespmem:v8+s2+$0x0], $0xffff;
	_ =	sdelay $0x7  }
0x3db: {  	s28 =	sadd.s32 $0xFFFFFFFC, s14;
	v8 =	vld.idx.msk [tilespmem:v8+s10+$0x0], $0xffff  }
0x3dc: {  	v9 =	vadd.s32 s28, v5;
	_ =	sdelay $0x3  }
0x3dd: {  	[tilespmem:s15+$0xFFFFFF00] =	vst v8  }
0x3de: {  	v9 =	vld.idx.msk [tilespmem:v9+s2+$0x0], $0xffff;
	_ =	sdelay $0x7  }
0x3df: {  	s29 =	sadd.s32 $0xFFFFFFFD, s14;
	v9 =	vld.idx.msk [tilespmem:v9+s10+$0x0], $0xffff  }
0x3e0: {  	v10 =	vadd.s32 s29, v5;
	_ =	sdelay $0x3  }
0x3e1: {  	[tilespmem:s15+$0xFFFFFF80] =	vst v9  }
0x3e2: {  	v10 =	vld.idx.msk [tilespmem:v10+s2+$0x0], $0xffff;
	_ =	sdelay $0x7  }
0x3e3: {  	s30 =	sadd.s32 $0xFFFFFFFE, s14;
	v10 =	vld.idx.msk [tilespmem:v10+s10+$0x0], $0xffff  }
0x3e4: {  	v11 =	vadd.s32 s30, v5;
	_ =	sdelay $0x3  }
0x3e5: {  	[tilespmem:s15+$0x0] =	vst v10  }
0x3e6: {  	v11 =	vld.idx.msk [tilespmem:v11+s2+$0x0], $0xffff;
	_ =	sdelay $0x7  }
0x3e7: {  	s31 =	sadd.s32 $0xFFFFFFFF, s14;
	v11 =	vld.idx.msk [tilespmem:v11+s10+$0x0], $0xffff  }
0x3e8: {  	v12 =	vadd.s32 s31, v5;
	_ =	sdelay $0x3  }
0x3e9: {  	[tilespmem:s15+$0x80] =	vst v11  }
0x3ea: {  	v12 =	vld.idx.msk [tilespmem:v12+s2+$0x0], $0xffff;
	_ =	sdelay $0x7  }
0x3eb: {  	v12 =	vld.idx.msk [tilespmem:v12+s10+$0x0], $0xffff  }
0x3ec: {  	v5 =	vadd.s32 s14, v5;
	_ =	sdelay $0x3  }
0x3ed: {  	v4 =	vadd.f32 v6, v4;
	[tilespmem:s15+$0x100] =	vst v12  }
0x3ee: {  	v5 =	vld.idx.msk [tilespmem:v5+s2+$0x0], $0xffff  }
0x3ef: {  	v4 =	vadd.f32 v7, v4;
	_ =	sdelay $0x1  }
0x3f0: {  	v4 =	vadd.f32 v8, v4;
	_ =	sdelay $0x1  }
0x3f1: {  	v4 =	vadd.f32 v9, v4;
	_ =	sdelay $0x1  }
0x3f2: {  	v4 =	vadd.f32 v10, v4  }
0x3f3: {  	p0 =	sne.s32 s14, $0xC7;
	v5 =	vld.idx.msk [tilespmem:v5+s10+$0x0], $0xffff  }
.Ltmp3:
0x3f4: {  	v4 =	vadd.f32 v11, v4;
	(pc) =	sbr.rel @p0 .LBB2_8-.Ltmp3, $3  }
0x3f5: {  	_ = 	snop  }
0x3f6: {  	v4 =	vadd.f32 v12, v4;
	_ =	sdelay $0x1  }
0x3f7: {  	s14 =	sadd.s32 $0x8, s14;
	[tilespmem:s15+$0x180] =	vst v5;
	v4 =	vadd.f32 v5, v4;
	s15 =	sadd.s32 $0x400, s15  }
0x3f8: {  	_ = 	snop  }
0x3f9: {  	v4 =	vadd.f32 $1.000000010e-07, v4;
	_ =	sdelay $0x1  }
0x3fa: {  	(erf) = vrcp.f32 v4;
	_ =	sdelay $0x8  }
0x3fb: {  	v4 =	vpop (erf)  }
0x3fc: {  	s14 =	simm.s32 $0x7;
	s15 =	simm.s32 $0x6640;
	[tilespmem:$0xD230] =	vst v4;
	v4 =	vimm.f32 $0.0e+00  }
.LBB2_10:
0x3fd: {  	s16 =	sadd.s32 $0xFFFFFFF9, s14;
	v5 =	vadd.s32 $0x3200, v3  }
0x3fe: {  	v6 =	vadd.s32 s16, v5;
	_ =	sdelay $0x4  }
0x3ff: {  	v6 =	vld.idx.msk [tilespmem:v6+s2+$0x0], $0xffff;
	_ =	sdelay $0x7  }
0x400: {  	s25 =	sadd.s32 $0xFFFFFFFA, s14;
	v6 =	vld.idx.msk [tilespmem:v6+s10+$0x0], $0xffff  }
0x401: {  	v7 =	vadd.s32 s25, v5;
	_ =	sdelay $0x3  }
0x402: {  	[tilespmem:s15+$0xFFFFFE00] =	vst v6  }
0x403: {  	v7 =	vld.idx.msk [tilespmem:v7+s2+$0x0], $0xffff;
	_ =	sdelay $0x7  }
0x404: {  	s26 =	sadd.s32 $0xFFFFFFFB, s14;
	v7 =	vld.idx.msk [tilespmem:v7+s10+$0x0], $0xffff  }
0x405: {  	v8 =	vadd.s32 s26, v5;
	_ =	sdelay $0x3  }
0x406: {  	[tilespmem:s15+$0xFFFFFE80] =	vst v7  }
0x407: {  	v8 =	vld.idx.msk [tilespmem:v8+s2+$0x0], $0xffff;
	_ =	sdelay $0x7  }
0x408: {  	s28 =	sadd.s32 $0xFFFFFFFC, s14;
	v8 =	vld.idx.msk [tilespmem:v8+s10+$0x0], $0xffff  }
0x409: {  	v9 =	vadd.s32 s28, v5;
	_ =	sdelay $0x3  }
0x40a: {  	[tilespmem:s15+$0xFFFFFF00] =	vst v8  }
0x40b: {  	v9 =	vld.idx.msk [tilespmem:v9+s2+$0x0], $0xffff;
	_ =	sdelay $0x7  }
0x40c: {  	s29 =	sadd.s32 $0xFFFFFFFD, s14;
	v9 =	vld.idx.msk [tilespmem:v9+s10+$0x0], $0xffff  }
0x40d: {  	v10 =	vadd.s32 s29, v5;
	_ =	sdelay $0x3  }
0x40e: {  	[tilespmem:s15+$0xFFFFFF80] =	vst v9  }
0x40f: {  	v10 =	vld.idx.msk [tilespmem:v10+s2+$0x0], $0xffff;
	_ =	sdelay $0x7  }
0x410: {  	s30 =	sadd.s32 $0xFFFFFFFE, s14;
	v10 =	vld.idx.msk [tilespmem:v10+s10+$0x0], $0xffff  }
0x411: {  	v11 =	vadd.s32 s30, v5;
	_ =	sdelay $0x3  }
0x412: {  	[tilespmem:s15+$0x0] =	vst v10  }
0x413: {  	v11 =	vld.idx.msk [tilespmem:v11+s2+$0x0], $0xffff;
	_ =	sdelay $0x7  }
0x414: {  	s31 =	sadd.s32 $0xFFFFFFFF, s14;
	v11 =	vld.idx.msk [tilespmem:v11+s10+$0x0], $0xffff  }
0x415: {  	v12 =	vadd.s32 s31, v5;
	_ =	sdelay $0x3  }
0x416: {  	[tilespmem:s15+$0x80] =	vst v11  }
0x417: {  	v12 =	vld.idx.msk [tilespmem:v12+s2+$0x0], $0xffff;
	_ =	sdelay $0x7  }
0x418: {  	v12 =	vld.idx.msk [tilespmem:v12+s10+$0x0], $0xffff  }
0x419: {  	v5 =	vadd.s32 s14, v5;
	_ =	sdelay $0x3  }
0x41a: {  	v4 =	vadd.f32 v6, v4;
	[tilespmem:s15+$0x100] =	vst v12  }
0x41b: {  	v5 =	vld.idx.msk [tilespmem:v5+s2+$0x0], $0xffff  }
0x41c: {  	v4 =	vadd.f32 v7, v4;
	_ =	sdelay $0x1  }
0x41d: {  	v4 =	vadd.f32 v8, v4;
	_ =	sdelay $0x1  }
0x41e: {  	v4 =	vadd.f32 v9, v4;
	_ =	sdelay $0x1  }
0x41f: {  	v4 =	vadd.f32 v10, v4  }
0x420: {  	p0 =	sne.s32 s14, $0xC7;
	v5 =	vld.idx.msk [tilespmem:v5+s10+$0x0], $0xffff  }
.Ltmp4:
0x421: {  	v4 =	vadd.f32 v11, v4;
	(pc) =	sbr.rel @p0 .LBB2_10-.Ltmp4, $3  }
0x422: {  	_ = 	snop  }
0x423: {  	v4 =	vadd.f32 v12, v4;
	_ =	sdelay $0x1  }
0x424: {  	s14 =	sadd.s32 $0x8, s14;
	[tilespmem:s15+$0x180] =	vst v5;
	v4 =	vadd.f32 v5, v4;
	s15 =	sadd.s32 $0x400, s15  }
0x425: {  	_ = 	snop  }
0x426: {  	v4 =	vadd.f32 $1.000000010e-07, v4;
	_ =	sdelay $0x1  }
0x427: {  	(erf) = vrcp.f32 v4;
	_ =	sdelay $0x8  }
0x428: {  	v4 =	vpop (erf)  }
0x429: {  	s14 =	simm.s32 $0x7;
	s15 =	simm.s32 $0x6650;
	[tilespmem:$0xD240] =	vst v4;
	v4 =	vimm.f32 $0.0e+00  }
.LBB2_12:
0x42a: {  	s16 =	sadd.s32 $0xFFFFFFF9, s14;
	v5 =	vadd.s32 $0x3E80, v3  }
0x42b: {  	v6 =	vadd.s32 s16, v5;
	_ =	sdelay $0x4  }
0x42c: {  	v6 =	vld.idx.msk [tilespmem:v6+s2+$0x0], $0xffff;
	_ =	sdelay $0x7  }
0x42d: {  	s25 =	sadd.s32 $0xFFFFFFFA, s14;
	v6 =	vld.idx.msk [tilespmem:v6+s10+$0x0], $0xffff  }
0x42e: {  	v7 =	vadd.s32 s25, v5;
	_ =	sdelay $0x3  }
0x42f: {  	[tilespmem:s15+$0xFFFFFE00] =	vst v6  }
0x430: {  	v7 =	vld.idx.msk [tilespmem:v7+s2+$0x0], $0xffff;
	_ =	sdelay $0x7  }
0x431: {  	s26 =	sadd.s32 $0xFFFFFFFB, s14;
	v7 =	vld.idx.msk [tilespmem:v7+s10+$0x0], $0xffff  }
0x432: {  	v8 =	vadd.s32 s26, v5;
	_ =	sdelay $0x3  }
0x433: {  	[tilespmem:s15+$0xFFFFFE80] =	vst v7  }
0x434: {  	v8 =	vld.idx.msk [tilespmem:v8+s2+$0x0], $0xffff;
	_ =	sdelay $0x7  }
0x435: {  	s28 =	sadd.s32 $0xFFFFFFFC, s14;
	v8 =	vld.idx.msk [tilespmem:v8+s10+$0x0], $0xffff  }
0x436: {  	v9 =	vadd.s32 s28, v5;
	_ =	sdelay $0x3  }
0x437: {  	[tilespmem:s15+$0xFFFFFF00] =	vst v8  }
0x438: {  	v9 =	vld.idx.msk [tilespmem:v9+s2+$0x0], $0xffff;
	_ =	sdelay $0x7  }
0x439: {  	s29 =	sadd.s32 $0xFFFFFFFD, s14;
	v9 =	vld.idx.msk [tilespmem:v9+s10+$0x0], $0xffff  }
0x43a: {  	v10 =	vadd.s32 s29, v5;
	_ =	sdelay $0x3  }
0x43b: {  	[tilespmem:s15+$0xFFFFFF80] =	vst v9  }
0x43c: {  	v10 =	vld.idx.msk [tilespmem:v10+s2+$0x0], $0xffff;
	_ =	sdelay $0x7  }
0x43d: {  	s30 =	sadd.s32 $0xFFFFFFFE, s14;
	v10 =	vld.idx.msk [tilespmem:v10+s10+$0x0], $0xffff  }
0x43e: {  	v11 =	vadd.s32 s30, v5;
	_ =	sdelay $0x3  }
0x43f: {  	[tilespmem:s15+$0x0] =	vst v10  }
0x440: {  	v11 =	vld.idx.msk [tilespmem:v11+s2+$0x0], $0xffff;
	_ =	sdelay $0x7  }
0x441: {  	s31 =	sadd.s32 $0xFFFFFFFF, s14;
	v11 =	vld.idx.msk [tilespmem:v11+s10+$0x0], $0xffff  }
0x442: {  	v12 =	vadd.s32 s31, v5;
	_ =	sdelay $0x3  }
0x443: {  	[tilespmem:s15+$0x80] =	vst v11  }
0x444: {  	v12 =	vld.idx.msk [tilespmem:v12+s2+$0x0], $0xffff;
	_ =	sdelay $0x7  }
0x445: {  	v12 =	vld.idx.msk [tilespmem:v12+s10+$0x0], $0xffff  }
0x446: {  	v5 =	vadd.s32 s14, v5;
	_ =	sdelay $0x3  }
0x447: {  	v4 =	vadd.f32 v6, v4;
	[tilespmem:s15+$0x100] =	vst v12  }
0x448: {  	v5 =	vld.idx.msk [tilespmem:v5+s2+$0x0], $0xffff  }
0x449: {  	v4 =	vadd.f32 v7, v4;
	_ =	sdelay $0x1  }
0x44a: {  	v4 =	vadd.f32 v8, v4;
	_ =	sdelay $0x1  }
0x44b: {  	v4 =	vadd.f32 v9, v4;
	_ =	sdelay $0x1  }
0x44c: {  	v4 =	vadd.f32 v10, v4  }
0x44d: {  	p0 =	sne.s32 s14, $0xC7;
	v5 =	vld.idx.msk [tilespmem:v5+s10+$0x0], $0xffff  }
.Ltmp5:
0x44e: {  	v4 =	vadd.f32 v11, v4;
	(pc) =	sbr.rel @p0 .LBB2_12-.Ltmp5, $3  }
0x44f: {  	_ = 	snop  }
0x450: {  	v4 =	vadd.f32 v12, v4;
	_ =	sdelay $0x1  }
0x451: {  	s14 =	sadd.s32 $0x8, s14;
	[tilespmem:s15+$0x180] =	vst v5;
	v4 =	vadd.f32 v5, v4;
	s15 =	sadd.s32 $0x400, s15  }
0x452: {  	_ = 	snop  }
0x453: {  	v4 =	vadd.f32 $1.000000010e-07, v4;
	_ =	sdelay $0x1  }
0x454: {  	(erf) = vrcp.f32 v4;
	_ =	sdelay $0x8  }
0x455: {  	v4 =	vpop (erf)  }
0x456: {  	s14 =	simm.s32 $0x7;
	s15 =	simm.s32 $0x6660;
	[tilespmem:$0xD250] =	vst v4;
	v4 =	vimm.f32 $0.0e+00  }
.LBB2_14:
0x457: {  	s16 =	sadd.s32 $0xFFFFFFF9, s14;
	v5 =	vadd.s32 $0x4B00, v3  }
0x458: {  	v6 =	vadd.s32 s16, v5;
	_ =	sdelay $0x4  }
0x459: {  	v6 =	vld.idx.msk [tilespmem:v6+s2+$0x0], $0xffff;
	_ =	sdelay $0x7  }
0x45a: {  	s25 =	sadd.s32 $0xFFFFFFFA, s14;
	v6 =	vld.idx.msk [tilespmem:v6+s10+$0x0], $0xffff  }
0x45b: {  	v7 =	vadd.s32 s25, v5;
	_ =	sdelay $0x3  }
0x45c: {  	[tilespmem:s15+$0xFFFFFE00] =	vst v6  }
0x45d: {  	v7 =	vld.idx.msk [tilespmem:v7+s2+$0x0], $0xffff;
	_ =	sdelay $0x7  }
0x45e: {  	s26 =	sadd.s32 $0xFFFFFFFB, s14;
	v7 =	vld.idx.msk [tilespmem:v7+s10+$0x0], $0xffff  }
0x45f: {  	v8 =	vadd.s32 s26, v5;
	_ =	sdelay $0x3  }
0x460: {  	[tilespmem:s15+$0xFFFFFE80] =	vst v7  }
0x461: {  	v8 =	vld.idx.msk [tilespmem:v8+s2+$0x0], $0xffff;
	_ =	sdelay $0x7  }
0x462: {  	s28 =	sadd.s32 $0xFFFFFFFC, s14;
	v8 =	vld.idx.msk [tilespmem:v8+s10+$0x0], $0xffff  }
0x463: {  	v9 =	vadd.s32 s28, v5;
	_ =	sdelay $0x3  }
0x464: {  	[tilespmem:s15+$0xFFFFFF00] =	vst v8  }
0x465: {  	v9 =	vld.idx.msk [tilespmem:v9+s2+$0x0], $0xffff;
	_ =	sdelay $0x7  }
0x466: {  	s29 =	sadd.s32 $0xFFFFFFFD, s14;
	v9 =	vld.idx.msk [tilespmem:v9+s10+$0x0], $0xffff  }
0x467: {  	v10 =	vadd.s32 s29, v5;
	_ =	sdelay $0x3  }
0x468: {  	[tilespmem:s15+$0xFFFFFF80] =	vst v9  }
0x469: {  	v10 =	vld.idx.msk [tilespmem:v10+s2+$0x0], $0xffff;
	_ =	sdelay $0x7  }
0x46a: {  	s30 =	sadd.s32 $0xFFFFFFFE, s14;
	v10 =	vld.idx.msk [tilespmem:v10+s10+$0x0], $0xffff  }
0x46b: {  	v11 =	vadd.s32 s30, v5;
	_ =	sdelay $0x3  }
0x46c: {  	[tilespmem:s15+$0x0] =	vst v10  }
0x46d: {  	v11 =	vld.idx.msk [tilespmem:v11+s2+$0x0], $0xffff;
	_ =	sdelay $0x7  }
0x46e: {  	s31 =	sadd.s32 $0xFFFFFFFF, s14;
	v11 =	vld.idx.msk [tilespmem:v11+s10+$0x0], $0xffff  }
0x46f: {  	v12 =	vadd.s32 s31, v5;
	_ =	sdelay $0x3  }
0x470: {  	[tilespmem:s15+$0x80] =	vst v11  }
0x471: {  	v12 =	vld.idx.msk [tilespmem:v12+s2+$0x0], $0xffff;
	_ =	sdelay $0x7  }
0x472: {  	v12 =	vld.idx.msk [tilespmem:v12+s10+$0x0], $0xffff  }
0x473: {  	v5 =	vadd.s32 s14, v5;
	_ =	sdelay $0x3  }
0x474: {  	v4 =	vadd.f32 v6, v4;
	[tilespmem:s15+$0x100] =	vst v12  }
0x475: {  	v5 =	vld.idx.msk [tilespmem:v5+s2+$0x0], $0xffff  }
0x476: {  	v4 =	vadd.f32 v7, v4;
	_ =	sdelay $0x1  }
0x477: {  	v4 =	vadd.f32 v8, v4;
	_ =	sdelay $0x1  }
0x478: {  	v4 =	vadd.f32 v9, v4;
	_ =	sdelay $0x1  }
0x479: {  	v4 =	vadd.f32 v10, v4  }
0x47a: {  	p0 =	sne.s32 s14, $0xC7;
	v5 =	vld.idx.msk [tilespmem:v5+s10+$0x0], $0xffff  }
.Ltmp6:
0x47b: {  	v4 =	vadd.f32 v11, v4;
	(pc) =	sbr.rel @p0 .LBB2_14-.Ltmp6, $3  }
0x47c: {  	_ = 	snop  }
0x47d: {  	v4 =	vadd.f32 v12, v4;
	_ =	sdelay $0x1  }
0x47e: {  	s14 =	sadd.s32 $0x8, s14;
	[tilespmem:s15+$0x180] =	vst v5;
	v4 =	vadd.f32 v5, v4;
	s15 =	sadd.s32 $0x400, s15  }
0x47f: {  	_ = 	snop  }
0x480: {  	v4 =	vadd.f32 $1.000000010e-07, v4;
	_ =	sdelay $0x1  }
0x481: {  	(erf) = vrcp.f32 v4;
	_ =	sdelay $0x8  }
0x482: {  	v4 =	vpop (erf)  }
0x483: {  	s14 =	simm.s32 $0x7;
	s15 =	simm.s32 $0x6670;
	[tilespmem:$0xD260] =	vst v4;
	v4 =	vimm.f32 $0.0e+00  }
.LBB2_16:
0x484: {  	s16 =	sadd.s32 $0xFFFFFFF9, s14;
	v5 =	vadd.s32 $0x5780, v3  }
0x485: {  	v6 =	vadd.s32 s16, v5;
	_ =	sdelay $0x4  }
0x486: {  	v6 =	vld.idx.msk [tilespmem:v6+s2+$0x0], $0xffff;
	_ =	sdelay $0x7  }
0x487: {  	s25 =	sadd.s32 $0xFFFFFFFA, s14;
	v6 =	vld.idx.msk [tilespmem:v6+s10+$0x0], $0xffff  }
0x488: {  	v7 =	vadd.s32 s25, v5;
	_ =	sdelay $0x3  }
0x489: {  	[tilespmem:s15+$0xFFFFFE00] =	vst v6  }
0x48a: {  	v7 =	vld.idx.msk [tilespmem:v7+s2+$0x0], $0xffff;
	_ =	sdelay $0x7  }
0x48b: {  	s26 =	sadd.s32 $0xFFFFFFFB, s14;
	v7 =	vld.idx.msk [tilespmem:v7+s10+$0x0], $0xffff  }
0x48c: {  	v8 =	vadd.s32 s26, v5;
	_ =	sdelay $0x3  }
0x48d: {  	[tilespmem:s15+$0xFFFFFE80] =	vst v7  }
0x48e: {  	v8 =	vld.idx.msk [tilespmem:v8+s2+$0x0], $0xffff;
	_ =	sdelay $0x7  }
0x48f: {  	s28 =	sadd.s32 $0xFFFFFFFC, s14;
	v8 =	vld.idx.msk [tilespmem:v8+s10+$0x0], $0xffff  }
0x490: {  	v9 =	vadd.s32 s28, v5;
	_ =	sdelay $0x3  }
0x491: {  	[tilespmem:s15+$0xFFFFFF00] =	vst v8  }
0x492: {  	v9 =	vld.idx.msk [tilespmem:v9+s2+$0x0], $0xffff;
	_ =	sdelay $0x7  }
0x493: {  	s29 =	sadd.s32 $0xFFFFFFFD, s14;
	v9 =	vld.idx.msk [tilespmem:v9+s10+$0x0], $0xffff  }
0x494: {  	v10 =	vadd.s32 s29, v5;
	_ =	sdelay $0x3  }
0x495: {  	[tilespmem:s15+$0xFFFFFF80] =	vst v9  }
0x496: {  	v10 =	vld.idx.msk [tilespmem:v10+s2+$0x0], $0xffff;
	_ =	sdelay $0x7  }
0x497: {  	s30 =	sadd.s32 $0xFFFFFFFE, s14;
	v10 =	vld.idx.msk [tilespmem:v10+s10+$0x0], $0xffff  }
0x498: {  	v11 =	vadd.s32 s30, v5;
	_ =	sdelay $0x3  }
0x499: {  	[tilespmem:s15+$0x0] =	vst v10  }
0x49a: {  	v11 =	vld.idx.msk [tilespmem:v11+s2+$0x0], $0xffff;
	_ =	sdelay $0x7  }
0x49b: {  	s31 =	sadd.s32 $0xFFFFFFFF, s14;
	v11 =	vld.idx.msk [tilespmem:v11+s10+$0x0], $0xffff  }
0x49c: {  	v12 =	vadd.s32 s31, v5;
	_ =	sdelay $0x3  }
0x49d: {  	[tilespmem:s15+$0x80] =	vst v11  }
0x49e: {  	v12 =	vld.idx.msk [tilespmem:v12+s2+$0x0], $0xffff;
	_ =	sdelay $0x7  }
0x49f: {  	v12 =	vld.idx.msk [tilespmem:v12+s10+$0x0], $0xffff  }
0x4a0: {  	v5 =	vadd.s32 s14, v5;
	_ =	sdelay $0x3  }
0x4a1: {  	v4 =	vadd.f32 v6, v4;
	[tilespmem:s15+$0x100] =	vst v12  }
0x4a2: {  	v5 =	vld.idx.msk [tilespmem:v5+s2+$0x0], $0xffff  }
0x4a3: {  	v4 =	vadd.f32 v7, v4;
	_ =	sdelay $0x1  }
0x4a4: {  	v4 =	vadd.f32 v8, v4;
	_ =	sdelay $0x1  }
0x4a5: {  	v4 =	vadd.f32 v9, v4;
	_ =	sdelay $0x1  }
0x4a6: {  	v4 =	vadd.f32 v10, v4  }
0x4a7: {  	p0 =	sne.s32 s14, $0xC7;
	v5 =	vld.idx.msk [tilespmem:v5+s10+$0x0], $0xffff  }
.Ltmp7:
0x4a8: {  	v4 =	vadd.f32 v11, v4;
	(pc) =	sbr.rel @p0 .LBB2_16-.Ltmp7, $3  }
0x4a9: {  	_ = 	snop  }
0x4aa: {  	v4 =	vadd.f32 v12, v4;
	_ =	sdelay $0x1  }
0x4ab: {  	s14 =	sadd.s32 $0x8, s14;
	[tilespmem:s15+$0x180] =	vst v5;
	v4 =	vadd.f32 v5, v4;
	s15 =	sadd.s32 $0x400, s15  }
0x4ac: {  	_ = 	snop  }
0x4ad: {  	v3 =	vadd.f32 $1.000000010e-07, v4;
	_ =	sdelay $0x1  }
0x4ae: {  	(erf) = vrcp.f32 v3;
	_ =	sdelay $0x8  }
0x4af: {  	v3 =	vpop (erf)  }
0x4b0: {  	[tilespmem:$0xD270] =	vst v3  }
0x4b1: {  	[hbm4b:s5+s2] =	stream.linear.scatter [tilespmem:s11], [sflag:$0x1], $0x6400, $0x38;
	[tilespmem:$0xD280] =	vst v63  }
0x4b2: {  	s13 =	sadd.s32 $0x1, s13;
	_ =	swait.ge [sflag:s8], $0x6400  }
0x4b3: {  	p0 =	sne.s32 s13, s7;
	[sflag:s8] =	ssyncset.done $0x0  }
.Ltmp8:
0x4b4: {  	[sflag:s8] =	ssyncadd.s32 $0xFFFF9C00;
	(pc) =	sbr.rel @p0 .LBB2_1-.Ltmp8, $4  }
0x4b5: {  	[hbm4b:s6+s2] =	stream.linear.scatter [tilespmem:s12], [sflag:$0x1], $0x80, $0x38;
	[tilespmem:$0xD280] =	vst v63  }
0x4b6: {  	_ =	swait.ge [sflag:s8], $0x80  }
0x4b7: {  	[sflag:s8] =	ssyncset.done $0x0  }
0x4b8: {  	[sflag:s8] =	ssyncadd.s32 $0xFFFFFF80  }
0x4b9: {  	_ =	sfence.sel $0x180000  }
0x4ba: {  	[bflag:$0x0] =	sbarrier.arrive $0xFFFF  }
0x4bb: {  	p0 =	sne.s32 s0, $0x0;
	_ =	strace $0x90000047  }
0x4bc: {  	s0 =	sadd.s32 @!p0 $0x100000, s1;
	[bflag:$0x2] =	sbarrier.arrive $0xFFFF  }
0x4bd: {  	[sflag:s0] =	ssyncadd.tile.s32 @!p0 $0x1;
	_ =	shalt  }
.Lfunc_end2:
_tile_overlayer_lowered:
.L_overlay_start_2:
0x4be: {  	(tag) =	ssettag $0x2  }
0x4bf: {  	s0 =	rddreg [dreg:$0x0];
	s2 =	stileid.u32  }
0x4c0: {  	s1 =	rddreg [dreg:$0x1];
	p0 =	sne.s32 s2, $0x0  }
0x4c1: {  	s3 =	rddreg [dreg:$0x2];
	[bflag:$0x3] =	sbarrier.arrive $0xFFFF;
	s2 =	simm.s32 @!p0 $0x1C01  }
0x4c2: {  	[timem:s3], [sflag:s2] =	dma.local @!p0 [hbm:s0], s1  }
0x4c3: {  	s0 =	simm.s32 @!p0 $0x1  }
0x4c4: {  	_ =	swait.ge @!p0 [sflag:s0], s1  }
0x4c5: {  	s1 =	ssub.s32 @!p0 $0x0, s1;
	[sflag:s0] =	ssyncset.done @!p0 $0x0  }
0x4c6: {  	[sflag:s0] =	ssyncadd.s32 @!p0 s1  }
0x4c7: {  	[bflag:$0x3] =	sbarrier.arrive $0xFFFF  }
0x4c8: {  	_ =	shalt  }

</sc_bundles>
